<compile_context>
chip_gen: v7x
topology: tpu7x:2x2x1
jax: 0.10.2.dev20260603
libtpu: 0.0.44.dev20260713+nightly
codegen_flags: <defaults>
</compile_context>

<pallas_src>
import functools

import jax
import jax.numpy as jnp
from jax.experimental import pallas as pl

_WINDOW = 4
_IDX_VR = 6
_ASSOC_TOPK = 5
_ASSOC_TAU = 0.5
_GATE_LIDAR = 0.15
_GATE_RADAR = 0.3
_RADAR_LOSS_WEIGHT = 5.0
_REG_LAMBDA = 1e-3


def _se2_apply(p, pts):
    x, y, th = p[0], p[1], p[2]
    c, s = jnp.cos(th), jnp.sin(th)
    R = jnp.stack([jnp.stack([c, -s]), jnp.stack([s, c])])
    return pts @ R.T + jnp.stack([x, y])


def _se2_inv(p):
    x, y, th = p[0], p[1], p[2]
    c, s = jnp.cos(th), jnp.sin(th)
    return jnp.stack([-(c * x + s * y), -(-s * x + c * y), -th])


def _loss_block_kernel(nb, lmu_ref, lls_ref, rxy_ref, r1m_ref, r1s_ref,
                       r2m_ref, r2s_ref, fid_ref, bid_ref, sid_ref,
                       gx_refs_ref, gy_refs_ref, kvr_ref, kbid_ref,
                       ksid_ref, out_ref):
    f32 = jnp.float32
    nk = kvr_ref.shape[1]
    tau_sq = max(_ASSOC_TAU ** 2, 1e-6)
    t_idx = _WINDOW - 1

    lmu = lmu_ref[...]
    lls = lls_ref[...]
    rxy = rxy_ref[...]
    fid = fid_ref[...]
    bid = bid_ref[...]
    sid = sid_ref[...]
    kvr = kvr_ref[...]
    kbid = kbid_ref[...]
    ksid = ksid_ref[...]
    gxs = [gx_refs_ref[b:b + 1, :] for b in range(nb)]
    gys = [gy_refs_ref[b:b + 1, :] for b in range(nb)]

    def r8(x):
        p = x * 65537.0
        return p - (p - x)

    b0 = bid == 0
    b2s = [gxs[b] * gxs[b] + gys[b] * gys[b] for b in range(nb)]
    gxh = [r8(g) for g in gxs]
    gyh = [r8(g) for g in gys]
    if nb == 2:
        gxh_sel = jnp.where(b0, gxh[0], gxh[1])
        gyh_sel = jnp.where(b0, gyh[0], gyh[1])
        b2_sel = jnp.where(b0, b2s[0], b2s[1])

        def gxy_sel():
            return (jnp.where(b0, gxs[0], gxs[1]),
                    jnp.where(b0, gys[0], gys[1]))
    else:
        gxh_sel = jnp.broadcast_to(gxh[0], (lmu.shape[0], nk))
        gyh_sel = jnp.broadcast_to(gyh[0], (lmu.shape[0], nk))
        b2_sel = jnp.broadcast_to(b2s[0], (lmu.shape[0], nk))

        def gxy_sel():
            return (jnp.broadcast_to(gxs[0], (lmu.shape[0], nk)),
                    jnp.broadcast_to(gys[0], (lmu.shape[0], nk)))

    is_lidar = sid == 0
    is_t = fid == t_idx
    nout = 6 * nb + 3

    reg_parts = [jnp.sum(lls * lls), jnp.sum(r1s_ref[...] ** 2),
                 jnp.sum(r2s_ref[...] ** 2)]
    out_ref[...] = jnp.concatenate(
        [jnp.zeros((6 * nb,), f32), jnp.stack(reg_parts)]).reshape(1, 1, nout)

    @pl.when(jnp.any(is_t))
    def _live():
        qx = jnp.where(is_lidar, lmu[:, 0:1], rxy[:, 0:1])
        qy = jnp.where(is_lidar, lmu[:, 1:2], rxy[:, 1:2])

        a2 = qx * qx + qy * qy
        ab = r8(qx) * gxh_sel + r8(qy) * gyh_sel
        sq = jnp.maximum(a2 + b2_sel - 2.0 * ab, 0.0)
        d = jnp.sqrt(sq)

        col_ok = (kbid == bid) & (ksid == sid)
        inf = jnp.float32(jnp.inf)
        running = jnp.where(col_ok, d, inf)

        iota = jax.lax.broadcasted_iota(jnp.int32, (1, nk), 1)
        m0 = jnp.min(running, axis=1, keepdims=True)
        hit0 = running == m0
        idx0 = jnp.min(jnp.where(hit0, iota, nk), axis=1, keepdims=True)
        one0 = iota == idx0
        vr0 = jnp.sum(jnp.where(one0, kvr, 0.0), axis=1, keepdims=True)

        s1 = sid == 1
        rmu = jnp.where(s1, r1m_ref[...], r2m_ref[...])
        rls = jnp.where(s1, r1s_ref[...], r2s_ref[...])
        rvar = jnp.exp(2.0 * rls)
        nll_r = 0.5 * (2.0 * rls + (vr0 - rmu) ** 2 / (rvar + 1e-12))
        v_r = (m0 <= _GATE_RADAR) & is_t

        parts = []
        for b in range(nb):
            bm = bid == b
            parts.append(jnp.asarray(0.0, f32))
            parts.append(jnp.asarray(0.0, f32))
            for s in (1, 2):
                vrb = v_r & bm & (sid == s)
                parts.append(jnp.sum(jnp.where(vrb, nll_r, 0.0)))
                parts.append(jnp.sum(vrb.astype(f32)))
        out_ref[...] = jnp.concatenate(
            [jnp.stack(parts), jnp.stack(reg_parts)]).reshape(1, 1, nout)

        @pl.when(jnp.any(is_lidar & is_t))
        def _lidar():
            gx_sel, gy_sel = gxy_sel()
            ms = [m0]
            gxk = [jnp.sum(jnp.where(one0, gx_sel, 0.0), axis=1, keepdims=True)]
            gyk = [jnp.sum(jnp.where(one0, gy_sel, 0.0), axis=1, keepdims=True)]
            run = jnp.where(one0, inf, running)
            for k in range(1, _ASSOC_TOPK):
                m = jnp.min(run, axis=1, keepdims=True)
                hit = run == m
                idx = jnp.min(jnp.where(hit, iota, nk), axis=1, keepdims=True)
                one = iota == idx
                gxk.append(jnp.sum(jnp.where(one, gx_sel, 0.0), axis=1,
                                   keepdims=True))
                gyk.append(jnp.sum(jnp.where(one, gy_sel, 0.0), axis=1,
                                   keepdims=True))
                ms.append(m)
                if k + 1 < _ASSOC_TOPK:
                    run = jnp.where(one, inf, run)

            z = [-(m * m) / tau_sq for m in ms]
            z0 = z[0]
            es = [jnp.exp(zk - z0) for zk in z]
            denom = ((es[0] + es[1]) + es[2]) + (es[3] + es[4])
            ex = jnp.zeros_like(z0)
            ey = jnp.zeros_like(z0)
            for k in range(_ASSOC_TOPK):
                w = es[k] / denom
                ex = ex + w * gxk[k]
                ey = ey + w * gyk[k]

            var0 = jnp.exp(2.0 * lls[:, 0:1])
            var1 = jnp.exp(2.0 * lls[:, 1:2])
            nll_l = 0.5 * (
                (2.0 * lls[:, 0:1] + (ex - lmu[:, 0:1]) ** 2 / (var0 + 1e-12))
                + (2.0 * lls[:, 1:2] + (ey - lmu[:, 1:2]) ** 2 / (var1 + 1e-12)))
            v_l = (m0 <= _GATE_LIDAR) & is_lidar & is_t

            parts_l = list(parts)
            for b in range(nb):
                bm = bid == b
                vlb = v_l & bm
                parts_l[6 * b] = jnp.sum(jnp.where(vlb, nll_l, 0.0))
                parts_l[6 * b + 1] = jnp.sum(vlb.astype(f32))
            out_ref[...] = jnp.concatenate(
                [jnp.stack(parts_l), jnp.stack(reg_parts)]).reshape(1, 1, nout)


def kernel(lidar_mu, lidar_log_sigma, r1_mu, r1_log_sigma, r2_mu,
           r2_log_sigma, x_t, x_tp1, pose_by_frame, frame_id_t, batch_id_t,
           sensor_id_t, batch_id_tp1, sensor_id_tp1):
    n_t = lidar_mu.shape[0]
    nk = x_tp1.shape[0]
    nb = pose_by_frame.shape[0]
    t_idx = _WINDOW - 1

    blk = 64
    while n_t % blk:
        blk //= 2
    grid = n_t // blk
    nout = 6 * nb + 3

    f32 = jnp.float32
    i32 = jnp.int32
    fid0 = frame_id_t.astype(i32)
    sid0 = sensor_id_t.astype(i32)
    cls = jnp.where(fid0 != _WINDOW - 1, 2, jnp.where(sid0 == 0, 0, 1))
    perm = jnp.argsort(cls, stable=True)
    rxy = x_t[perm, :2].astype(f32)
    kvr = x_tp1[:, _IDX_VR].reshape(1, nk).astype(f32)
    fid = fid0[perm].reshape(n_t, 1)
    bidt = batch_id_t.astype(i32)[perm].reshape(n_t, 1)
    sidt = sid0[perm].reshape(n_t, 1)
    kbid = batch_id_tp1.reshape(1, nk).astype(i32)
    ksid = sensor_id_tp1.reshape(1, nk).astype(i32)
    lidar_mu = lidar_mu[perm]
    lidar_log_sigma = lidar_log_sigma[perm]
    r1_mu = r1_mu[perm]
    r1_log_sigma = r1_log_sigma[perm]
    r2_mu = r2_mu[perm]
    r2_log_sigma = r2_log_sigma[perm]

    gt_rows = []
    for b in range(nb):
        pose_t = pose_by_frame[b, t_idx]
        pose_tp1 = pose_by_frame[b, t_idx + 1]
        g = _se2_apply(_se2_inv(pose_t), _se2_apply(pose_tp1, x_tp1[:, :2]))
        gt_rows.append(g)
    gxs = jnp.stack([g[:, 0] for g in gt_rows]).astype(f32)
    gys = jnp.stack([g[:, 1] for g in gt_rows]).astype(f32)

    row = lambda w: pl.BlockSpec((blk, w), lambda i: (i, 0))
    key = pl.BlockSpec((1, nk), lambda i: (0, 0))
    keyb = pl.BlockSpec((nb, nk), lambda i: (0, 0))

    partials = pl.pallas_call(
        functools.partial(_loss_block_kernel, nb),
        grid=(grid,),
        in_specs=[
            row(2), row(2), row(2), row(1), row(1), row(1), row(1),
            row(1), row(1), row(1),
            keyb, keyb, key, key, key,
        ],
        out_specs=pl.BlockSpec((1, 1, nout), lambda i: (i, 0, 0)),
        out_shape=jax.ShapeDtypeStruct((grid, 1, nout), f32),
    )(lidar_mu.astype(f32), lidar_log_sigma.astype(f32), rxy,
      r1_mu.astype(f32), r1_log_sigma.astype(f32), r2_mu.astype(f32),
      r2_log_sigma.astype(f32), fid, bidt, sidt, gxs, gys, kvr, kbid, ksid)

    p = partials.reshape(grid, nout).sum(axis=0)

    zero = jnp.asarray(0.0, f32)

    def seg(s, c):
        return jnp.where(c > 0, s / jnp.maximum(c, 1.0), 0.0)

    lidar_sum = zero
    lidar_cnt = zero
    r1_sum = zero
    r1_cnt = zero
    r2_sum = zero
    r2_cnt = zero
    for b in range(nb):
        o = 6 * b
        lidar_sum = lidar_sum + seg(p[o + 0], p[o + 1])
        lidar_cnt = lidar_cnt + (p[o + 1] > 0).astype(f32)
        r1_sum = r1_sum + seg(p[o + 2], p[o + 3])
        r1_cnt = r1_cnt + (p[o + 3] > 0).astype(f32)
        r2_sum = r2_sum + seg(p[o + 4], p[o + 5])
        r2_cnt = r2_cnt + (p[o + 5] > 0).astype(f32)
    loss_l = jnp.where(lidar_cnt > 0, lidar_sum / jnp.maximum(lidar_cnt, 1.0), zero)
    loss_r1 = jnp.where(r1_cnt > 0, r1_sum / jnp.maximum(r1_cnt, 1.0), zero)
    loss_r2 = jnp.where(r2_cnt > 0, r2_sum / jnp.maximum(r2_cnt, 1.0), zero)
    o = 6 * nb
    reg = (p[o] / (lidar_log_sigma.size) + p[o + 1] / r1_log_sigma.size
           + p[o + 2] / r2_log_sigma.size)
    total = loss_l + _RADAR_LOSS_WEIGHT * (loss_r1 + loss_r2) + _REG_LAMBDA * reg
    return (total, loss_l, loss_r1, loss_r2, reg)

# --- scband reference (transcript-rebuilt; emitter-appended) ---
"""Pipeline reference for scband-uncertainty-loss-25580825215566 (READ-ONLY COPY).

The authoritative reference and input builder live on the scoring server;
editing this copy changes nothing except your own understanding.
"""

import jax, jax.numpy as jnp
import numpy as np

WINDOW = 4
IDX_VR = 6
ASSOC_TOPK = 5
ASSOC_TAU = 0.5
GATE_LIDAR = 0.15
GATE_RADAR = 0.3
RADAR_LOSS_WEIGHT = 5.0
REG_LAMBDA = 1e-3
N_T = 32768
N_TP1 = 16384
B_MAX = 2


def se2_apply(p, pts):
    x, y, th = p[0], p[1], p[2]
    c, s = jnp.cos(th), jnp.sin(th)
    R = jnp.stack([jnp.stack([c, -s]), jnp.stack([s, c])])
    return pts @ R.T + jnp.stack([x, y])


def se2_inv(p):
    x, y, th = p[0], p[1], p[2]
    c, s = jnp.cos(th), jnp.sin(th)
    return jnp.stack([-(c * x + s * y), -(-s * x + c * y), -th])


def warp_points_to_frame(pts, pose_src, pose_dst):
    return se2_apply(se2_inv(pose_dst), se2_apply(pose_src, pts))


def cdist(a, b):
    a2 = jnp.sum(a * a, axis=1)[:, None]
    b2 = jnp.sum(b * b, axis=1)[None, :]
    sq = jnp.maximum(a2 + b2 - 2.0 * (a @ b.T), 0.0)
    return jnp.sqrt(sq)


def soft_assoc(pred_xy, gt_xy, topk, tau, gate):
    d = cdist(pred_xy, gt_xy)
    k = min(topk, gt_xy.shape[0])
    neg_d, nn_idx = jax.lax.top_k(-d, k)
    nn_d = -neg_d
    min_d = nn_d[:, 0]
    valid = min_d <= gate
    w = jax.nn.softmax(-nn_d ** 2 / max(tau ** 2, 1e-6), axis=1)
    cand = gt_xy[nn_idx]
    gt_expect = jnp.sum(w[..., None] * cand, axis=1)
    return gt_expect, valid


def nll_vec2(mu, ls, t):
    var = jnp.exp(2.0 * ls)
    return (0.5 * (2.0 * ls + (t - mu) ** 2 / (var + 1e-12))).sum(axis=1)


def nll_scalar(mu, ls, t):
    var = jnp.exp(2.0 * ls)
    return (0.5 * (2.0 * ls + (t - mu) ** 2 / (var + 1e-12)))[:, 0]


def setup_inputs(seed: int = 0):
    key = jax.random.key(seed)
    ks = jax.random.split(key, 14)
    return {
        'lidar_mu': jax.random.normal(ks[0], (N_T, 2), jnp.float32),
        'lidar_log_sigma': jax.random.normal(ks[1], (N_T, 2), jnp.float32),
        'r1_mu': jax.random.normal(ks[2], (N_T, 1), jnp.float32),
        'r1_log_sigma': jax.random.normal(ks[3], (N_T, 1), jnp.float32),
        'r2_mu': jax.random.normal(ks[4], (N_T, 1), jnp.float32),
        'r2_log_sigma': jax.random.normal(ks[5], (N_T, 1), jnp.float32),
        'x_t': jax.random.normal(ks[6], (N_T, 11), jnp.float32),
        'x_tp1': jax.random.normal(ks[7], (N_TP1, 11), jnp.float32),
        'pose_by_frame': jax.random.normal(ks[8], (B_MAX, WINDOW + 1, 3), jnp.float32),
        'frame_id_t': jax.random.randint(ks[9], (N_T,), 0, WINDOW),
        'batch_id_t': jax.random.randint(ks[10], (N_T,), 0, B_MAX),
        'sensor_id_t': jax.random.randint(ks[11], (N_T,), 0, 3),
        'batch_id_tp1': jax.random.randint(ks[12], (N_TP1,), 0, B_MAX),
        'sensor_id_tp1': jax.random.randint(ks[13], (N_TP1,), 0, 3),
    }


def reference(lidar_mu, lidar_log_sigma, r1_mu, r1_log_sigma, r2_mu, r2_log_sigma, x_t, x_tp1, pose_by_frame, frame_id_t, batch_id_t, sensor_id_t, batch_id_tp1, sensor_id_tp1):
    t_idx = WINDOW - 1
    is_t = frame_id_t == t_idx
    B = pose_by_frame.shape[0]
    zero = jnp.asarray(0.0, jnp.float32)
    tau_sq = max(ASSOC_TAU ** 2, 1e-6)
    lidar_sum = zero
    lidar_cnt = zero
    r1_sum = zero
    r1_cnt = zero
    r2_sum = zero
    r2_cnt = zero
    for b in range(B):
        pose_t = pose_by_frame[b, t_idx]
        pose_tp1 = pose_by_frame[b, t_idx + 1]
        mb = batch_id_t == b
        mbg = batch_id_tp1 == b
        mL = mb & is_t & (sensor_id_t == 0)
        mR1 = mb & is_t & (sensor_id_t == 1)
        mR2 = mb & is_t & (sensor_id_t == 2)
        mL_gt = mbg & (sensor_id_tp1 == 0)
        mR1_gt = mbg & (sensor_id_tp1 == 1)
        mR2_gt = mbg & (sensor_id_tp1 == 2)
        gt_all = warp_points_to_frame(x_tp1[:, :2], pose_tp1, pose_t)
        dL = cdist(lidar_mu, gt_all)
        dL = jnp.where(mL_gt[None, :], dL, jnp.inf)
        neg_d, nn_idx = jax.lax.top_k(-dL, ASSOC_TOPK)
        nn_d = -neg_d
        valid = (nn_d[:, 0] <= GATE_LIDAR) & mL
        w = jax.nn.softmax(-nn_d ** 2 / tau_sq, axis=1)
        gt_expect = jnp.sum(w[..., None] * gt_all[nn_idx], axis=1)
        nllL = nll_vec2(lidar_mu, lidar_log_sigma, gt_expect)
        cL = jnp.sum(valid)
        sL = jnp.sum(jnp.where(valid, nllL, 0.0))
        lidar_sum = lidar_sum + jnp.where(cL > 0, sL / jnp.maximum(cL, 1), 0.0)
        lidar_cnt = lidar_cnt + (cL > 0).astype(jnp.float32)
        dR_base = cdist(x_t[:, :2], gt_all)
        for mR, mR_gt, mu_all, ls_all, which in ((mR1, mR1_gt, r1_mu, r1_log_sigma, 0), (mR2, mR2_gt, r2_mu, r2_log_sigma, 1)):
            dR = jnp.where(mR_gt[None, :], dR_base, jnp.inf)
            min_d = jnp.min(dR, axis=1)
            validR = (min_d <= GATE_RADAR) & mR
            nn = jnp.argmin(dR, axis=1)
            gt_vr = x_tp1[:, IDX_VR][nn][:, None]
            nllR = nll_scalar(mu_all, ls_all, gt_vr)
            cR = jnp.sum(validR)
            sR = jnp.sum(jnp.where(validR, nllR, 0.0))
            contrib = jnp.where(cR > 0, sR / jnp.maximum(cR, 1), 0.0)
            hasR = (cR > 0).astype(jnp.float32)
            if which == 0:
                r1_sum = r1_sum + contrib
                r1_cnt = r1_cnt + hasR
            else:
                r2_sum = r2_sum + contrib
                r2_cnt = r2_cnt + hasR
    loss_l = jnp.where(lidar_cnt > 0, lidar_sum / jnp.maximum(lidar_cnt, 1.0), zero)
    loss_r1 = jnp.where(r1_cnt > 0, r1_sum / jnp.maximum(r1_cnt, 1.0), zero)
    loss_r2 = jnp.where(r2_cnt > 0, r2_sum / jnp.maximum(r2_cnt, 1.0), zero)
    reg = (lidar_log_sigma ** 2).mean() + (r1_log_sigma ** 2).mean() + (r2_log_sigma ** 2).mean()
    total = loss_l + RADAR_LOSS_WEIGHT * (loss_r1 + loss_r2) + REG_LAMBDA * reg
    return (total, loss_l, loss_r1, loss_r2, reg)

if __name__ == "__main__":
    import jax
    _d = setup_inputs()
    print(jax.jit(kernel)(*tuple(_d.values())))

</pallas_src>

<mosaic_0001>
module attributes {stable_mosaic.version = 14 : i64} {
  func.func @_loss_block_kernel(%arg0: i32, %arg1: memref<64x2xf32, #tpu.memory_space<vmem>>, %arg2: memref<64x2xf32, #tpu.memory_space<vmem>>, %arg3: memref<64x2xf32, #tpu.memory_space<vmem>>, %arg4: memref<64x1xf32, #tpu.memory_space<vmem>>, %arg5: memref<64x1xf32, #tpu.memory_space<vmem>>, %arg6: memref<64x1xf32, #tpu.memory_space<vmem>>, %arg7: memref<64x1xf32, #tpu.memory_space<vmem>>, %arg8: memref<64x1xi32, #tpu.memory_space<vmem>>, %arg9: memref<64x1xi32, #tpu.memory_space<vmem>>, %arg10: memref<64x1xi32, #tpu.memory_space<vmem>>, %arg11: memref<2x16384xf32, #tpu.memory_space<vmem>>, %arg12: memref<2x16384xf32, #tpu.memory_space<vmem>>, %arg13: memref<1x16384xf32, #tpu.memory_space<vmem>>, %arg14: memref<1x16384xi32, #tpu.memory_space<vmem>>, %arg15: memref<1x16384xi32, #tpu.memory_space<vmem>>, %arg16: memref<1x1x15xf32, #tpu.memory_space<vmem>>) attributes {dimension_semantics = [#tpu.dimension_semantics<arbitrary>], iteration_bounds = array<i64: 512>, scalar_prefetch = 0 : i64, scratch_operands = 0 : i64, tpu.core_type = #tpu.core_type<tc>, window_params = [{transform_indices = @transform_0, window_bounds = array<i64: 64, 2>}, {transform_indices = @transform_1, window_bounds = array<i64: 64, 2>}, {transform_indices = @transform_2, window_bounds = array<i64: 64, 2>}, {transform_indices = @transform_3, window_bounds = array<i64: 64, 1>}, {transform_indices = @transform_4, window_bounds = array<i64: 64, 1>}, {transform_indices = @transform_5, window_bounds = array<i64: 64, 1>}, {transform_indices = @transform_6, window_bounds = array<i64: 64, 1>}, {transform_indices = @transform_7, window_bounds = array<i64: 64, 1>}, {transform_indices = @transform_8, window_bounds = array<i64: 64, 1>}, {transform_indices = @transform_9, window_bounds = array<i64: 64, 1>}, {pipeline_mode = #tpu.pipeline_mode<synchronous>, transform_indices = @transform_10, window_bounds = array<i64: 2, 16384>}, {pipeline_mode = #tpu.pipeline_mode<synchronous>, transform_indices = @transform_11, window_bounds = array<i64: 2, 16384>}, {pipeline_mode = #tpu.pipeline_mode<synchronous>, transform_indices = @transform_12, window_bounds = array<i64: 1, 16384>}, {pipeline_mode = #tpu.pipeline_mode<synchronous>, transform_indices = @transform_13, window_bounds = array<i64: 1, 16384>}, {pipeline_mode = #tpu.pipeline_mode<synchronous>, transform_indices = @transform_14, window_bounds = array<i64: 1, 16384>}, {transform_indices = @transform_15, window_bounds = array<i64: 1, 1, 15>}]} {
    %get3A = arith.constant 0 : index
    %get3A_0 = arith.constant 0 : index
    %get3A_1 = vector.load %arg1[%get3A, %get3A_0] : memref<64x2xf32, #tpu.memory_space<vmem>>, vector<64x2xf32>
    %get3A_2 = arith.constant 0 : index
    %get3A_3 = arith.constant 0 : index
    %get3A_4 = vector.load %arg2[%get3A_2, %get3A_3] : memref<64x2xf32, #tpu.memory_space<vmem>>, vector<64x2xf32>
    %get3A_5 = arith.constant 0 : index
    %get3A_6 = arith.constant 0 : index
    %get3A_7 = vector.load %arg3[%get3A_5, %get3A_6] : memref<64x2xf32, #tpu.memory_space<vmem>>, vector<64x2xf32>
    %get3A_8 = arith.constant 0 : index
    %get3A_9 = arith.constant 0 : index
    %get3A_10 = vector.load %arg8[%get3A_8, %get3A_9] : memref<64x1xi32, #tpu.memory_space<vmem>>, vector<64x1xi32>
    %get3A_11 = arith.constant 0 : index
    %get3A_12 = arith.constant 0 : index
    %get3A_13 = vector.load %arg9[%get3A_11, %get3A_12] : memref<64x1xi32, #tpu.memory_space<vmem>>, vector<64x1xi32>
    %get3A_14 = arith.constant 0 : index
    %get3A_15 = arith.constant 0 : index
    %get3A_16 = vector.load %arg10[%get3A_14, %get3A_15] : memref<64x1xi32, #tpu.memory_space<vmem>>, vector<64x1xi32>
    %get3A_17 = arith.constant 0 : index
    %get3A_18 = arith.constant 0 : index
    %get3A_19 = vector.load %arg13[%get3A_17, %get3A_18] : memref<1x16384xf32, #tpu.memory_space<vmem>>, vector<1x16384xf32>
    %get3A_20 = arith.constant 0 : index
    %get3A_21 = arith.constant 0 : index
    %get3A_22 = vector.load %arg14[%get3A_20, %get3A_21] : memref<1x16384xi32, #tpu.memory_space<vmem>>, vector<1x16384xi32>
    %get3A_23 = arith.constant 0 : index
    %get3A_24 = arith.constant 0 : index
    %get3A_25 = vector.load %arg15[%get3A_23, %get3A_24] : memref<1x16384xi32, #tpu.memory_space<vmem>>, vector<1x16384xi32>
    %get3A_26 = arith.constant 0 : index
    %get3A_27 = arith.constant 0 : index
    %get3A_28 = vector.load %arg11[%get3A_26, %get3A_27] : memref<2x16384xf32, #tpu.memory_space<vmem>>, vector<1x16384xf32>
    %get3A_29 = arith.constant 1 : index
    %get3A_30 = arith.constant 0 : index
    %get3A_31 = vector.load %arg11[%get3A_29, %get3A_30] : memref<2x16384xf32, #tpu.memory_space<vmem>>, vector<1x16384xf32>
    %get3A_32 = arith.constant 0 : index
    %get3A_33 = arith.constant 0 : index
    %get3A_34 = vector.load %arg12[%get3A_32, %get3A_33] : memref<2x16384xf32, #tpu.memory_space<vmem>>, vector<1x16384xf32>
    %get3A_35 = arith.constant 1 : index
    %get3A_36 = arith.constant 0 : index
    %get3A_37 = vector.load %arg12[%get3A_35, %get3A_36] : memref<2x16384xf32, #tpu.memory_space<vmem>>, vector<1x16384xf32>
    %eq3A = arith.constant 0 : i32
    %eq3A_38 = vector.broadcast %eq3A : i32 to vector<64x1xi32>
    %eq3A_39 = arith.cmpi eq, %get3A_13, %eq3A_38 : vector<64x1xi32>
    %mul3A = arith.mulf %get3A_28, %get3A_28 : vector<1x16384xf32>
    %mul3A_40 = arith.mulf %get3A_34, %get3A_34 : vector<1x16384xf32>
    %add3A = arith.addf %mul3A, %mul3A_40 : vector<1x16384xf32>
    %mul3A_41 = arith.mulf %get3A_31, %get3A_31 : vector<1x16384xf32>
    %mul3A_42 = arith.mulf %get3A_37, %get3A_37 : vector<1x16384xf32>
    %add3A_43 = arith.addf %mul3A_41, %mul3A_42 : vector<1x16384xf32>
    %mul3A_44 = arith.constant 6.553700e+04 : f32
    %mul3A_45 = vector.broadcast %mul3A_44 : f32 to vector<1x16384xf32>
    %mul3A_46 = arith.mulf %get3A_28, %mul3A_45 : vector<1x16384xf32>
    %sub3A = arith.subf %mul3A_46, %get3A_28 : vector<1x16384xf32>
    %sub3A_47 = arith.subf %mul3A_46, %sub3A : vector<1x16384xf32>
    %mul3A_48 = arith.constant 6.553700e+04 : f32
    %mul3A_49 = vector.broadcast %mul3A_48 : f32 to vector<1x16384xf32>
    %mul3A_50 = arith.mulf %get3A_31, %mul3A_49 : vector<1x16384xf32>
    %sub3A_51 = arith.subf %mul3A_50, %get3A_31 : vector<1x16384xf32>
    %sub3A_52 = arith.subf %mul3A_50, %sub3A_51 : vector<1x16384xf32>
    %mul3A_53 = arith.constant 6.553700e+04 : f32
    %mul3A_54 = vector.broadcast %mul3A_53 : f32 to vector<1x16384xf32>
    %mul3A_55 = arith.mulf %get3A_34, %mul3A_54 : vector<1x16384xf32>
    %sub3A_56 = arith.subf %mul3A_55, %get3A_34 : vector<1x16384xf32>
    %sub3A_57 = arith.subf %mul3A_55, %sub3A_56 : vector<1x16384xf32>
    %mul3A_58 = arith.constant 6.553700e+04 : f32
    %mul3A_59 = vector.broadcast %mul3A_58 : f32 to vector<1x16384xf32>
    %mul3A_60 = arith.mulf %get3A_37, %mul3A_59 : vector<1x16384xf32>
    %sub3A_61 = arith.subf %mul3A_60, %get3A_37 : vector<1x16384xf32>
    %sub3A_62 = arith.subf %mul3A_60, %sub3A_61 : vector<1x16384xf32>
    %broadcast_in_dim3A = vector.shape_cast %eq3A_39 : vector<64x1xi1> to vector<64x1xi1>
    %broadcast_in_dim3A_63 = vector.broadcast %broadcast_in_dim3A : vector<64x1xi1> to vector<64x16384xi1>
    %broadcast_in_dim3A_64 = vector.shape_cast %sub3A_47 : vector<1x16384xf32> to vector<1x16384xf32>
    %broadcast_in_dim3A_65 = vector.broadcast %broadcast_in_dim3A_64 : vector<1x16384xf32> to vector<64x16384xf32>
    %broadcast_in_dim3A_66 = vector.shape_cast %sub3A_52 : vector<1x16384xf32> to vector<1x16384xf32>
    %broadcast_in_dim3A_67 = vector.broadcast %broadcast_in_dim3A_66 : vector<1x16384xf32> to vector<64x16384xf32>
    %select_n3A = arith.select %broadcast_in_dim3A_63, %broadcast_in_dim3A_65, %broadcast_in_dim3A_67 : vector<64x16384xi1>, vector<64x16384xf32>
    %broadcast_in_dim3A_68 = vector.shape_cast %eq3A_39 : vector<64x1xi1> to vector<64x1xi1>
    %broadcast_in_dim3A_69 = vector.broadcast %broadcast_in_dim3A_68 : vector<64x1xi1> to vector<64x16384xi1>
    %broadcast_in_dim3A_70 = vector.shape_cast %sub3A_57 : vector<1x16384xf32> to vector<1x16384xf32>
    %broadcast_in_dim3A_71 = vector.broadcast %broadcast_in_dim3A_70 : vector<1x16384xf32> to vector<64x16384xf32>
    %broadcast_in_dim3A_72 = vector.shape_cast %sub3A_62 : vector<1x16384xf32> to vector<1x16384xf32>
    %broadcast_in_dim3A_73 = vector.broadcast %broadcast_in_dim3A_72 : vector<1x16384xf32> to vector<64x16384xf32>
    %select_n3A_74 = arith.select %broadcast_in_dim3A_69, %broadcast_in_dim3A_71, %broadcast_in_dim3A_73 : vector<64x16384xi1>, vector<64x16384xf32>
    %broadcast_in_dim3A_75 = vector.shape_cast %eq3A_39 : vector<64x1xi1> to vector<64x1xi1>
    %broadcast_in_dim3A_76 = vector.broadcast %broadcast_in_dim3A_75 : vector<64x1xi1> to vector<64x16384xi1>
    %broadcast_in_dim3A_77 = vector.shape_cast %add3A : vector<1x16384xf32> to vector<1x16384xf32>
    %broadcast_in_dim3A_78 = vector.broadcast %broadcast_in_dim3A_77 : vector<1x16384xf32> to vector<64x16384xf32>
    %broadcast_in_dim3A_79 = vector.shape_cast %add3A_43 : vector<1x16384xf32> to vector<1x16384xf32>
    %broadcast_in_dim3A_80 = vector.broadcast %broadcast_in_dim3A_79 : vector<1x16384xf32> to vector<64x16384xf32>
    %select_n3A_81 = arith.select %broadcast_in_dim3A_76, %broadcast_in_dim3A_78, %broadcast_in_dim3A_80 : vector<64x16384xi1>, vector<64x16384xf32>
    %eq3A_82 = arith.constant 0 : i32
    %eq3A_83 = vector.broadcast %eq3A_82 : i32 to vector<64x1xi32>
    %eq3A_84 = arith.cmpi eq, %get3A_16, %eq3A_83 : vector<64x1xi32>
    %eq3A_85 = arith.constant 3 : i32
    %eq3A_86 = vector.broadcast %eq3A_85 : i32 to vector<64x1xi32>
    %eq3A_87 = arith.cmpi eq, %get3A_10, %eq3A_86 : vector<64x1xi32>
    %mul3A_88 = arith.mulf %get3A_4, %get3A_4 : vector<64x2xf32>
    %reduce_sum3A = vector.shape_cast %mul3A_88 : vector<64x2xf32> to vector<1x64x2xf32>
    %reduce_sum3A_89 = arith.constant dense<0.000000e+00> : vector<1xf32>
    %reduce_sum3A_90 = vector.multi_reduction <add>, %reduce_sum3A, %reduce_sum3A_89 [1, 2] : vector<1x64x2xf32> to vector<1xf32>
    %reduce_sum3A_91 = vector.shape_cast %reduce_sum3A_90 : vector<1xf32> to vector<1x1x1xf32>
    %reduce_sum3A_92 = vector.extract %reduce_sum3A_91[0, 0, 0] : f32 from vector<1x1x1xf32>
    %get3A_93 = arith.constant 0 : index
    %get3A_94 = arith.constant 0 : index
    %get3A_95 = vector.load %arg5[%get3A_93, %get3A_94] : memref<64x1xf32, #tpu.memory_space<vmem>>, vector<64x1xf32>
    %integer_pow3A = arith.mulf %get3A_95, %get3A_95 : vector<64x1xf32>
    %reduce_sum3A_96 = vector.shape_cast %integer_pow3A : vector<64x1xf32> to vector<1x64x1xf32>
    %reduce_sum3A_97 = arith.constant dense<0.000000e+00> : vector<1xf32>
    %reduce_sum3A_98 = vector.multi_reduction <add>, %reduce_sum3A_96, %reduce_sum3A_97 [1, 2] : vector<1x64x1xf32> to vector<1xf32>
    %reduce_sum3A_99 = vector.shape_cast %reduce_sum3A_98 : vector<1xf32> to vector<1x1x1xf32>
    %reduce_sum3A_100 = vector.extract %reduce_sum3A_99[0, 0, 0] : f32 from vector<1x1x1xf32>
    %get3A_101 = arith.constant 0 : index
    %get3A_102 = arith.constant 0 : index
    %get3A_103 = vector.load %arg7[%get3A_101, %get3A_102] : memref<64x1xf32, #tpu.memory_space<vmem>>, vector<64x1xf32>
    %integer_pow3A_104 = arith.mulf %get3A_103, %get3A_103 : vector<64x1xf32>
    %reduce_sum3A_105 = vector.shape_cast %integer_pow3A_104 : vector<64x1xf32> to vector<1x64x1xf32>
    %reduce_sum3A_106 = arith.constant dense<0.000000e+00> : vector<1xf32>
    %reduce_sum3A_107 = vector.multi_reduction <add>, %reduce_sum3A_105, %reduce_sum3A_106 [1, 2] : vector<1x64x1xf32> to vector<1xf32>
    %reduce_sum3A_108 = vector.shape_cast %reduce_sum3A_107 : vector<1xf32> to vector<1x1x1xf32>
    %reduce_sum3A_109 = vector.extract %reduce_sum3A_108[0, 0, 0] : f32 from vector<1x1x1xf32>
    %broadcast_in_dim3A_110 = arith.constant 0.000000e+00 : f32
    %broadcast_in_dim3A_111 = vector.broadcast %broadcast_in_dim3A_110 : f32 to vector<12xf32>
    %stack3A = vector.broadcast %reduce_sum3A_92 : f32 to vector<1xf32>
    %stack3A_112 = vector.broadcast %reduce_sum3A_100 : f32 to vector<1xf32>
    %stack3A_113 = vector.broadcast %reduce_sum3A_109 : f32 to vector<1xf32>
    %stack3A_114 = tpu.concatenate %stack3A, %stack3A_112, %stack3A_113 in 0 : vector<1xf32>, vector<1xf32>, vector<1xf32> -> vector<3xf32>
    %concatenate3A = tpu.concatenate %broadcast_in_dim3A_111, %stack3A_114 in 0 : vector<12xf32>, vector<3xf32> -> vector<15xf32>
    %reshape3A = vector.shape_cast %concatenate3A : vector<15xf32> to vector<1x1x15xf32>
    %swap3A = arith.constant 0 : index
    %swap3A_115 = arith.constant 0 : index
    %swap3A_116 = arith.constant 0 : index
    %swap3A_117 = vector.load %arg16[%swap3A, %swap3A_115, %swap3A_116] : memref<1x1x15xf32, #tpu.memory_space<vmem>>, vector<1x1x15xf32>
    tpu.vector_store %arg16[%swap3A, %swap3A_115, %swap3A_116], %reshape3A {strides = array<i32>} : memref<1x1x15xf32, #tpu.memory_space<vmem>>, vector<1x1x15xf32>,
    %reduce_or3A = arith.constant 1.000000e+00 : f32
    %reduce_or3A_118 = arith.constant 0.000000e+00 : f32
    %reduce_or3A_119 = vector.broadcast %reduce_or3A : f32 to vector<64x1xf32>
    %reduce_or3A_120 = vector.broadcast %reduce_or3A_118 : f32 to vector<64x1xf32>
    %reduce_or3A_121 = arith.select %eq3A_87, %reduce_or3A_119, %reduce_or3A_120 : vector<64x1xi1>, vector<64x1xf32>
    %reduce_or3A_122 = vector.shape_cast %reduce_or3A_121 : vector<64x1xf32> to vector<1x64x1xf32>
    %reduce_or3A_123 = arith.constant dense<0xFF800000> : vector<1xf32>
    %reduce_or3A_124 = vector.multi_reduction <maximumf>, %reduce_or3A_122, %reduce_or3A_123 [1, 2] : vector<1x64x1xf32> to vector<1xf32>
    %reduce_or3A_125 = vector.shape_cast %reduce_or3A_124 : vector<1xf32> to vector<1x1x1xf32>
    %reduce_or3A_126 = vector.extract %reduce_or3A_125[0, 0, 0] : f32 from vector<1x1x1xf32>
    %reduce_or3A_127 = arith.constant 0.000000e+00 : f32
    %reduce_or3A_128 = arith.cmpf ogt, %reduce_or3A_126, %reduce_or3A_127 : f32
    %convert_element_type3A = arith.extui %reduce_or3A_128 : i1 to i32
    %cond3A = arith.constant 0 : i32
    %cond3A_129 = arith.cmpi ne, %convert_element_type3A, %cond3A : i32
    scf.if %cond3A_129 {
      %slice3A = vector.extract_strided_slice %get3A_1 {offsets = [0, 0], sizes = [64, 1], strides = [1, 1]} : vector<64x2xf32> to vector<64x1xf32>
      %slice3A_130 = vector.extract_strided_slice %get3A_7 {offsets = [0, 0], sizes = [64, 1], strides = [1, 1]} : vector<64x2xf32> to vector<64x1xf32>
      %select_n3A_131 = arith.select %eq3A_84, %slice3A, %slice3A_130 : vector<64x1xi1>, vector<64x1xf32>
      %slice3A_132 = vector.extract_strided_slice %get3A_1 {offsets = [0, 1], sizes = [64, 1], strides = [1, 1]} : vector<64x2xf32> to vector<64x1xf32>
      %slice3A_133 = vector.extract_strided_slice %get3A_7 {offsets = [0, 1], sizes = [64, 1], strides = [1, 1]} : vector<64x2xf32> to vector<64x1xf32>
      %select_n3A_134 = arith.select %eq3A_84, %slice3A_132, %slice3A_133 : vector<64x1xi1>, vector<64x1xf32>
      %mul3A_135 = arith.mulf %select_n3A_131, %select_n3A_131 : vector<64x1xf32>
      %mul3A_136 = arith.mulf %select_n3A_134, %select_n3A_134 : vector<64x1xf32>
      %add3A_137 = arith.addf %mul3A_135, %mul3A_136 : vector<64x1xf32>
      %mul3A_138 = arith.constant 6.553700e+04 : f32
      %mul3A_139 = vector.broadcast %mul3A_138 : f32 to vector<64x1xf32>
      %mul3A_140 = arith.mulf %select_n3A_131, %mul3A_139 : vector<64x1xf32>
      %sub3A_141 = arith.subf %mul3A_140, %select_n3A_131 : vector<64x1xf32>
      %sub3A_142 = arith.subf %mul3A_140, %sub3A_141 : vector<64x1xf32>
      %mul3A_143 = vector.broadcast %sub3A_142 : vector<64x1xf32> to vector<64x16384xf32>
      %mul3A_144 = arith.mulf %mul3A_143, %select_n3A : vector<64x16384xf32>
      %mul3A_145 = arith.constant 6.553700e+04 : f32
      %mul3A_146 = vector.broadcast %mul3A_145 : f32 to vector<64x1xf32>
      %mul3A_147 = arith.mulf %select_n3A_134, %mul3A_146 : vector<64x1xf32>
      %sub3A_148 = arith.subf %mul3A_147, %select_n3A_134 : vector<64x1xf32>
      %sub3A_149 = arith.subf %mul3A_147, %sub3A_148 : vector<64x1xf32>
      %mul3A_150 = vector.broadcast %sub3A_149 : vector<64x1xf32> to vector<64x16384xf32>
      %mul3A_151 = arith.mulf %mul3A_150, %select_n3A_74 : vector<64x16384xf32>
      %add3A_152 = arith.addf %mul3A_144, %mul3A_151 : vector<64x16384xf32>
      %add3A_153 = vector.broadcast %add3A_137 : vector<64x1xf32> to vector<64x16384xf32>
      %add3A_154 = arith.addf %add3A_153, %select_n3A_81 : vector<64x16384xf32>
      %mul3A_155 = arith.constant 2.000000e+00 : f32
      %mul3A_156 = vector.broadcast %mul3A_155 : f32 to vector<64x16384xf32>
      %mul3A_157 = arith.mulf %mul3A_156, %add3A_152 : vector<64x16384xf32>
      %sub3A_158 = arith.subf %add3A_154, %mul3A_157 : vector<64x16384xf32>
      %max3A = arith.constant 0.000000e+00 : f32
      %max3A_159 = vector.broadcast %max3A : f32 to vector<64x16384xf32>
      %max3A_160 = arith.maximumf %sub3A_158, %max3A_159 : vector<64x16384xf32>
      %sqrt3A = math.sqrt %max3A_160 : vector<64x16384xf32>
      %eq3A_161 = vector.broadcast %get3A_22 : vector<1x16384xi32> to vector<64x16384xi32>
      %eq3A_162 = vector.broadcast %get3A_13 : vector<64x1xi32> to vector<64x16384xi32>
      %eq3A_163 = arith.cmpi eq, %eq3A_161, %eq3A_162 : vector<64x16384xi32>
      %eq3A_164 = vector.broadcast %get3A_25 : vector<1x16384xi32> to vector<64x16384xi32>
      %eq3A_165 = vector.broadcast %get3A_16 : vector<64x1xi32> to vector<64x16384xi32>
      %eq3A_166 = arith.cmpi eq, %eq3A_164, %eq3A_165 : vector<64x16384xi32>
      %and3A = arith.andi %eq3A_163, %eq3A_166 : vector<64x16384xi1>
      %jit3A = arith.constant 0x7F800000 : f32
      %broadcast_in_dim3A_167 = vector.broadcast %jit3A : f32 to vector<64x16384xf32>
      %select_n3A_168 = arith.select %and3A, %sqrt3A, %broadcast_in_dim3A_167 : vector<64x16384xi1>, vector<64x16384xf32>
      %iota3A = tpu.iota {dimensions = array<i32: 1>} : vector<1x16384xi32>
      %reduce_min3A = arith.constant dense<0x7F800000> : vector<64xf32>
      %reduce_min3A_169 = vector.multi_reduction <minimumf>, %select_n3A_168, %reduce_min3A [1] : vector<64x16384xf32> to vector<64xf32>
      %broadcast_in_dim3A_170 = vector.shape_cast %reduce_min3A_169 : vector<64xf32> to vector<64x1xf32>
      %eq3A_171 = vector.broadcast %broadcast_in_dim3A_170 : vector<64x1xf32> to vector<64x16384xf32>
      %eq3A_172 = arith.cmpf oeq, %select_n3A_168, %eq3A_171 : vector<64x16384xf32>
      %jit3A_173 = arith.constant 16384 : i32
      %broadcast_in_dim3A_174 = vector.shape_cast %iota3A : vector<1x16384xi32> to vector<1x16384xi32>
      %broadcast_in_dim3A_175 = vector.broadcast %broadcast_in_dim3A_174 : vector<1x16384xi32> to vector<64x16384xi32>
      %broadcast_in_dim3A_176 = vector.broadcast %jit3A_173 : i32 to vector<64x16384xi32>
      %select_n3A_177 = arith.select %eq3A_172, %broadcast_in_dim3A_175, %broadcast_in_dim3A_176 : vector<64x16384xi1>, vector<64x16384xi32>
      %reduce_min3A_178 = arith.constant dense<2147483647> : vector<64xi32>
      %reduce_min3A_179 = vector.multi_reduction <minsi>, %select_n3A_177, %reduce_min3A_178 [1] : vector<64x16384xi32> to vector<64xi32>
      %broadcast_in_dim3A_180 = vector.shape_cast %reduce_min3A_179 : vector<64xi32> to vector<64x1xi32>
      %eq3A_181 = vector.broadcast %iota3A : vector<1x16384xi32> to vector<64x16384xi32>
      %eq3A_182 = vector.broadcast %broadcast_in_dim3A_180 : vector<64x1xi32> to vector<64x16384xi32>
      %eq3A_183 = arith.cmpi eq, %eq3A_181, %eq3A_182 : vector<64x16384xi32>
      %jit3A_184 = arith.constant 0.000000e+00 : f32
      %broadcast_in_dim3A_185 = vector.shape_cast %get3A_19 : vector<1x16384xf32> to vector<1x16384xf32>
      %broadcast_in_dim3A_186 = vector.broadcast %broadcast_in_dim3A_185 : vector<1x16384xf32> to vector<64x16384xf32>
      %broadcast_in_dim3A_187 = vector.broadcast %jit3A_184 : f32 to vector<64x16384xf32>
      %select_n3A_188 = arith.select %eq3A_183, %broadcast_in_dim3A_186, %broadcast_in_dim3A_187 : vector<64x16384xi1>, vector<64x16384xf32>
      %reduce_sum3A_189 = arith.constant dense<0.000000e+00> : vector<64xf32>
      %reduce_sum3A_190 = vector.multi_reduction <add>, %select_n3A_188, %reduce_sum3A_189 [1] : vector<64x16384xf32> to vector<64xf32>
      %broadcast_in_dim3A_191 = vector.shape_cast %reduce_sum3A_190 : vector<64xf32> to vector<64x1xf32>
      %eq3A_192 = arith.constant 1 : i32
      %eq3A_193 = vector.broadcast %eq3A_192 : i32 to vector<64x1xi32>
      %eq3A_194 = arith.cmpi eq, %get3A_16, %eq3A_193 : vector<64x1xi32>
      %get3A_195 = arith.constant 0 : index
      %get3A_196 = arith.constant 0 : index
      %get3A_197 = vector.load %arg4[%get3A_195, %get3A_196] : memref<64x1xf32, #tpu.memory_space<vmem>>, vector<64x1xf32>
      %get3A_198 = arith.constant 0 : index
      %get3A_199 = arith.constant 0 : index
      %get3A_200 = vector.load %arg6[%get3A_198, %get3A_199] : memref<64x1xf32, #tpu.memory_space<vmem>>, vector<64x1xf32>
      %select_n3A_201 = arith.select %eq3A_194, %get3A_197, %get3A_200 : vector<64x1xi1>, vector<64x1xf32>
      %get3A_202 = arith.constant 0 : index
      %get3A_203 = arith.constant 0 : index
      %get3A_204 = vector.load %arg5[%get3A_202, %get3A_203] : memref<64x1xf32, #tpu.memory_space<vmem>>, vector<64x1xf32>
      %get3A_205 = arith.constant 0 : index
      %get3A_206 = arith.constant 0 : index
      %get3A_207 = vector.load %arg7[%get3A_205, %get3A_206] : memref<64x1xf32, #tpu.memory_space<vmem>>, vector<64x1xf32>
      %select_n3A_208 = arith.select %eq3A_194, %get3A_204, %get3A_207 : vector<64x1xi1>, vector<64x1xf32>
      %mul3A_209 = arith.constant 2.000000e+00 : f32
      %mul3A_210 = vector.broadcast %mul3A_209 : f32 to vector<64x1xf32>
      %mul3A_211 = arith.mulf %mul3A_210, %select_n3A_208 : vector<64x1xf32>
      %exp3A = math.exp %mul3A_211 : vector<64x1xf32>
      %mul3A_212 = arith.constant 2.000000e+00 : f32
      %mul3A_213 = vector.broadcast %mul3A_212 : f32 to vector<64x1xf32>
      %mul3A_214 = arith.mulf %mul3A_213, %select_n3A_208 : vector<64x1xf32>
      %sub3A_215 = arith.subf %broadcast_in_dim3A_191, %select_n3A_201 : vector<64x1xf32>
      %integer_pow3A_216 = arith.mulf %sub3A_215, %sub3A_215 : vector<64x1xf32>
      %add3A_217 = arith.constant 9.99999996E-13 : f32
      %add3A_218 = vector.broadcast %add3A_217 : f32 to vector<64x1xf32>
      %add3A_219 = arith.addf %exp3A, %add3A_218 : vector<64x1xf32>
      %div3A = arith.divf %integer_pow3A_216, %add3A_219 : vector<64x1xf32>
      %add3A_220 = arith.addf %mul3A_214, %div3A : vector<64x1xf32>
      %mul3A_221 = arith.constant 5.000000e-01 : f32
      %mul3A_222 = vector.broadcast %mul3A_221 : f32 to vector<64x1xf32>
      %mul3A_223 = arith.mulf %mul3A_222, %add3A_220 : vector<64x1xf32>
      %le3A = arith.constant 3.000000e-01 : f32
      %le3A_224 = vector.broadcast %le3A : f32 to vector<64x1xf32>
      %le3A_225 = arith.cmpf ole, %broadcast_in_dim3A_170, %le3A_224 : vector<64x1xf32>
      %and3A_226 = arith.andi %le3A_225, %eq3A_87 : vector<64x1xi1>
      %eq3A_227 = arith.constant 0 : i32
      %eq3A_228 = vector.broadcast %eq3A_227 : i32 to vector<64x1xi32>
      %eq3A_229 = arith.cmpi eq, %get3A_13, %eq3A_228 : vector<64x1xi32>
      %and3A_230 = arith.andi %and3A_226, %eq3A_229 : vector<64x1xi1>
      %eq3A_231 = arith.constant 1 : i32
      %eq3A_232 = vector.broadcast %eq3A_231 : i32 to vector<64x1xi32>
      %eq3A_233 = arith.cmpi eq, %get3A_16, %eq3A_232 : vector<64x1xi32>
      %and3A_234 = arith.andi %and3A_230, %eq3A_233 : vector<64x1xi1>
      %jit3A_235 = arith.constant 0.000000e+00 : f32
      %broadcast_in_dim3A_236 = vector.broadcast %jit3A_235 : f32 to vector<64x1xf32>
      %select_n3A_237 = arith.select %and3A_234, %mul3A_223, %broadcast_in_dim3A_236 : vector<64x1xi1>, vector<64x1xf32>
      %reduce_sum3A_238 = vector.shape_cast %select_n3A_237 : vector<64x1xf32> to vector<1x64x1xf32>
      %reduce_sum3A_239 = arith.constant dense<0.000000e+00> : vector<1xf32>
      %reduce_sum3A_240 = vector.multi_reduction <add>, %reduce_sum3A_238, %reduce_sum3A_239 [1, 2] : vector<1x64x1xf32> to vector<1xf32>
      %reduce_sum3A_241 = vector.shape_cast %reduce_sum3A_240 : vector<1xf32> to vector<1x1x1xf32>
      %reduce_sum3A_242 = vector.extract %reduce_sum3A_241[0, 0, 0] : f32 from vector<1x1x1xf32>
      %convert_element_type3A_243 = arith.extui %and3A_234 : vector<64x1xi1> to vector<64x1xi32>
      %convert_element_type3A_244 = arith.sitofp %convert_element_type3A_243 : vector<64x1xi32> to vector<64x1xf32>
      %reduce_sum3A_245 = vector.shape_cast %convert_element_type3A_244 : vector<64x1xf32> to vector<1x64x1xf32>
      %reduce_sum3A_246 = arith.constant dense<0.000000e+00> : vector<1xf32>
      %reduce_sum3A_247 = vector.multi_reduction <add>, %reduce_sum3A_245, %reduce_sum3A_246 [1, 2] : vector<1x64x1xf32> to vector<1xf32>
      %reduce_sum3A_248 = vector.shape_cast %reduce_sum3A_247 : vector<1xf32> to vector<1x1x1xf32>
      %reduce_sum3A_249 = vector.extract %reduce_sum3A_248[0, 0, 0] : f32 from vector<1x1x1xf32>
      %and3A_250 = arith.andi %and3A_226, %eq3A_229 : vector<64x1xi1>
      %eq3A_251 = arith.constant 2 : i32
      %eq3A_252 = vector.broadcast %eq3A_251 : i32 to vector<64x1xi32>
      %eq3A_253 = arith.cmpi eq, %get3A_16, %eq3A_252 : vector<64x1xi32>
      %and3A_254 = arith.andi %and3A_250, %eq3A_253 : vector<64x1xi1>
      %jit3A_255 = arith.constant 0.000000e+00 : f32
      %broadcast_in_dim3A_256 = vector.broadcast %jit3A_255 : f32 to vector<64x1xf32>
      %select_n3A_257 = arith.select %and3A_254, %mul3A_223, %broadcast_in_dim3A_256 : vector<64x1xi1>, vector<64x1xf32>
      %reduce_sum3A_258 = vector.shape_cast %select_n3A_257 : vector<64x1xf32> to vector<1x64x1xf32>
      %reduce_sum3A_259 = arith.constant dense<0.000000e+00> : vector<1xf32>
      %reduce_sum3A_260 = vector.multi_reduction <add>, %reduce_sum3A_258, %reduce_sum3A_259 [1, 2] : vector<1x64x1xf32> to vector<1xf32>
      %reduce_sum3A_261 = vector.shape_cast %reduce_sum3A_260 : vector<1xf32> to vector<1x1x1xf32>
      %reduce_sum3A_262 = vector.extract %reduce_sum3A_261[0, 0, 0] : f32 from vector<1x1x1xf32>
      %convert_element_type3A_263 = arith.extui %and3A_254 : vector<64x1xi1> to vector<64x1xi32>
      %convert_element_type3A_264 = arith.sitofp %convert_element_type3A_263 : vector<64x1xi32> to vector<64x1xf32>
      %reduce_sum3A_265 = vector.shape_cast %convert_element_type3A_264 : vector<64x1xf32> to vector<1x64x1xf32>
      %reduce_sum3A_266 = arith.constant dense<0.000000e+00> : vector<1xf32>
      %reduce_sum3A_267 = vector.multi_reduction <add>, %reduce_sum3A_265, %reduce_sum3A_266 [1, 2] : vector<1x64x1xf32> to vector<1xf32>
      %reduce_sum3A_268 = vector.shape_cast %reduce_sum3A_267 : vector<1xf32> to vector<1x1x1xf32>
      %reduce_sum3A_269 = vector.extract %reduce_sum3A_268[0, 0, 0] : f32 from vector<1x1x1xf32>
      %eq3A_270 = arith.constant 1 : i32
      %eq3A_271 = vector.broadcast %eq3A_270 : i32 to vector<64x1xi32>
      %eq3A_272 = arith.cmpi eq, %get3A_13, %eq3A_271 : vector<64x1xi32>
      %and3A_273 = arith.andi %and3A_226, %eq3A_272 : vector<64x1xi1>
      %eq3A_274 = arith.constant 1 : i32
      %eq3A_275 = vector.broadcast %eq3A_274 : i32 to vector<64x1xi32>
      %eq3A_276 = arith.cmpi eq, %get3A_16, %eq3A_275 : vector<64x1xi32>
      %and3A_277 = arith.andi %and3A_273, %eq3A_276 : vector<64x1xi1>
      %jit3A_278 = arith.constant 0.000000e+00 : f32
      %broadcast_in_dim3A_279 = vector.broadcast %jit3A_278 : f32 to vector<64x1xf32>
      %select_n3A_280 = arith.select %and3A_277, %mul3A_223, %broadcast_in_dim3A_279 : vector<64x1xi1>, vector<64x1xf32>
      %reduce_sum3A_281 = vector.shape_cast %select_n3A_280 : vector<64x1xf32> to vector<1x64x1xf32>
      %reduce_sum3A_282 = arith.constant dense<0.000000e+00> : vector<1xf32>
      %reduce_sum3A_283 = vector.multi_reduction <add>, %reduce_sum3A_281, %reduce_sum3A_282 [1, 2] : vector<1x64x1xf32> to vector<1xf32>
      %reduce_sum3A_284 = vector.shape_cast %reduce_sum3A_283 : vector<1xf32> to vector<1x1x1xf32>
      %reduce_sum3A_285 = vector.extract %reduce_sum3A_284[0, 0, 0] : f32 from vector<1x1x1xf32>
      %convert_element_type3A_286 = arith.extui %and3A_277 : vector<64x1xi1> to vector<64x1xi32>
      %convert_element_type3A_287 = arith.sitofp %convert_element_type3A_286 : vector<64x1xi32> to vector<64x1xf32>
      %reduce_sum3A_288 = vector.shape_cast %convert_element_type3A_287 : vector<64x1xf32> to vector<1x64x1xf32>
      %reduce_sum3A_289 = arith.constant dense<0.000000e+00> : vector<1xf32>
      %reduce_sum3A_290 = vector.multi_reduction <add>, %reduce_sum3A_288, %reduce_sum3A_289 [1, 2] : vector<1x64x1xf32> to vector<1xf32>
      %reduce_sum3A_291 = vector.shape_cast %reduce_sum3A_290 : vector<1xf32> to vector<1x1x1xf32>
      %reduce_sum3A_292 = vector.extract %reduce_sum3A_291[0, 0, 0] : f32 from vector<1x1x1xf32>
      %and3A_293 = arith.andi %and3A_226, %eq3A_272 : vector<64x1xi1>
      %eq3A_294 = arith.constant 2 : i32
      %eq3A_295 = vector.broadcast %eq3A_294 : i32 to vector<64x1xi32>
      %eq3A_296 = arith.cmpi eq, %get3A_16, %eq3A_295 : vector<64x1xi32>
      %and3A_297 = arith.andi %and3A_293, %eq3A_296 : vector<64x1xi1>
      %jit3A_298 = arith.constant 0.000000e+00 : f32
      %broadcast_in_dim3A_299 = vector.broadcast %jit3A_298 : f32 to vector<64x1xf32>
      %select_n3A_300 = arith.select %and3A_297, %mul3A_223, %broadcast_in_dim3A_299 : vector<64x1xi1>, vector<64x1xf32>
      %reduce_sum3A_301 = vector.shape_cast %select_n3A_300 : vector<64x1xf32> to vector<1x64x1xf32>
      %reduce_sum3A_302 = arith.constant dense<0.000000e+00> : vector<1xf32>
      %reduce_sum3A_303 = vector.multi_reduction <add>, %reduce_sum3A_301, %reduce_sum3A_302 [1, 2] : vector<1x64x1xf32> to vector<1xf32>
      %reduce_sum3A_304 = vector.shape_cast %reduce_sum3A_303 : vector<1xf32> to vector<1x1x1xf32>
      %reduce_sum3A_305 = vector.extract %reduce_sum3A_304[0, 0, 0] : f32 from vector<1x1x1xf32>
      %convert_element_type3A_306 = arith.extui %and3A_297 : vector<64x1xi1> to vector<64x1xi32>
      %convert_element_type3A_307 = arith.sitofp %convert_element_type3A_306 : vector<64x1xi32> to vector<64x1xf32>
      %reduce_sum3A_308 = vector.shape_cast %convert_element_type3A_307 : vector<64x1xf32> to vector<1x64x1xf32>
      %reduce_sum3A_309 = arith.constant dense<0.000000e+00> : vector<1xf32>
      %reduce_sum3A_310 = vector.multi_reduction <add>, %reduce_sum3A_308, %reduce_sum3A_309 [1, 2] : vector<1x64x1xf32> to vector<1xf32>
      %reduce_sum3A_311 = vector.shape_cast %reduce_sum3A_310 : vector<1xf32> to vector<1x1x1xf32>
      %reduce_sum3A_312 = vector.extract %reduce_sum3A_311[0, 0, 0] : f32 from vector<1x1x1xf32>
      %stack3A_313 = arith.constant 0.000000e+00 : f32
      %stack3A_314 = arith.constant 0.000000e+00 : f32
      %stack3A_315 = arith.constant 0.000000e+00 : f32
      %stack3A_316 = arith.constant 0.000000e+00 : f32
      %stack3A_317 = vector.broadcast %stack3A_313 : f32 to vector<1xf32>
      %stack3A_318 = vector.broadcast %stack3A_314 : f32 to vector<1xf32>
      %stack3A_319 = vector.broadcast %reduce_sum3A_242 : f32 to vector<1xf32>
      %stack3A_320 = vector.broadcast %reduce_sum3A_249 : f32 to vector<1xf32>
      %stack3A_321 = vector.broadcast %reduce_sum3A_262 : f32 to vector<1xf32>
      %stack3A_322 = vector.broadcast %reduce_sum3A_269 : f32 to vector<1xf32>
      %stack3A_323 = vector.broadcast %stack3A_315 : f32 to vector<1xf32>
      %stack3A_324 = vector.broadcast %stack3A_316 : f32 to vector<1xf32>
      %stack3A_325 = vector.broadcast %reduce_sum3A_285 : f32 to vector<1xf32>
      %stack3A_326 = vector.broadcast %reduce_sum3A_292 : f32 to vector<1xf32>
      %stack3A_327 = vector.broadcast %reduce_sum3A_305 : f32 to vector<1xf32>
      %stack3A_328 = vector.broadcast %reduce_sum3A_312 : f32 to vector<1xf32>
      %stack3A_329 = tpu.concatenate %stack3A_317, %stack3A_318, %stack3A_319, %stack3A_320, %stack3A_321, %stack3A_322, %stack3A_323, %stack3A_324, %stack3A_325, %stack3A_326, %stack3A_327, %stack3A_328 in 0 : vector<1xf32>, vector<1xf32>, vector<1xf32>, vector<1xf32>, vector<1xf32>, vector<1xf32>, vector<1xf32>, vector<1xf32>, vector<1xf32>, vector<1xf32>, vector<1xf32>, vector<1xf32> -> vector<12xf32>
      %stack3A_330 = vector.broadcast %reduce_sum3A_92 : f32 to vector<1xf32>
      %stack3A_331 = vector.broadcast %reduce_sum3A_100 : f32 to vector<1xf32>
      %stack3A_332 = vector.broadcast %reduce_sum3A_109 : f32 to vector<1xf32>
      %stack3A_333 = tpu.concatenate %stack3A_330, %stack3A_331, %stack3A_332 in 0 : vector<1xf32>, vector<1xf32>, vector<1xf32> -> vector<3xf32>
      %concatenate3A_334 = tpu.concatenate %stack3A_329, %stack3A_333 in 0 : vector<12xf32>, vector<3xf32> -> vector<15xf32>
      %reshape3A_335 = vector.shape_cast %concatenate3A_334 : vector<15xf32> to vector<1x1x15xf32>
      %swap3A_336 = arith.constant 0 : index
      %swap3A_337 = arith.constant 0 : index
      %swap3A_338 = arith.constant 0 : index
      %swap3A_339 = vector.load %arg16[%swap3A_336, %swap3A_337, %swap3A_338] : memref<1x1x15xf32, #tpu.memory_space<vmem>>, vector<1x1x15xf32>
      tpu.vector_store %arg16[%swap3A_336, %swap3A_337, %swap3A_338], %reshape3A_335 {strides = array<i32>} : memref<1x1x15xf32, #tpu.memory_space<vmem>>, vector<1x1x15xf32>,
      %and3A_340 = arith.andi %eq3A_84, %eq3A_87 : vector<64x1xi1>
      %reduce_or3A_341 = arith.constant 1.000000e+00 : f32
      %reduce_or3A_342 = arith.constant 0.000000e+00 : f32
      %reduce_or3A_343 = vector.broadcast %reduce_or3A_341 : f32 to vector<64x1xf32>
      %reduce_or3A_344 = vector.broadcast %reduce_or3A_342 : f32 to vector<64x1xf32>
      %reduce_or3A_345 = arith.select %and3A_340, %reduce_or3A_343, %reduce_or3A_344 : vector<64x1xi1>, vector<64x1xf32>
      %reduce_or3A_346 = vector.shape_cast %reduce_or3A_345 : vector<64x1xf32> to vector<1x64x1xf32>
      %reduce_or3A_347 = arith.constant dense<0xFF800000> : vector<1xf32>
      %reduce_or3A_348 = vector.multi_reduction <maximumf>, %reduce_or3A_346, %reduce_or3A_347 [1, 2] : vector<1x64x1xf32> to vector<1xf32>
      %reduce_or3A_349 = vector.shape_cast %reduce_or3A_348 : vector<1xf32> to vector<1x1x1xf32>
      %reduce_or3A_350 = vector.extract %reduce_or3A_349[0, 0, 0] : f32 from vector<1x1x1xf32>
      %reduce_or3A_351 = arith.constant 0.000000e+00 : f32
      %reduce_or3A_352 = arith.cmpf ogt, %reduce_or3A_350, %reduce_or3A_351 : f32
      %convert_element_type3A_353 = arith.extui %reduce_or3A_352 : i1 to i32
      %cond3A_354 = arith.constant 0x7F800000 : f32
      %cond3A_355 = arith.constant 0 : i32
      %cond3A_356 = arith.cmpi ne, %convert_element_type3A_353, %cond3A_355 : i32
      scf.if %cond3A_356 {
        %broadcast_in_dim3A_357 = vector.shape_cast %eq3A_39 : vector<64x1xi1> to vector<64x1xi1>
        %broadcast_in_dim3A_358 = vector.broadcast %broadcast_in_dim3A_357 : vector<64x1xi1> to vector<64x16384xi1>
        %broadcast_in_dim3A_359 = vector.shape_cast %get3A_28 : vector<1x16384xf32> to vector<1x16384xf32>
        %broadcast_in_dim3A_360 = vector.broadcast %broadcast_in_dim3A_359 : vector<1x16384xf32> to vector<64x16384xf32>
        %broadcast_in_dim3A_361 = vector.shape_cast %get3A_31 : vector<1x16384xf32> to vector<1x16384xf32>
        %broadcast_in_dim3A_362 = vector.broadcast %broadcast_in_dim3A_361 : vector<1x16384xf32> to vector<64x16384xf32>
        %select_n3A_363 = arith.select %broadcast_in_dim3A_358, %broadcast_in_dim3A_360, %broadcast_in_dim3A_362 : vector<64x16384xi1>, vector<64x16384xf32>
        %broadcast_in_dim3A_364 = vector.shape_cast %eq3A_39 : vector<64x1xi1> to vector<64x1xi1>
        %broadcast_in_dim3A_365 = vector.broadcast %broadcast_in_dim3A_364 : vector<64x1xi1> to vector<64x16384xi1>
        %broadcast_in_dim3A_366 = vector.shape_cast %get3A_34 : vector<1x16384xf32> to vector<1x16384xf32>
        %broadcast_in_dim3A_367 = vector.broadcast %broadcast_in_dim3A_366 : vector<1x16384xf32> to vector<64x16384xf32>
        %broadcast_in_dim3A_368 = vector.shape_cast %get3A_37 : vector<1x16384xf32> to vector<1x16384xf32>
        %broadcast_in_dim3A_369 = vector.broadcast %broadcast_in_dim3A_368 : vector<1x16384xf32> to vector<64x16384xf32>
        %select_n3A_370 = arith.select %broadcast_in_dim3A_365, %broadcast_in_dim3A_367, %broadcast_in_dim3A_369 : vector<64x16384xi1>, vector<64x16384xf32>
        %jit3A_371 = arith.constant 0.000000e+00 : f32
        %broadcast_in_dim3A_372 = vector.broadcast %jit3A_371 : f32 to vector<64x16384xf32>
        %select_n3A_373 = arith.select %eq3A_183, %select_n3A_363, %broadcast_in_dim3A_372 : vector<64x16384xi1>, vector<64x16384xf32>
        %reduce_sum3A_374 = arith.constant dense<0.000000e+00> : vector<64xf32>
        %reduce_sum3A_375 = vector.multi_reduction <add>, %select_n3A_373, %reduce_sum3A_374 [1] : vector<64x16384xf32> to vector<64xf32>
        %broadcast_in_dim3A_376 = vector.shape_cast %reduce_sum3A_375 : vector<64xf32> to vector<64x1xf32>
        %jit3A_377 = arith.constant 0.000000e+00 : f32
        %broadcast_in_dim3A_378 = vector.broadcast %jit3A_377 : f32 to vector<64x16384xf32>
        %select_n3A_379 = arith.select %eq3A_183, %select_n3A_370, %broadcast_in_dim3A_378 : vector<64x16384xi1>, vector<64x16384xf32>
        %reduce_sum3A_380 = arith.constant dense<0.000000e+00> : vector<64xf32>
        %reduce_sum3A_381 = vector.multi_reduction <add>, %select_n3A_379, %reduce_sum3A_380 [1] : vector<64x16384xf32> to vector<64xf32>
        %broadcast_in_dim3A_382 = vector.shape_cast %reduce_sum3A_381 : vector<64xf32> to vector<64x1xf32>
        %broadcast_in_dim3A_383 = vector.broadcast %cond3A_354 : f32 to vector<64x16384xf32>
        %select_n3A_384 = arith.select %eq3A_183, %broadcast_in_dim3A_383, %select_n3A_168 : vector<64x16384xi1>, vector<64x16384xf32>
        %reduce_min3A_385 = arith.constant dense<0x7F800000> : vector<64xf32>
        %reduce_min3A_386 = vector.multi_reduction <minimumf>, %select_n3A_384, %reduce_min3A_385 [1] : vector<64x16384xf32> to vector<64xf32>
        %broadcast_in_dim3A_387 = vector.shape_cast %reduce_min3A_386 : vector<64xf32> to vector<64x1xf32>
        %eq3A_388 = vector.broadcast %broadcast_in_dim3A_387 : vector<64x1xf32> to vector<64x16384xf32>
        %eq3A_389 = arith.cmpf oeq, %select_n3A_384, %eq3A_388 : vector<64x16384xf32>
        %jit3A_390 = arith.constant 16384 : i32
        %broadcast_in_dim3A_391 = vector.shape_cast %iota3A : vector<1x16384xi32> to vector<1x16384xi32>
        %broadcast_in_dim3A_392 = vector.broadcast %broadcast_in_dim3A_391 : vector<1x16384xi32> to vector<64x16384xi32>
        %broadcast_in_dim3A_393 = vector.broadcast %jit3A_390 : i32 to vector<64x16384xi32>
        %select_n3A_394 = arith.select %eq3A_389, %broadcast_in_dim3A_392, %broadcast_in_dim3A_393 : vector<64x16384xi1>, vector<64x16384xi32>
        %reduce_min3A_395 = arith.constant dense<2147483647> : vector<64xi32>
        %reduce_min3A_396 = vector.multi_reduction <minsi>, %select_n3A_394, %reduce_min3A_395 [1] : vector<64x16384xi32> to vector<64xi32>
        %broadcast_in_dim3A_397 = vector.shape_cast %reduce_min3A_396 : vector<64xi32> to vector<64x1xi32>
        %eq3A_398 = vector.broadcast %iota3A : vector<1x16384xi32> to vector<64x16384xi32>
        %eq3A_399 = vector.broadcast %broadcast_in_dim3A_397 : vector<64x1xi32> to vector<64x16384xi32>
        %eq3A_400 = arith.cmpi eq, %eq3A_398, %eq3A_399 : vector<64x16384xi32>
        %jit3A_401 = arith.constant 0.000000e+00 : f32
        %broadcast_in_dim3A_402 = vector.broadcast %jit3A_401 : f32 to vector<64x16384xf32>
        %select_n3A_403 = arith.select %eq3A_400, %select_n3A_363, %broadcast_in_dim3A_402 : vector<64x16384xi1>, vector<64x16384xf32>
        %reduce_sum3A_404 = arith.constant dense<0.000000e+00> : vector<64xf32>
        %reduce_sum3A_405 = vector.multi_reduction <add>, %select_n3A_403, %reduce_sum3A_404 [1] : vector<64x16384xf32> to vector<64xf32>
        %broadcast_in_dim3A_406 = vector.shape_cast %reduce_sum3A_405 : vector<64xf32> to vector<64x1xf32>
        %jit3A_407 = arith.constant 0.000000e+00 : f32
        %broadcast_in_dim3A_408 = vector.broadcast %jit3A_407 : f32 to vector<64x16384xf32>
        %select_n3A_409 = arith.select %eq3A_400, %select_n3A_370, %broadcast_in_dim3A_408 : vector<64x16384xi1>, vector<64x16384xf32>
        %reduce_sum3A_410 = arith.constant dense<0.000000e+00> : vector<64xf32>
        %reduce_sum3A_411 = vector.multi_reduction <add>, %select_n3A_409, %reduce_sum3A_410 [1] : vector<64x16384xf32> to vector<64xf32>
        %broadcast_in_dim3A_412 = vector.shape_cast %reduce_sum3A_411 : vector<64xf32> to vector<64x1xf32>
        %broadcast_in_dim3A_413 = vector.broadcast %cond3A_354 : f32 to vector<64x16384xf32>
        %select_n3A_414 = arith.select %eq3A_400, %broadcast_in_dim3A_413, %select_n3A_384 : vector<64x16384xi1>, vector<64x16384xf32>
        %reduce_min3A_415 = arith.constant dense<0x7F800000> : vector<64xf32>
        %reduce_min3A_416 = vector.multi_reduction <minimumf>, %select_n3A_414, %reduce_min3A_415 [1] : vector<64x16384xf32> to vector<64xf32>
        %broadcast_in_dim3A_417 = vector.shape_cast %reduce_min3A_416 : vector<64xf32> to vector<64x1xf32>
        %eq3A_418 = vector.broadcast %broadcast_in_dim3A_417 : vector<64x1xf32> to vector<64x16384xf32>
        %eq3A_419 = arith.cmpf oeq, %select_n3A_414, %eq3A_418 : vector<64x16384xf32>
        %jit3A_420 = arith.constant 16384 : i32
        %broadcast_in_dim3A_421 = vector.shape_cast %iota3A : vector<1x16384xi32> to vector<1x16384xi32>
        %broadcast_in_dim3A_422 = vector.broadcast %broadcast_in_dim3A_421 : vector<1x16384xi32> to vector<64x16384xi32>
        %broadcast_in_dim3A_423 = vector.broadcast %jit3A_420 : i32 to vector<64x16384xi32>
        %select_n3A_424 = arith.select %eq3A_419, %broadcast_in_dim3A_422, %broadcast_in_dim3A_423 : vector<64x16384xi1>, vector<64x16384xi32>
        %reduce_min3A_425 = arith.constant dense<2147483647> : vector<64xi32>
        %reduce_min3A_426 = vector.multi_reduction <minsi>, %select_n3A_424, %reduce_min3A_425 [1] : vector<64x16384xi32> to vector<64xi32>
        %broadcast_in_dim3A_427 = vector.shape_cast %reduce_min3A_426 : vector<64xi32> to vector<64x1xi32>
        %eq3A_428 = vector.broadcast %iota3A : vector<1x16384xi32> to vector<64x16384xi32>
        %eq3A_429 = vector.broadcast %broadcast_in_dim3A_427 : vector<64x1xi32> to vector<64x16384xi32>
        %eq3A_430 = arith.cmpi eq, %eq3A_428, %eq3A_429 : vector<64x16384xi32>
        %jit3A_431 = arith.constant 0.000000e+00 : f32
        %broadcast_in_dim3A_432 = vector.broadcast %jit3A_431 : f32 to vector<64x16384xf32>
        %select_n3A_433 = arith.select %eq3A_430, %select_n3A_363, %broadcast_in_dim3A_432 : vector<64x16384xi1>, vector<64x16384xf32>
        %reduce_sum3A_434 = arith.constant dense<0.000000e+00> : vector<64xf32>
        %reduce_sum3A_435 = vector.multi_reduction <add>, %select_n3A_433, %reduce_sum3A_434 [1] : vector<64x16384xf32> to vector<64xf32>
        %broadcast_in_dim3A_436 = vector.shape_cast %reduce_sum3A_435 : vector<64xf32> to vector<64x1xf32>
        %jit3A_437 = arith.constant 0.000000e+00 : f32
        %broadcast_in_dim3A_438 = vector.broadcast %jit3A_437 : f32 to vector<64x16384xf32>
        %select_n3A_439 = arith.select %eq3A_430, %select_n3A_370, %broadcast_in_dim3A_438 : vector<64x16384xi1>, vector<64x16384xf32>
        %reduce_sum3A_440 = arith.constant dense<0.000000e+00> : vector<64xf32>
        %reduce_sum3A_441 = vector.multi_reduction <add>, %select_n3A_439, %reduce_sum3A_440 [1] : vector<64x16384xf32> to vector<64xf32>
        %broadcast_in_dim3A_442 = vector.shape_cast %reduce_sum3A_441 : vector<64xf32> to vector<64x1xf32>
        %broadcast_in_dim3A_443 = vector.broadcast %cond3A_354 : f32 to vector<64x16384xf32>
        %select_n3A_444 = arith.select %eq3A_430, %broadcast_in_dim3A_443, %select_n3A_414 : vector<64x16384xi1>, vector<64x16384xf32>
        %reduce_min3A_445 = arith.constant dense<0x7F800000> : vector<64xf32>
        %reduce_min3A_446 = vector.multi_reduction <minimumf>, %select_n3A_444, %reduce_min3A_445 [1] : vector<64x16384xf32> to vector<64xf32>
        %broadcast_in_dim3A_447 = vector.shape_cast %reduce_min3A_446 : vector<64xf32> to vector<64x1xf32>
        %eq3A_448 = vector.broadcast %broadcast_in_dim3A_447 : vector<64x1xf32> to vector<64x16384xf32>
        %eq3A_449 = arith.cmpf oeq, %select_n3A_444, %eq3A_448 : vector<64x16384xf32>
        %jit3A_450 = arith.constant 16384 : i32
        %broadcast_in_dim3A_451 = vector.shape_cast %iota3A : vector<1x16384xi32> to vector<1x16384xi32>
        %broadcast_in_dim3A_452 = vector.broadcast %broadcast_in_dim3A_451 : vector<1x16384xi32> to vector<64x16384xi32>
        %broadcast_in_dim3A_453 = vector.broadcast %jit3A_450 : i32 to vector<64x16384xi32>
        %select_n3A_454 = arith.select %eq3A_449, %broadcast_in_dim3A_452, %broadcast_in_dim3A_453 : vector<64x16384xi1>, vector<64x16384xi32>
        %reduce_min3A_455 = arith.constant dense<2147483647> : vector<64xi32>
        %reduce_min3A_456 = vector.multi_reduction <minsi>, %select_n3A_454, %reduce_min3A_455 [1] : vector<64x16384xi32> to vector<64xi32>
        %broadcast_in_dim3A_457 = vector.shape_cast %reduce_min3A_456 : vector<64xi32> to vector<64x1xi32>
        %eq3A_458 = vector.broadcast %iota3A : vector<1x16384xi32> to vector<64x16384xi32>
        %eq3A_459 = vector.broadcast %broadcast_in_dim3A_457 : vector<64x1xi32> to vector<64x16384xi32>
        %eq3A_460 = arith.cmpi eq, %eq3A_458, %eq3A_459 : vector<64x16384xi32>
        %jit3A_461 = arith.constant 0.000000e+00 : f32
        %broadcast_in_dim3A_462 = vector.broadcast %jit3A_461 : f32 to vector<64x16384xf32>
        %select_n3A_463 = arith.select %eq3A_460, %select_n3A_363, %broadcast_in_dim3A_462 : vector<64x16384xi1>, vector<64x16384xf32>
        %reduce_sum3A_464 = arith.constant dense<0.000000e+00> : vector<64xf32>
        %reduce_sum3A_465 = vector.multi_reduction <add>, %select_n3A_463, %reduce_sum3A_464 [1] : vector<64x16384xf32> to vector<64xf32>
        %broadcast_in_dim3A_466 = vector.shape_cast %reduce_sum3A_465 : vector<64xf32> to vector<64x1xf32>
        %jit3A_467 = arith.constant 0.000000e+00 : f32
        %broadcast_in_dim3A_468 = vector.broadcast %jit3A_467 : f32 to vector<64x16384xf32>
        %select_n3A_469 = arith.select %eq3A_460, %select_n3A_370, %broadcast_in_dim3A_468 : vector<64x16384xi1>, vector<64x16384xf32>
        %reduce_sum3A_470 = arith.constant dense<0.000000e+00> : vector<64xf32>
        %reduce_sum3A_471 = vector.multi_reduction <add>, %select_n3A_469, %reduce_sum3A_470 [1] : vector<64x16384xf32> to vector<64xf32>
        %broadcast_in_dim3A_472 = vector.shape_cast %reduce_sum3A_471 : vector<64xf32> to vector<64x1xf32>
        %broadcast_in_dim3A_473 = vector.broadcast %cond3A_354 : f32 to vector<64x16384xf32>
        %select_n3A_474 = arith.select %eq3A_460, %broadcast_in_dim3A_473, %select_n3A_444 : vector<64x16384xi1>, vector<64x16384xf32>
        %reduce_min3A_475 = arith.constant dense<0x7F800000> : vector<64xf32>
        %reduce_min3A_476 = vector.multi_reduction <minimumf>, %select_n3A_474, %reduce_min3A_475 [1] : vector<64x16384xf32> to vector<64xf32>
        %broadcast_in_dim3A_477 = vector.shape_cast %reduce_min3A_476 : vector<64xf32> to vector<64x1xf32>
        %eq3A_478 = vector.broadcast %broadcast_in_dim3A_477 : vector<64x1xf32> to vector<64x16384xf32>
        %eq3A_479 = arith.cmpf oeq, %select_n3A_474, %eq3A_478 : vector<64x16384xf32>
        %jit3A_480 = arith.constant 16384 : i32
        %broadcast_in_dim3A_481 = vector.shape_cast %iota3A : vector<1x16384xi32> to vector<1x16384xi32>
        %broadcast_in_dim3A_482 = vector.broadcast %broadcast_in_dim3A_481 : vector<1x16384xi32> to vector<64x16384xi32>
        %broadcast_in_dim3A_483 = vector.broadcast %jit3A_480 : i32 to vector<64x16384xi32>
        %select_n3A_484 = arith.select %eq3A_479, %broadcast_in_dim3A_482, %broadcast_in_dim3A_483 : vector<64x16384xi1>, vector<64x16384xi32>
        %reduce_min3A_485 = arith.constant dense<2147483647> : vector<64xi32>
        %reduce_min3A_486 = vector.multi_reduction <minsi>, %select_n3A_484, %reduce_min3A_485 [1] : vector<64x16384xi32> to vector<64xi32>
        %broadcast_in_dim3A_487 = vector.shape_cast %reduce_min3A_486 : vector<64xi32> to vector<64x1xi32>
        %eq3A_488 = vector.broadcast %iota3A : vector<1x16384xi32> to vector<64x16384xi32>
        %eq3A_489 = vector.broadcast %broadcast_in_dim3A_487 : vector<64x1xi32> to vector<64x16384xi32>
        %eq3A_490 = arith.cmpi eq, %eq3A_488, %eq3A_489 : vector<64x16384xi32>
        %jit3A_491 = arith.constant 0.000000e+00 : f32
        %broadcast_in_dim3A_492 = vector.broadcast %jit3A_491 : f32 to vector<64x16384xf32>
        %select_n3A_493 = arith.select %eq3A_490, %select_n3A_363, %broadcast_in_dim3A_492 : vector<64x16384xi1>, vector<64x16384xf32>
        %reduce_sum3A_494 = arith.constant dense<0.000000e+00> : vector<64xf32>
        %reduce_sum3A_495 = vector.multi_reduction <add>, %select_n3A_493, %reduce_sum3A_494 [1] : vector<64x16384xf32> to vector<64xf32>
        %broadcast_in_dim3A_496 = vector.shape_cast %reduce_sum3A_495 : vector<64xf32> to vector<64x1xf32>
        %jit3A_497 = arith.constant 0.000000e+00 : f32
        %broadcast_in_dim3A_498 = vector.broadcast %jit3A_497 : f32 to vector<64x16384xf32>
        %select_n3A_499 = arith.select %eq3A_490, %select_n3A_370, %broadcast_in_dim3A_498 : vector<64x16384xi1>, vector<64x16384xf32>
        %reduce_sum3A_500 = arith.constant dense<0.000000e+00> : vector<64xf32>
        %reduce_sum3A_501 = vector.multi_reduction <add>, %select_n3A_499, %reduce_sum3A_500 [1] : vector<64x16384xf32> to vector<64xf32>
        %broadcast_in_dim3A_502 = vector.shape_cast %reduce_sum3A_501 : vector<64xf32> to vector<64x1xf32>
        %mul3A_503 = arith.mulf %broadcast_in_dim3A_170, %broadcast_in_dim3A_170 : vector<64x1xf32>
        %neg3A = arith.constant 0.000000e+00 : f32
        %neg3A_504 = vector.broadcast %neg3A : f32 to vector<64x1xf32>
        %neg3A_505 = arith.subf %neg3A_504, %mul3A_503 : vector<64x1xf32>
        %div3A_506 = arith.constant 2.500000e-01 : f32
        %div3A_507 = vector.broadcast %div3A_506 : f32 to vector<64x1xf32>
        %div3A_508 = arith.divf %neg3A_505, %div3A_507 : vector<64x1xf32>
        %mul3A_509 = arith.mulf %broadcast_in_dim3A_387, %broadcast_in_dim3A_387 : vector<64x1xf32>
        %neg3A_510 = arith.constant 0.000000e+00 : f32
        %neg3A_511 = vector.broadcast %neg3A_510 : f32 to vector<64x1xf32>
        %neg3A_512 = arith.subf %neg3A_511, %mul3A_509 : vector<64x1xf32>
        %div3A_513 = arith.constant 2.500000e-01 : f32
        %div3A_514 = vector.broadcast %div3A_513 : f32 to vector<64x1xf32>
        %div3A_515 = arith.divf %neg3A_512, %div3A_514 : vector<64x1xf32>
        %mul3A_516 = arith.mulf %broadcast_in_dim3A_417, %broadcast_in_dim3A_417 : vector<64x1xf32>
        %neg3A_517 = arith.constant 0.000000e+00 : f32
        %neg3A_518 = vector.broadcast %neg3A_517 : f32 to vector<64x1xf32>
        %neg3A_519 = arith.subf %neg3A_518, %mul3A_516 : vector<64x1xf32>
        %div3A_520 = arith.constant 2.500000e-01 : f32
        %div3A_521 = vector.broadcast %div3A_520 : f32 to vector<64x1xf32>
        %div3A_522 = arith.divf %neg3A_519, %div3A_521 : vector<64x1xf32>
        %mul3A_523 = arith.mulf %broadcast_in_dim3A_447, %broadcast_in_dim3A_447 : vector<64x1xf32>
        %neg3A_524 = arith.constant 0.000000e+00 : f32
        %neg3A_525 = vector.broadcast %neg3A_524 : f32 to vector<64x1xf32>
        %neg3A_526 = arith.subf %neg3A_525, %mul3A_523 : vector<64x1xf32>
        %div3A_527 = arith.constant 2.500000e-01 : f32
        %div3A_528 = vector.broadcast %div3A_527 : f32 to vector<64x1xf32>
        %div3A_529 = arith.divf %neg3A_526, %div3A_528 : vector<64x1xf32>
        %mul3A_530 = arith.mulf %broadcast_in_dim3A_477, %broadcast_in_dim3A_477 : vector<64x1xf32>
        %neg3A_531 = arith.constant 0.000000e+00 : f32
        %neg3A_532 = vector.broadcast %neg3A_531 : f32 to vector<64x1xf32>
        %neg3A_533 = arith.subf %neg3A_532, %mul3A_530 : vector<64x1xf32>
        %div3A_534 = arith.constant 2.500000e-01 : f32
        %div3A_535 = vector.broadcast %div3A_534 : f32 to vector<64x1xf32>
        %div3A_536 = arith.divf %neg3A_533, %div3A_535 : vector<64x1xf32>
        %sub3A_537 = arith.subf %div3A_508, %div3A_508 : vector<64x1xf32>
        %exp3A_538 = math.exp %sub3A_537 : vector<64x1xf32>
        %sub3A_539 = arith.subf %div3A_515, %div3A_508 : vector<64x1xf32>
        %exp3A_540 = math.exp %sub3A_539 : vector<64x1xf32>
        %sub3A_541 = arith.subf %div3A_522, %div3A_508 : vector<64x1xf32>
        %exp3A_542 = math.exp %sub3A_541 : vector<64x1xf32>
        %sub3A_543 = arith.subf %div3A_529, %div3A_508 : vector<64x1xf32>
        %exp3A_544 = math.exp %sub3A_543 : vector<64x1xf32>
        %sub3A_545 = arith.subf %div3A_536, %div3A_508 : vector<64x1xf32>
        %exp3A_546 = math.exp %sub3A_545 : vector<64x1xf32>
        %add3A_547 = arith.addf %exp3A_538, %exp3A_540 : vector<64x1xf32>
        %add3A_548 = arith.addf %add3A_547, %exp3A_542 : vector<64x1xf32>
        %add3A_549 = arith.addf %exp3A_544, %exp3A_546 : vector<64x1xf32>
        %add3A_550 = arith.addf %add3A_548, %add3A_549 : vector<64x1xf32>
        %broadcast_in_dim3A_551 = arith.constant 0.000000e+00 : f32
        %broadcast_in_dim3A_552 = vector.broadcast %broadcast_in_dim3A_551 : f32 to vector<64x1xf32>
        %broadcast_in_dim3A_553 = arith.constant 0.000000e+00 : f32
        %broadcast_in_dim3A_554 = vector.broadcast %broadcast_in_dim3A_553 : f32 to vector<64x1xf32>
        %div3A_555 = arith.divf %exp3A_538, %add3A_550 : vector<64x1xf32>
        %mul3A_556 = arith.mulf %div3A_555, %broadcast_in_dim3A_376 : vector<64x1xf32>
        %add3A_557 = arith.addf %broadcast_in_dim3A_552, %mul3A_556 : vector<64x1xf32>
        %mul3A_558 = arith.mulf %div3A_555, %broadcast_in_dim3A_382 : vector<64x1xf32>
        %add3A_559 = arith.addf %broadcast_in_dim3A_554, %mul3A_558 : vector<64x1xf32>
        %div3A_560 = arith.divf %exp3A_540, %add3A_550 : vector<64x1xf32>
        %mul3A_561 = arith.mulf %div3A_560, %broadcast_in_dim3A_406 : vector<64x1xf32>
        %add3A_562 = arith.addf %add3A_557, %mul3A_561 : vector<64x1xf32>
        %mul3A_563 = arith.mulf %div3A_560, %broadcast_in_dim3A_412 : vector<64x1xf32>
        %add3A_564 = arith.addf %add3A_559, %mul3A_563 : vector<64x1xf32>
        %div3A_565 = arith.divf %exp3A_542, %add3A_550 : vector<64x1xf32>
        %mul3A_566 = arith.mulf %div3A_565, %broadcast_in_dim3A_436 : vector<64x1xf32>
        %add3A_567 = arith.addf %add3A_562, %mul3A_566 : vector<64x1xf32>
        %mul3A_568 = arith.mulf %div3A_565, %broadcast_in_dim3A_442 : vector<64x1xf32>
        %add3A_569 = arith.addf %add3A_564, %mul3A_568 : vector<64x1xf32>
        %div3A_570 = arith.divf %exp3A_544, %add3A_550 : vector<64x1xf32>
        %mul3A_571 = arith.mulf %div3A_570, %broadcast_in_dim3A_466 : vector<64x1xf32>
        %add3A_572 = arith.addf %add3A_567, %mul3A_571 : vector<64x1xf32>
        %mul3A_573 = arith.mulf %div3A_570, %broadcast_in_dim3A_472 : vector<64x1xf32>
        %add3A_574 = arith.addf %add3A_569, %mul3A_573 : vector<64x1xf32>
        %div3A_575 = arith.divf %exp3A_546, %add3A_550 : vector<64x1xf32>
        %mul3A_576 = arith.mulf %div3A_575, %broadcast_in_dim3A_496 : vector<64x1xf32>
        %add3A_577 = arith.addf %add3A_572, %mul3A_576 : vector<64x1xf32>
        %mul3A_578 = arith.mulf %div3A_575, %broadcast_in_dim3A_502 : vector<64x1xf32>
        %add3A_579 = arith.addf %add3A_574, %mul3A_578 : vector<64x1xf32>
        %slice3A_580 = vector.extract_strided_slice %get3A_4 {offsets = [0, 0], sizes = [64, 1], strides = [1, 1]} : vector<64x2xf32> to vector<64x1xf32>
        %mul3A_581 = arith.constant 2.000000e+00 : f32
        %mul3A_582 = vector.broadcast %mul3A_581 : f32 to vector<64x1xf32>
        %mul3A_583 = arith.mulf %mul3A_582, %slice3A_580 : vector<64x1xf32>
        %exp3A_584 = math.exp %mul3A_583 : vector<64x1xf32>
        %slice3A_585 = vector.extract_strided_slice %get3A_4 {offsets = [0, 1], sizes = [64, 1], strides = [1, 1]} : vector<64x2xf32> to vector<64x1xf32>
        %mul3A_586 = arith.constant 2.000000e+00 : f32
        %mul3A_587 = vector.broadcast %mul3A_586 : f32 to vector<64x1xf32>
        %mul3A_588 = arith.mulf %mul3A_587, %slice3A_585 : vector<64x1xf32>
        %exp3A_589 = math.exp %mul3A_588 : vector<64x1xf32>
        %slice3A_590 = vector.extract_strided_slice %get3A_4 {offsets = [0, 0], sizes = [64, 1], strides = [1, 1]} : vector<64x2xf32> to vector<64x1xf32>
        %mul3A_591 = arith.constant 2.000000e+00 : f32
        %mul3A_592 = vector.broadcast %mul3A_591 : f32 to vector<64x1xf32>
        %mul3A_593 = arith.mulf %mul3A_592, %slice3A_590 : vector<64x1xf32>
        %slice3A_594 = vector.extract_strided_slice %get3A_1 {offsets = [0, 0], sizes = [64, 1], strides = [1, 1]} : vector<64x2xf32> to vector<64x1xf32>
        %sub3A_595 = arith.subf %add3A_577, %slice3A_594 : vector<64x1xf32>
        %integer_pow3A_596 = arith.mulf %sub3A_595, %sub3A_595 : vector<64x1xf32>
        %add3A_597 = arith.constant 9.99999996E-13 : f32
        %add3A_598 = vector.broadcast %add3A_597 : f32 to vector<64x1xf32>
        %add3A_599 = arith.addf %exp3A_584, %add3A_598 : vector<64x1xf32>
        %div3A_600 = arith.divf %integer_pow3A_596, %add3A_599 : vector<64x1xf32>
        %add3A_601 = arith.addf %mul3A_593, %div3A_600 : vector<64x1xf32>
        %slice3A_602 = vector.extract_strided_slice %get3A_4 {offsets = [0, 1], sizes = [64, 1], strides = [1, 1]} : vector<64x2xf32> to vector<64x1xf32>
        %mul3A_603 = arith.constant 2.000000e+00 : f32
        %mul3A_604 = vector.broadcast %mul3A_603 : f32 to vector<64x1xf32>
        %mul3A_605 = arith.mulf %mul3A_604, %slice3A_602 : vector<64x1xf32>
        %slice3A_606 = vector.extract_strided_slice %get3A_1 {offsets = [0, 1], sizes = [64, 1], strides = [1, 1]} : vector<64x2xf32> to vector<64x1xf32>
        %sub3A_607 = arith.subf %add3A_579, %slice3A_606 : vector<64x1xf32>
        %integer_pow3A_608 = arith.mulf %sub3A_607, %sub3A_607 : vector<64x1xf32>
        %add3A_609 = arith.constant 9.99999996E-13 : f32
        %add3A_610 = vector.broadcast %add3A_609 : f32 to vector<64x1xf32>
        %add3A_611 = arith.addf %exp3A_589, %add3A_610 : vector<64x1xf32>
        %div3A_612 = arith.divf %integer_pow3A_608, %add3A_611 : vector<64x1xf32>
        %add3A_613 = arith.addf %mul3A_605, %div3A_612 : vector<64x1xf32>
        %add3A_614 = arith.addf %add3A_601, %add3A_613 : vector<64x1xf32>
        %mul3A_615 = arith.constant 5.000000e-01 : f32
        %mul3A_616 = vector.broadcast %mul3A_615 : f32 to vector<64x1xf32>
        %mul3A_617 = arith.mulf %mul3A_616, %add3A_614 : vector<64x1xf32>
        %le3A_618 = arith.constant 1.500000e-01 : f32
        %le3A_619 = vector.broadcast %le3A_618 : f32 to vector<64x1xf32>
        %le3A_620 = arith.cmpf ole, %broadcast_in_dim3A_170, %le3A_619 : vector<64x1xf32>
        %and3A_621 = arith.andi %le3A_620, %eq3A_84 : vector<64x1xi1>
        %and3A_622 = arith.andi %and3A_621, %eq3A_87 : vector<64x1xi1>
        %eq3A_623 = arith.constant 0 : i32
        %eq3A_624 = vector.broadcast %eq3A_623 : i32 to vector<64x1xi32>
        %eq3A_625 = arith.cmpi eq, %get3A_13, %eq3A_624 : vector<64x1xi32>
        %and3A_626 = arith.andi %and3A_622, %eq3A_625 : vector<64x1xi1>
        %jit3A_627 = arith.constant 0.000000e+00 : f32
        %broadcast_in_dim3A_628 = vector.broadcast %jit3A_627 : f32 to vector<64x1xf32>
        %select_n3A_629 = arith.select %and3A_626, %mul3A_617, %broadcast_in_dim3A_628 : vector<64x1xi1>, vector<64x1xf32>
        %reduce_sum3A_630 = vector.shape_cast %select_n3A_629 : vector<64x1xf32> to vector<1x64x1xf32>
        %reduce_sum3A_631 = arith.constant dense<0.000000e+00> : vector<1xf32>
        %reduce_sum3A_632 = vector.multi_reduction <add>, %reduce_sum3A_630, %reduce_sum3A_631 [1, 2] : vector<1x64x1xf32> to vector<1xf32>
        %reduce_sum3A_633 = vector.shape_cast %reduce_sum3A_632 : vector<1xf32> to vector<1x1x1xf32>
        %reduce_sum3A_634 = vector.extract %reduce_sum3A_633[0, 0, 0] : f32 from vector<1x1x1xf32>
        %convert_element_type3A_635 = arith.extui %and3A_626 : vector<64x1xi1> to vector<64x1xi32>
        %convert_element_type3A_636 = arith.sitofp %convert_element_type3A_635 : vector<64x1xi32> to vector<64x1xf32>
        %reduce_sum3A_637 = vector.shape_cast %convert_element_type3A_636 : vector<64x1xf32> to vector<1x64x1xf32>
        %reduce_sum3A_638 = arith.constant dense<0.000000e+00> : vector<1xf32>
        %reduce_sum3A_639 = vector.multi_reduction <add>, %reduce_sum3A_637, %reduce_sum3A_638 [1, 2] : vector<1x64x1xf32> to vector<1xf32>
        %reduce_sum3A_640 = vector.shape_cast %reduce_sum3A_639 : vector<1xf32> to vector<1x1x1xf32>
        %reduce_sum3A_641 = vector.extract %reduce_sum3A_640[0, 0, 0] : f32 from vector<1x1x1xf32>
        %eq3A_642 = arith.constant 1 : i32
        %eq3A_643 = vector.broadcast %eq3A_642 : i32 to vector<64x1xi32>
        %eq3A_644 = arith.cmpi eq, %get3A_13, %eq3A_643 : vector<64x1xi32>
        %and3A_645 = arith.andi %and3A_622, %eq3A_644 : vector<64x1xi1>
        %jit3A_646 = arith.constant 0.000000e+00 : f32
        %broadcast_in_dim3A_647 = vector.broadcast %jit3A_646 : f32 to vector<64x1xf32>
        %select_n3A_648 = arith.select %and3A_645, %mul3A_617, %broadcast_in_dim3A_647 : vector<64x1xi1>, vector<64x1xf32>
        %reduce_sum3A_649 = vector.shape_cast %select_n3A_648 : vector<64x1xf32> to vector<1x64x1xf32>
        %reduce_sum3A_650 = arith.constant dense<0.000000e+00> : vector<1xf32>
        %reduce_sum3A_651 = vector.multi_reduction <add>, %reduce_sum3A_649, %reduce_sum3A_650 [1, 2] : vector<1x64x1xf32> to vector<1xf32>
        %reduce_sum3A_652 = vector.shape_cast %reduce_sum3A_651 : vector<1xf32> to vector<1x1x1xf32>
        %reduce_sum3A_653 = vector.extract %reduce_sum3A_652[0, 0, 0] : f32 from vector<1x1x1xf32>
        %convert_element_type3A_654 = arith.extui %and3A_645 : vector<64x1xi1> to vector<64x1xi32>
        %convert_element_type3A_655 = arith.sitofp %convert_element_type3A_654 : vector<64x1xi32> to vector<64x1xf32>
        %reduce_sum3A_656 = vector.shape_cast %convert_element_type3A_655 : vector<64x1xf32> to vector<1x64x1xf32>
        %reduce_sum3A_657 = arith.constant dense<0.000000e+00> : vector<1xf32>
        %reduce_sum3A_658 = vector.multi_reduction <add>, %reduce_sum3A_656, %reduce_sum3A_657 [1, 2] : vector<1x64x1xf32> to vector<1xf32>
        %reduce_sum3A_659 = vector.shape_cast %reduce_sum3A_658 : vector<1xf32> to vector<1x1x1xf32>
        %reduce_sum3A_660 = vector.extract %reduce_sum3A_659[0, 0, 0] : f32 from vector<1x1x1xf32>
        %stack3A_661 = vector.broadcast %reduce_sum3A_634 : f32 to vector<1xf32>
        %stack3A_662 = vector.broadcast %reduce_sum3A_641 : f32 to vector<1xf32>
        %stack3A_663 = vector.broadcast %reduce_sum3A_242 : f32 to vector<1xf32>
        %stack3A_664 = vector.broadcast %reduce_sum3A_249 : f32 to vector<1xf32>
        %stack3A_665 = vector.broadcast %reduce_sum3A_262 : f32 to vector<1xf32>
        %stack3A_666 = vector.broadcast %reduce_sum3A_269 : f32 to vector<1xf32>
        %stack3A_667 = vector.broadcast %reduce_sum3A_653 : f32 to vector<1xf32>
        %stack3A_668 = vector.broadcast %reduce_sum3A_660 : f32 to vector<1xf32>
        %stack3A_669 = vector.broadcast %reduce_sum3A_285 : f32 to vector<1xf32>
        %stack3A_670 = vector.broadcast %reduce_sum3A_292 : f32 to vector<1xf32>
        %stack3A_671 = vector.broadcast %reduce_sum3A_305 : f32 to vector<1xf32>
        %stack3A_672 = vector.broadcast %reduce_sum3A_312 : f32 to vector<1xf32>
        %stack3A_673 = tpu.concatenate %stack3A_661, %stack3A_662, %stack3A_663, %stack3A_664, %stack3A_665, %stack3A_666, %stack3A_667, %stack3A_668, %stack3A_669, %stack3A_670, %stack3A_671, %stack3A_672 in 0 : vector<1xf32>, vector<1xf32>, vector<1xf32>, vector<1xf32>, vector<1xf32>, vector<1xf32>, vector<1xf32>, vector<1xf32>, vector<1xf32>, vector<1xf32>, vector<1xf32>, vector<1xf32> -> vector<12xf32>
        %stack3A_674 = vector.broadcast %reduce_sum3A_92 : f32 to vector<1xf32>
        %stack3A_675 = vector.broadcast %reduce_sum3A_100 : f32 to vector<1xf32>
        %stack3A_676 = vector.broadcast %reduce_sum3A_109 : f32 to vector<1xf32>
        %stack3A_677 = tpu.concatenate %stack3A_674, %stack3A_675, %stack3A_676 in 0 : vector<1xf32>, vector<1xf32>, vector<1xf32> -> vector<3xf32>
        %concatenate3A_678 = tpu.concatenate %stack3A_673, %stack3A_677 in 0 : vector<12xf32>, vector<3xf32> -> vector<15xf32>
        %reshape3A_679 = vector.shape_cast %concatenate3A_678 : vector<15xf32> to vector<1x1x15xf32>
        %swap3A_680 = arith.constant 0 : index
        %swap3A_681 = arith.constant 0 : index
        %swap3A_682 = arith.constant 0 : index
        %swap3A_683 = vector.load %arg16[%swap3A_680, %swap3A_681, %swap3A_682] : memref<1x1x15xf32, #tpu.memory_space<vmem>>, vector<1x1x15xf32>
        tpu.vector_store %arg16[%swap3A_680, %swap3A_681, %swap3A_682], %reshape3A_679 {strides = array<i32>} : memref<1x1x15xf32, #tpu.memory_space<vmem>>, vector<1x1x15xf32>,
      } else {
      }
    } else {
    }
    return
  }
  func.func @transform_0(%arg0: i32) -> (i32, i32) {
    %c0_i32 = arith.constant 0 : i32
    %c0_i32_0 = arith.constant 0 : i32
    return %arg0, %c0_i32 : i32, i32
  }
  func.func @transform_1(%arg0: i32) -> (i32, i32) {
    %c0_i32 = arith.constant 0 : i32
    %c0_i32_0 = arith.constant 0 : i32
    return %arg0, %c0_i32 : i32, i32
  }
  func.func @transform_2(%arg0: i32) -> (i32, i32) {
    %c0_i32 = arith.constant 0 : i32
    %c0_i32_0 = arith.constant 0 : i32
    return %arg0, %c0_i32 : i32, i32
  }
  func.func @transform_3(%arg0: i32) -> (i32, i32) {
    %c0_i32 = arith.constant 0 : i32
    %c0_i32_0 = arith.constant 0 : i32
    return %arg0, %c0_i32 : i32, i32
  }
  func.func @transform_4(%arg0: i32) -> (i32, i32) {
    %c0_i32 = arith.constant 0 : i32
    %c0_i32_0 = arith.constant 0 : i32
    return %arg0, %c0_i32 : i32, i32
  }
  func.func @transform_5(%arg0: i32) -> (i32, i32) {
    %c0_i32 = arith.constant 0 : i32
    %c0_i32_0 = arith.constant 0 : i32
    return %arg0, %c0_i32 : i32, i32
  }
  func.func @transform_6(%arg0: i32) -> (i32, i32) {
    %c0_i32 = arith.constant 0 : i32
    %c0_i32_0 = arith.constant 0 : i32
    return %arg0, %c0_i32 : i32, i32
  }
  func.func @transform_7(%arg0: i32) -> (i32, i32) {
    %c0_i32 = arith.constant 0 : i32
    %c0_i32_0 = arith.constant 0 : i32
    return %arg0, %c0_i32 : i32, i32
  }
  func.func @transform_8(%arg0: i32) -> (i32, i32) {
    %c0_i32 = arith.constant 0 : i32
    %c0_i32_0 = arith.constant 0 : i32
    return %arg0, %c0_i32 : i32, i32
  }
  func.func @transform_9(%arg0: i32) -> (i32, i32) {
    %c0_i32 = arith.constant 0 : i32
    %c0_i32_0 = arith.constant 0 : i32
    return %arg0, %c0_i32 : i32, i32
  }
  func.func @transform_10(%arg0: i32) -> (i32, i32) {
    %c0_i32 = arith.constant 0 : i32
    %c0_i32_0 = arith.constant 0 : i32
    %c0_i32_1 = arith.constant 0 : i32
    return %c0_i32, %c0_i32_0 : i32, i32
  }
  func.func @transform_11(%arg0: i32) -> (i32, i32) {
    %c0_i32 = arith.constant 0 : i32
    %c0_i32_0 = arith.constant 0 : i32
    %c0_i32_1 = arith.constant 0 : i32
    return %c0_i32, %c0_i32_0 : i32, i32
  }
  func.func @transform_12(%arg0: i32) -> (i32, i32) {
    %c0_i32 = arith.constant 0 : i32
    %c0_i32_0 = arith.constant 0 : i32
    %c0_i32_1 = arith.constant 0 : i32
    return %c0_i32, %c0_i32_0 : i32, i32
  }
  func.func @transform_13(%arg0: i32) -> (i32, i32) {
    %c0_i32 = arith.constant 0 : i32
    %c0_i32_0 = arith.constant 0 : i32
    %c0_i32_1 = arith.constant 0 : i32
    return %c0_i32, %c0_i32_0 : i32, i32
  }
  func.func @transform_14(%arg0: i32) -> (i32, i32) {
    %c0_i32 = arith.constant 0 : i32
    %c0_i32_0 = arith.constant 0 : i32
    %c0_i32_1 = arith.constant 0 : i32
    return %c0_i32, %c0_i32_0 : i32, i32
  }
  func.func @transform_15(%arg0: i32) -> (i32, i32, i32) {
    %c0_i32 = arith.constant 0 : i32
    %c0_i32_0 = arith.constant 0 : i32
    %c0_i32_1 = arith.constant 0 : i32
    return %arg0, %c0_i32, %c0_i32_0 : i32, i32, i32
  }
}

</mosaic_0001>

<sc_bundles>
// kernel: gather_offload_async_start.10
scs
__scs_entry_jumppad:
0x0: {  	(pc) =	sbr.rel $0x88, $3  }
0x1: {  	(tag) =	ssettag $0x0;
	lr =	simm.s32 $0x1  }
0x2: {  	[smem:$0x3F93] =	sst lr;
	_ =	strace $0xD0000000  }
0x3: {  	_ = 	snop  }
0x4: {  	_ = 	snop  }
0x5: {  	_ = 	snop  }
0x6: {  	_ = 	snop  }
0x7: {  	_ = 	snop  }
__scs_overlays_trampoline_lowered:
0x8: {  	[smem:$0x3FA2] =	sst s0  }
0x9: {  	[smem:$0x3FA3] =	sst s1  }
0xa: {  	[smem:$0x3FA4] =	sst s2  }
0xb: {  	[smem:$0x3FA5] =	sst s3  }
0xc: {  	[smem:$0x3FA6] =	sst s4  }
0xd: {  	[smem:$0x3FA7] =	sst s5  }
0xe: {  	[smem:$0x3FA8] =	sst s6  }
0xf: {  	[smem:$0x3FA9] =	sst s7  }
0x10: {  	[smem:$0x3FAA] =	sst s8  }
0x11: {  	[smem:$0x3FAB] =	sst s9;
	s0 =	simm.s32 @!p0 $0x0  }
0x12: {  	s1 =	sld [smem:$0x3F91];
	s0 =	simm.s32 @p0 $0x1  }
0x13: {  	[smem:$0x3FAC] =	sst s0;
	s0 =	simm.s32 @!p1 $0x0  }
0x14: {  	s2 =	sld [smem:$0x3F90];
	s0 =	simm.s32 @p1 $0x1  }
0x15: {  	[smem:$0x3FAD] =	sst s0;
	s0 =	simm.s32 @!p2 $0x0  }
0x16: {  	s3 =	sld [smem:$0x3FDB];
	s0 =	simm.s32 @p2 $0x1  }
0x17: {  	s4 =	simm.s32 $0x1BF5;
	[smem:$0x3FAF] =	sst s0  }
0x18: {  	s0 =	sld [smem:$0x3F92];
	_ =	swait.ge [sflag:s4], $0x0  }
0x19: {  	s7 =	sld [smem:$0x3F93]  }
0x1a: {  	s8 =	sadd.s32 $0xFFFFE003, lr  }
0x1b: {  	s9 =	sadd.s32 $0xFFFFFEF7, lr;
	s5 =	simm.s32 $0xFFFFFFFF;
	p2 =	slt.u32 s8, $0xFFFFF086  }
0x1c: {  	p1 =	slt.u32 s9, $0xF7A;
	s5 =	simm.s32 @!p2 $0x0  }
0x1d: {  	s5 =	simm.s32 @p1 $0x1;
	p0 =	seq.s32 s7, s2  }
0x1e: {  	s7 =	smul.u32 @!p0 $0xF7A, s2;
	p2 =	seq.s32 @!p0 s5, $0x0  }
0x1f: {  	s9 =	smul.u32 $0xF7A, s1;
	s8 =	simm.s32 @!p0 $0x1BF5;
	p2 =	por !p2, p0  }
0x20: {  	[sflag:s8] =	ssyncset.s32 @!p0 $0xFFFFF086;
	s6 =	sadd.s32 @!p0 s3, s7;
	s7 =	simm.s32 @!p0 $0x108  }
0x21: {  	s3 =	sadd.s32 s3, s9;
	s6 =	sadd.s32 @!p0 $0x88, s6;
	s7 =	simm.s32 @p2 $0x1082  }
0x22: {  	[simem:s7], [sflag:s8] =	dma.local @!p0 [hbm:s6], $0xF7A  }
0x23: {  	s9 =	sor.u32 $0xD0000000, s2;
	s6 =	simm.s32 $0x108;
	_ =	swait.ge @!p0 [sflag:s8], $0x0  }
0x24: {  	s3 =	sadd.s32 $0x88, s3;
	s6 =	simm.s32 @!p1 $0x1082;
	[sflag:s4] =	ssyncset.s32 $0xFFFFF086  }
0x25: {  	[simem:s6], [sflag:s4] =	dma.local [hbm:s3], $0xF7A  }
0x26: {  	[smem:$0x3F93] =	sst s1;
	(tag) =	ssettag s2;
	_ =	strace s9  }
0x27: {  	s1 =	sld [smem:$0x3FA3]  }
0x28: {  	s2 =	sld [smem:$0x3FA4]  }
0x29: {  	s4 =	sld [smem:$0x3FA6]  }
0x2a: {  	p0 =	seq.s32 s5, $0x0;
	s5 =	sld [smem:$0x3FA7]  }
0x2b: {  	s6 =	sld [smem:$0x3FA8]  }
0x2c: {  	s7 =	sld [smem:$0x3FA9]  }
0x2d: {  	s3 =	simm.s32 $0x108;
	s8 =	sld [smem:$0x3FAA]  }
0x2e: {  	s3 =	simm.s32 @!p0 $0x1082;
	s9 =	sld [smem:$0x3FAB]  }
0x2f: {  	lr =	sadd.s32 s0, s3;
	s0 =	sld [smem:$0x3FA2]  }
0x30: {  	s3 =	sld [smem:$0x3FA5]  }
0x31: {  	[smem:$0x3FAE] =	sst s10  }
0x32: {  	s10 =	sld [smem:$0x3FAC];
	_ =	sdelay $0x3  }
0x33: {  	p0 =	seq.s32 s10, $0x1;
	s10 =	sld [smem:$0x3FAE];
	_ =	sdelay $0x3  }
0x34: {  	[smem:$0x3FAE] =	sst s10  }
0x35: {  	s10 =	sld [smem:$0x3FAD];
	_ =	sdelay $0x3  }
0x36: {  	p1 =	seq.s32 s10, $0x1;
	s10 =	sld [smem:$0x3FAE];
	_ =	sdelay $0x3  }
0x37: {  	[smem:$0x3FAE] =	sst s10  }
0x38: {  	s10 =	sld [smem:$0x3FAF]  }
0x39: {  	_ = 	snop;
	(pc) =	sbr.ind lr, $3  }
0x3a: {  	_ = 	snop  }
0x3b: {  	_ = 	snop  }
0x3c: {  	p2 =	seq.s32 s10, $0x1;
	s10 =	sld [smem:$0x3FAE]  }
0x3d: {  	_ =	shalt  }
0x3e: {  	_ =	shalt  }
0x3f: {  	_ =	shalt  }
0x40: {  	_ =	shalt  }
0x41: {  	_ =	shalt  }
0x42: {  	_ =	shalt  }
0x43: {  	_ =	shalt  }
0x44: {  	_ =	shalt  }
0x45: {  	_ =	shalt  }
0x46: {  	_ =	shalt  }
0x47: {  	_ =	shalt  }
0x48: {  	_ =	shalt  }
0x49: {  	_ =	shalt  }
0x4a: {  	_ =	shalt  }
0x4b: {  	_ =	shalt  }
0x4c: {  	_ =	shalt  }
0x4d: {  	_ =	shalt  }
0x4e: {  	_ =	shalt  }
0x4f: {  	_ =	shalt  }
0x50: {  	_ =	shalt  }
0x51: {  	_ =	shalt  }
0x52: {  	_ =	shalt  }
0x53: {  	_ =	shalt  }
0x54: {  	_ =	shalt  }
0x55: {  	_ =	shalt  }
0x56: {  	_ =	shalt  }
0x57: {  	_ =	shalt  }
0x58: {  	_ =	shalt  }
0x59: {  	_ =	shalt  }
0x5a: {  	_ =	shalt  }
0x5b: {  	_ =	shalt  }
0x5c: {  	_ =	shalt  }
0x5d: {  	_ =	shalt  }
0x5e: {  	_ =	shalt  }
0x5f: {  	_ =	shalt  }
0x60: {  	_ =	shalt  }
0x61: {  	_ =	shalt  }
0x62: {  	_ =	shalt  }
0x63: {  	_ =	shalt  }
0x64: {  	_ =	shalt  }
0x65: {  	_ =	shalt  }
0x66: {  	_ =	shalt  }
0x67: {  	_ =	shalt  }
0x68: {  	_ =	shalt  }
0x69: {  	_ =	shalt  }
0x6a: {  	_ =	shalt  }
0x6b: {  	_ =	shalt  }
0x6c: {  	_ =	shalt  }
0x6d: {  	_ =	shalt  }
0x6e: {  	_ =	shalt  }
0x6f: {  	_ =	shalt  }
0x70: {  	_ =	shalt  }
0x71: {  	_ =	shalt  }
0x72: {  	_ =	shalt  }
0x73: {  	_ =	shalt  }
0x74: {  	_ =	shalt  }
0x75: {  	_ =	shalt  }
0x76: {  	_ =	shalt  }
0x77: {  	_ =	shalt  }
0x78: {  	_ =	shalt  }
0x79: {  	_ =	shalt  }
0x7a: {  	_ =	shalt  }
0x7b: {  	_ =	shalt  }
0x7c: {  	_ =	shalt  }
0x7d: {  	_ =	shalt  }
0x7e: {  	_ =	shalt  }
0x7f: {  	_ =	shalt  }
0x80: {  	_ =	shalt  }
0x81: {  	_ =	shalt  }
0x82: {  	_ =	shalt  }
0x83: {  	_ =	shalt  }
0x84: {  	_ =	shalt  }
0x85: {  	_ =	shalt  }
0x86: {  	_ =	shalt  }
0x87: {  	_ =	shalt  }
.Lfunc_end0:
.L_simem_size_0:
called_computation.10_lowered:
.L_overlay_start_0:
0x88: {  	s2 =	sld [smem:$0x3FD9]  }
0x89: {  	s3 =	sld [smem:$0x3FFE];
	_ =	sdelay $0x1  }
0x8a: {  	s1 =	srdreg.scid  }
0x8b: {  	s0 =	sand.u32 $0x1, s1  }
0x8c: {  	s17 =	sshll.u32 s0, $0xA;
	s2 =	sadd.s32 s3, s2  }
0x8d: {  	s2 =	sadd.s32 s2, s17  }
0x8e: {  	[smem:$0x3FBA] =	sst s2  }
0x8f: {  	_ = 	snop  }
0x90: {  	s2 =	sld [smem:$0x3FC3];
	(tm) =	ssettm $0x1  }
0x91: {  	s18 =	sld [smem:$0x3FFB];
	_ =	sdelay $0x3  }
0x92: {  	_ =	strace s18  }
0x93: {  	s3 =	sld [smem:$0x3FFC];
	_ =	sdelay $0x3  }
0x94: {  	_ =	strace s3  }
0x95: {  	s3 =	sld [smem:$0x3FFD];
	_ =	sdelay $0x3  }
0x96: {  	_ =	strace s3  }
0x97: {  	_ =	strace $0x8FFFFFFF  }
0x98: {  	s19 =	sld [smem:$0x3FDB];
	_ =	sdelay $0x1  }
0x99: {  	s4 =	simm.s32 $_scs_section_size  }
0x9a: {  	s5 =	simm.s32 $_size__tile_overlayer_lowered;
	s6 =	simm.s32 $_tile_overlayer_lowered  }
0x9b: {  	s22 =	simm.s32 $0x1BFF;
	s21 =	sshll.u32 s6, $0x1;
	s3 =	sadd.s32 s4, s19  }
0x9c: {  	s7 =	simm.s32 $0x0;
	s20 =	sshll.u32 s5, $0x1;
	s5 =	sadd.s32 s21, s3  }
0x9d: {  	[timem:s7], [sflag:s22] =	dma.local [hbm:s5], s20  }
0x9e: {  	_ =	swait.ge [sflag:s22], s20  }
0x9f: {  	s4 =	ssub.s32 $0x0, s20;
	[sflag:s22] =	ssyncset.done $0x0  }
0xa0: {  	[sflag:s22] =	ssyncadd.s32 s4;
	_ =	sdelay $0x1  }
0xa1: {  	s23 =	simm.s32 $0x1B8B  }
0xa2: {  	_ =	swait.ge [sflag:s23], $0x1  }
0xa3: {  	[sflag:s23] =	ssyncset.done $0x0  }
0xa4: {  	s25 =	simm.s32 $0x1B8E;
	s24 =	sld [smem:$0x3FFE];
	[sflag:s23] =	ssyncadd.s32 $0xFFFFFFFF  }
0xa5: {  	s26 =	simm.s32 $execute0_lowered;
	[smem:$0x3FD2] =	sst s25  }
0xa6: {  	s5 =	sshll.u32 s26, $0x1;
	_ =	strace $0x80000046;
	[dreg:$0x1] =	wrdreg $0xFFFFFFFF  }
0xa7: {  	s28 =	simm.s32 $_size_execute0_lowered;
	s3 =	sadd.s32 s3, s5;
	[dreg:$0x0] =	wrdreg $0x0  }
0xa8: {  	s5 =	sshll.u32 s28, $0x1;
	[dreg:$0x2] =	wrdreg s3  }
0xa9: {  	[dreg:$0x3] =	wrdreg s5  }
0xaa: {  	[dreg:$0x4] =	wrdreg $0xC0  }
0xab: {  	_ =	task [dreg:s7], $0x5FFFF  }
0xac: {  	[dreg:$0x1] =	wrdreg $0xFFFFFFFF  }
0xad: {  	[dreg:$0x0] =	wrdreg $0x60  }
0xae: {  	[dreg:$0x2] =	wrdreg s2  }
0xaf: {  	[dreg:$0x3] =	wrdreg s24  }
0xb0: {  	[dreg:$0x4] =	wrdreg $0x13  }
0xb1: {  	_ =	task.clear_ibuf [dreg:s7], $0x5FFFF;
	_ =	strace $0x90000046  }
0xb2: {  	s29 =	simm.s32 $0x13;
	_ =	strace $0x80000048  }
0xb3: {  	_ =	swait.ge [sflag:s29], $0x1  }
0xb4: {  	[sflag:s29] =	ssyncadd.s32 $0xFFFFFFFF  }
0xb5: {  	_ =	strace $0x90000048  }
0xb6: {  	_ =	sfence  }
0xb7: {  	s30 =	sld [smem:$0x0];
	_ =	sdelay $0x2  }
0xb8: {  	s31 =	sshll.u32 s1, $0xD;
	s1 =	sshrl.u32 s1, $0x2  }
0xb9: {  	s3 =	sand.u32 $0x4000, s31;
	s1 =	sadd.s32 s1, s30  }
0xba: {  	s0 =	sor.u32 s3, s0;
	s1 =	sshll.u32 s1, $0x11  }
0xbb: {  	s0 =	sor.u32 s1, s0  }
0xbc: {  	s0 =	sadd.s32 $0x8F2B, s0  }
0xbd: {  	[sflag:s0] =	ssyncadd.remote.s32 $0x1  }
0xbe: {  	_ =	sfence.sel $0xFFFF  }
0xbf: {  	[dreg:$0x0] =	wrdreg $0xFFFFFFFF;
	(pc) =	sbr.abs _section_cstart, $3  }
0xc0: {  	[dreg:$0x1] =	wrdreg $0xFFFFFFFF  }
0xc1: {  	_ =	task.clear_ibuf [dreg:s7], $0x2FFFF;
	_ =	strace $0x9FFFFFFF  }
0xc2: {  	(tm) =	ssettm $0x7FFFFFFF  }
0xc3: {  	_ =	shalt  }
tec
execute0_lowered:
.L_overlay_start_1:
0x0: {  	(tag) =	ssettag $0x1  }
0x1: {  	s1 =	srdreg.scid;
	s2 =	rddreg [dreg:$0x0]  }
0x2: {  	s0 =	stileid.u32;
	s5 =	rddreg [dreg:$0x1];
	s6 =	simm.s32 $0x1  }
0x3: {  	s9 =	simm.s32 $0x1;
	s10 =	simm.s32 $0x3;
	s1 =	sshll.u32 s1, $0x9  }
0x4: {  	s13 =	simm.s32 $0x0;
	s3 =	sshll.u32 s0, $0xA;
	s4 =	sand.u32 $0x200, s1  }
0x5: {  	s12 =	simm.s32 $0x0;
	s1 =	rddreg [dreg:$0x2];
	s3 =	sor.u32 s3, s4  }
0x6: {  	_ =	strace $0x80000047;
	s4 =	sadd.s32 $0x87A00, s5;
	s8 =	ssub.s32 $0x8000, s3  }
.Ltmp0:
0x7: {  	s5 =	sadd.s32 $0x89A00, s5;
	s7 =	sand.u32 $0x3E00, s8;
	(pc) =	sbr.rel .LBB2_1-.Ltmp0, $4  }
0x8: {  	[sflag:s6] =	ssyncpa.u1 $0x0;
	s11 =	smov.u32 s3;
	p0 =	sne.s32 s7, $0x0  }
0x9: {  	s8 =	sshrl.u32 s8, $0xE;
	s7 =	simm.s32 $0x2;
	s9 =	simm.s32 @!p0 $0x0  }
0xa: {  	[sflag:s7] =	ssyncpa.u1 $0x0;
	p0 =	por $0x0, $0x0;
	s8 =	sadd.s32 s9, s8  }
0xb: {  	vm0 =	vmmov $0xffff;
	[sflag:s10] =	ssyncpa.u1 $0x0;
	s10 =	simm.s32 $0x0;
	s9 =	sadd.s32 $0x1, s8  }
.LBB2_4:
0xc: {  	vm1 =	veq.s32 v0, $0x80000000;
	v63 =	vand.u32 $0x7FFF, v0;
	v2 =	vand.u32 $0xF, v2  }
0xd: {  	v0 =	vsel vm1, $0xFFFFFFFF, v63;
	v2 =	vsel vm1, $0xFFFFFFFF, v2  }
0xe: {  	v3 =	vshll.u32 v2, $0xF;
	v4 =	vshll.u32 v0, $0x3  }
0xf: {  	v2 =	vshll.u32 v2, $0x7;
	v3 =	vand.u32 $0xFFFC0000, v3;
	v4 =	vand.u32 $0xFFFFFC00, v4  }
0x10: {  	v2 =	vand.u32 $0x380, v2;
	v3 =	vadd.s32 v4, v3  }
0x11: {  	v0 =	vand.u32 $0x7F, v0;
	v2 =	vor.u32 v2, v3  }
0x12: {  	v0 =	vor.u32 v0, v2;
	_ =	sdelay $0x1  }
0x13: {  	(ifvalue) =	ssetifvalue $0x7FFFFFFF;
	s14 =	sadd.s32 $0x10, s14  }
0x14: {  	[tilespmem:s14], [sflag:$0x1] =	stream.indirect_vreg.gather [hbm4b:s2+s10], $0x1, v1, vm0, $0x4038;
	[tilespmem:$0x800] =	vst v63  }
0x15: {  	(ifvalue) =	ssetifvalue $0x7FFFFFFF;
	s14 =	sadd.s32 $0x10, s14  }
0x16: {  	[tilespmem:s14], [sflag:$0x1] =	stream.indirect_vreg.gather [hbm4b:s2+s10], $0x1, v0, vm0, $0x4038;
	[tilespmem:$0x800] =	vst v63  }
0x17: {  	_ =	swait.ge [sflag:s6], $0x200  }
0x18: {  	s30 =	sshrl.u32 s13, $0x3;
	[sflag:s6] =	ssyncset.done $0x0  }
0x19: {  	s31 =	sand.u32 $0x7, s13;
	s14 =	sadd.s32 s5, s30;
	[sflag:s6] =	ssyncadd.s32 $0xFFFFFE00  }
0x1a: {  	[hbm4b:s14+s31] =	stream.linear.scatter [tilespmem:s15], [sflag:$0x3], $0x200, $0x38;
	[tilespmem:$0x800] =	vst v63  }
.LBB2_5:
0x1b: {  	s15 =	sadd.s32 $0x4000, s11  }
0x1c: {  	p2 =	sgt.s32 s15, $0x7FFF  }
0x1d: {  	s15 =	smov.u32 @p2 s3;
	p2 =	sne.s32 s12, s9  }
.Ltmp1:
0x1e: {  	p1 =	slt.u32 s12, $0x2;
	(pc) =	sbr.rel @!p2 .LBB2_6-.Ltmp1, $4  }
0x1f: {  	s14 =	simm.s32 @!p1 $0x3  }
0x20: {  	s16 =	sadd.s32 $0x1, s12;
	_ =	swait.ge @!p1 [sflag:s14], $0x200  }
0x21: {  	s13 =	smov.u32 s11;
	p0 =	por !p0, !p0;
	[sflag:s14] =	ssyncset.done @!p1 $0x0  }
0x22: {  	s12 =	smov.u32 s16;
	s11 =	smov.u32 s15;
	[sflag:s14] =	ssyncadd.s32 @!p1 $0xFFFFFE00  }
.LBB2_1:
0x23: {  	p1 =	sge.u32 s12, s8  }
0x24: {  	s14 =	sxor.u32 @!p1 $0xFFFFFFFF, s12  }
0x25: {  	s31 =	sadd.s32 $0xFFFFFFFF, s12;
	s15 =	sshrl.u32 @!p1 s11, $0x3;
	s14 =	sshll.u32 @!p1 s14, $0x9  }
0x26: {  	s16 =	sand.u32 @!p1 $0x7, s11;
	s15 =	sadd.s32 @!p1 s4, s15;
	s14 =	sand.u32 @!p1 $0x200, s14  }
0x27: {  	[tilespmem:s14], [sflag:$0x2] =	stream.linear.gather @!p1 [hbm4b:s15+s16], $0x200, $0x38;
	[tilespmem:$0x800] =	vst v63  }
0x28: {  	p1 =	sge.u32 s31, s8  }
.Ltmp2:
0x29: {  	_ = 	snop;
	(pc) =	sbr.rel @p1 .LBB2_5-.Ltmp2, $1  }
0x2a: {  	_ =	sdelay $0x3  }
0x2b: {  	s14 =	simm.s32 $0x1  }
0x2c: {  	_ =	swait.ge [sflag:s7], $0x200;
	s14 =	simm.s32 @!p0 $0x0  }
0x2d: {  	[sflag:s7] =	ssyncset.done $0x0;
	s14 =	sshll.u32 s14, $0x9  }
0x2e: {  	[sflag:s7] =	ssyncadd.s32 $0xFFFFFE00;
	(ifvalue) =	ssetifvalue $0x7FFFFFFF;
	v0 =	vld.msk [tilespmem:s14+$0x0 ss:$0x1], $0xffff;
	_ =	sdelay $0x4  }
0x2f: {  	s15 =	sadd.s32 $0x10, s14;
	v1 =	vshrl.u32 v0, $0xF  }
0x30: {  	v2 =	vld.msk [tilespmem:s15+$0x0 ss:$0x1], $0xffff;
	vm1 =	veq.s32 v0, $0x80000000;
	v0 =	vand.u32 $0x7FFF, v0;
	v1 =	vand.u32 $0xF, v1  }
0x31: {  	v0 =	vsel vm1, $0xFFFFFFFF, v0;
	v1 =	vsel vm1, $0xFFFFFFFF, v1  }
0x32: {  	v4 =	vshll.u32 v0, $0x3;
	v3 =	vshll.u32 v1, $0xF  }
0x33: {  	v4 =	vand.u32 $0xFFFFFC00, v4;
	v1 =	vshll.u32 v1, $0x7;
	v3 =	vand.u32 $0xFFFC0000, v3  }
0x34: {  	v0 =	vand.u32 $0x7F, v0;
	v1 =	vand.u32 $0x380, v1;
	v3 =	vadd.s32 v4, v3  }
0x35: {  	vm1 =	veq.s32 v2, $0x80000000;
	v1 =	vor.u32 v1, v3;
	v3 =	vshrl.u32 v2, $0xF  }
0x36: {  	s17 =	sadd.s32 $0x10, s15;
	v2 =	vand.u32 $0x7FFF, v2;
	v1 =	vor.u32 v0, v1;
	v3 =	vand.u32 $0xF, v3  }
0x37: {  	v0 =	vld.msk [tilespmem:s17+$0x0 ss:$0x1], $0xffff;
	v2 =	vsel vm1, $0xFFFFFFFF, v2;
	v3 =	vsel vm1, $0xFFFFFFFF, v3  }
0x38: {  	v5 =	vshll.u32 v2, $0x3;
	v63 =	vshll.u32 v3, $0xF  }
0x39: {  	s31 =	sshll.u32 s12, $0x9;
	v5 =	vand.u32 $0xFFFFFC00, v5;
	v3 =	vshll.u32 v3, $0x7;
	v4 =	vand.u32 $0xFFFC0000, v63  }
0x3a: {  	s14 =	sor.u32 $0x400, s14;
	s15 =	sand.u32 $0x200, s31;
	(ifvalue) =	ssetifvalue $0x7FFFFFFF;
	v3 =	vand.u32 $0x380, v3;
	v4 =	vadd.s32 v5, v4  }
0x3b: {  	[tilespmem:s14], [sflag:$0x1] =	stream.indirect_vreg.gather [hbm4b:s2+s10], $0x1, v1, vm0, $0x4038;
	v1 =	vand.u32 $0x7F, v2;
	v3 =	vor.u32 v3, v4;
	[tilespmem:$0x800] =	vst v63  }
0x3c: {  	s16 =	simm.s32 $0x20;
	s15 =	sor.u32 $0x400, s15;
	s17 =	sadd.s32 $0x10, s17;
	v2 =	vshrl.u32 v0, $0xF;
	v1 =	vor.u32 v1, v3  }
.LBB2_3:
0x3d: {  	s16 =	sadd.s32 $0x10, s16;
	vm1 =	veq.s32 v0, $0x80000000;
	v3 =	vand.u32 $0x7FFF, v0;
	v0 =	vld.msk [tilespmem:s17+$0x0 ss:$0x1], $0xffff;
	v2 =	vand.u32 $0xF, v2  }
0x3e: {  	p1 =	slt.u32 s16, $0x1F0;
	v3 =	vsel vm1, $0xFFFFFFFF, v3;
	v2 =	vsel vm1, $0xFFFFFFFF, v2  }
.Ltmp3:
0x3f: {  	v4 =	vshll.u32 v2, $0xF;
	v5 =	vshll.u32 v3, $0x3;
	(pc) =	sbr.rel @p1 .LBB2_3-.Ltmp3, $4  }
0x40: {  	s14 =	sadd.s32 $0x10, s14;
	v2 =	vshll.u32 v2, $0x7;
	v4 =	vand.u32 $0xFFFC0000, v4;
	v5 =	vand.u32 $0xFFFFFC00, v5;
	(ifvalue) =	ssetifvalue $0x7FFFFFFF  }
0x41: {  	v2 =	vand.u32 $0x380, v2;
	v4 =	vadd.s32 v5, v4;
	[tilespmem:s14], [sflag:$0x1] =	stream.indirect_vreg.gather [hbm4b:s2+s10], $0x1, v1, vm0, $0x4038;
	[tilespmem:$0x800] =	vst v63  }
0x42: {  	v1 =	vand.u32 $0x7F, v3;
	v3 =	vor.u32 v2, v4  }
0x43: {  	s17 =	sadd.s32 $0x10, s17;
	v2 =	vshrl.u32 v0, $0xF;
	v1 =	vor.u32 v1, v3  }
.Ltmp4:
0x44: {  	_ = 	snop;
	(pc) =	sbr.rel .LBB2_4-.Ltmp4, $1  }
0x45: {  	_ =	sdelay $0x3  }
.LBB2_6:
0x46: {  	_ =	sfence.sel $0x180000  }
0x47: {  	s2 =	simm.s32 $0x2;
	[bflag:$0x0] =	sbarrier.arrive $0xFFFF  }
0x48: {  	s30 =	simm.s32 $0x3;
	[sflag:s2] =	ssyncpa.u1 $0x1  }
0x49: {  	s31 =	simm.s32 $0x1;
	[sflag:s30] =	ssyncpa.u1 $0x1  }
0x4a: {  	[sflag:s31] =	ssyncpa.u1 $0x1  }
0x4b: {  	p0 =	sne.s32 s0, $0x0;
	_ =	strace $0x90000047  }
0x4c: {  	s0 =	sadd.s32 @!p0 $0x100000, s1;
	[bflag:$0x2] =	sbarrier.arrive $0xFFFF  }
0x4d: {  	[sflag:s0] =	ssyncadd.tile.s32 @!p0 $0x1;
	_ =	shalt  }
.Lfunc_end2:
_tile_overlayer_lowered:
.L_overlay_start_2:
0x4e: {  	(tag) =	ssettag $0x2  }
0x4f: {  	s0 =	rddreg [dreg:$0x0];
	s2 =	stileid.u32  }
0x50: {  	s1 =	rddreg [dreg:$0x1];
	p0 =	sne.s32 s2, $0x0  }
0x51: {  	s3 =	rddreg [dreg:$0x2];
	[bflag:$0x3] =	sbarrier.arrive $0xFFFF;
	s2 =	simm.s32 @!p0 $0x1C01  }
0x52: {  	[timem:s3], [sflag:s2] =	dma.local @!p0 [hbm:s0], s1  }
0x53: {  	s0 =	simm.s32 @!p0 $0x1  }
0x54: {  	_ =	swait.ge @!p0 [sflag:s0], s1  }
0x55: {  	s1 =	ssub.s32 @!p0 $0x0, s1;
	[sflag:s0] =	ssyncset.done @!p0 $0x0  }
0x56: {  	[sflag:s0] =	ssyncadd.s32 @!p0 s1  }
0x57: {  	[bflag:$0x3] =	sbarrier.arrive $0xFFFF  }
0x58: {  	_ =	shalt  }

// kernel: gather_offload_async_start.1
scs
__scs_entry_jumppad:
0x0: {  	(pc) =	sbr.rel $0x88, $3  }
0x1: {  	(tag) =	ssettag $0x0;
	lr =	simm.s32 $0x1  }
0x2: {  	[smem:$0x3F93] =	sst lr;
	_ =	strace $0xD0000000  }
0x3: {  	_ = 	snop  }
0x4: {  	_ = 	snop  }
0x5: {  	_ = 	snop  }
0x6: {  	_ = 	snop  }
0x7: {  	_ = 	snop  }
__scs_overlays_trampoline_lowered:
0x8: {  	[smem:$0x3FA2] =	sst s0  }
0x9: {  	[smem:$0x3FA3] =	sst s1  }
0xa: {  	[smem:$0x3FA4] =	sst s2  }
0xb: {  	[smem:$0x3FA5] =	sst s3  }
0xc: {  	[smem:$0x3FA6] =	sst s4  }
0xd: {  	[smem:$0x3FA7] =	sst s5  }
0xe: {  	[smem:$0x3FA8] =	sst s6  }
0xf: {  	[smem:$0x3FA9] =	sst s7  }
0x10: {  	[smem:$0x3FAA] =	sst s8  }
0x11: {  	[smem:$0x3FAB] =	sst s9;
	s0 =	simm.s32 @!p0 $0x0  }
0x12: {  	s1 =	sld [smem:$0x3F91];
	s0 =	simm.s32 @p0 $0x1  }
0x13: {  	[smem:$0x3FAC] =	sst s0;
	s0 =	simm.s32 @!p1 $0x0  }
0x14: {  	s2 =	sld [smem:$0x3F90];
	s0 =	simm.s32 @p1 $0x1  }
0x15: {  	[smem:$0x3FAD] =	sst s0;
	s0 =	simm.s32 @!p2 $0x0  }
0x16: {  	s3 =	sld [smem:$0x3FDB];
	s0 =	simm.s32 @p2 $0x1  }
0x17: {  	s4 =	simm.s32 $0x1BF5;
	[smem:$0x3FAF] =	sst s0  }
0x18: {  	s0 =	sld [smem:$0x3F92];
	_ =	swait.ge [sflag:s4], $0x0  }
0x19: {  	s7 =	sld [smem:$0x3F93]  }
0x1a: {  	s8 =	sadd.s32 $0xFFFFE003, lr  }
0x1b: {  	s9 =	sadd.s32 $0xFFFFFEF7, lr;
	s5 =	simm.s32 $0xFFFFFFFF;
	p2 =	slt.u32 s8, $0xFFFFF086  }
0x1c: {  	p1 =	slt.u32 s9, $0xF7A;
	s5 =	simm.s32 @!p2 $0x0  }
0x1d: {  	s5 =	simm.s32 @p1 $0x1;
	p0 =	seq.s32 s7, s2  }
0x1e: {  	s7 =	smul.u32 @!p0 $0xF7A, s2;
	p2 =	seq.s32 @!p0 s5, $0x0  }
0x1f: {  	s9 =	smul.u32 $0xF7A, s1;
	s8 =	simm.s32 @!p0 $0x1BF5;
	p2 =	por !p2, p0  }
0x20: {  	[sflag:s8] =	ssyncset.s32 @!p0 $0xFFFFF086;
	s6 =	sadd.s32 @!p0 s3, s7;
	s7 =	simm.s32 @!p0 $0x108  }
0x21: {  	s3 =	sadd.s32 s3, s9;
	s6 =	sadd.s32 @!p0 $0x88, s6;
	s7 =	simm.s32 @p2 $0x1082  }
0x22: {  	[simem:s7], [sflag:s8] =	dma.local @!p0 [hbm:s6], $0xF7A  }
0x23: {  	s9 =	sor.u32 $0xD0000000, s2;
	s6 =	simm.s32 $0x108;
	_ =	swait.ge @!p0 [sflag:s8], $0x0  }
0x24: {  	s3 =	sadd.s32 $0x88, s3;
	s6 =	simm.s32 @!p1 $0x1082;
	[sflag:s4] =	ssyncset.s32 $0xFFFFF086  }
0x25: {  	[simem:s6], [sflag:s4] =	dma.local [hbm:s3], $0xF7A  }
0x26: {  	[smem:$0x3F93] =	sst s1;
	(tag) =	ssettag s2;
	_ =	strace s9  }
0x27: {  	s1 =	sld [smem:$0x3FA3]  }
0x28: {  	s2 =	sld [smem:$0x3FA4]  }
0x29: {  	s4 =	sld [smem:$0x3FA6]  }
0x2a: {  	p0 =	seq.s32 s5, $0x0;
	s5 =	sld [smem:$0x3FA7]  }
0x2b: {  	s6 =	sld [smem:$0x3FA8]  }
0x2c: {  	s7 =	sld [smem:$0x3FA9]  }
0x2d: {  	s3 =	simm.s32 $0x108;
	s8 =	sld [smem:$0x3FAA]  }
0x2e: {  	s3 =	simm.s32 @!p0 $0x1082;
	s9 =	sld [smem:$0x3FAB]  }
0x2f: {  	lr =	sadd.s32 s0, s3;
	s0 =	sld [smem:$0x3FA2]  }
0x30: {  	s3 =	sld [smem:$0x3FA5]  }
0x31: {  	[smem:$0x3FAE] =	sst s10  }
0x32: {  	s10 =	sld [smem:$0x3FAC];
	_ =	sdelay $0x3  }
0x33: {  	p0 =	seq.s32 s10, $0x1;
	s10 =	sld [smem:$0x3FAE];
	_ =	sdelay $0x3  }
0x34: {  	[smem:$0x3FAE] =	sst s10  }
0x35: {  	s10 =	sld [smem:$0x3FAD];
	_ =	sdelay $0x3  }
0x36: {  	p1 =	seq.s32 s10, $0x1;
	s10 =	sld [smem:$0x3FAE];
	_ =	sdelay $0x3  }
0x37: {  	[smem:$0x3FAE] =	sst s10  }
0x38: {  	s10 =	sld [smem:$0x3FAF]  }
0x39: {  	_ = 	snop;
	(pc) =	sbr.ind lr, $3  }
0x3a: {  	_ = 	snop  }
0x3b: {  	_ = 	snop  }
0x3c: {  	p2 =	seq.s32 s10, $0x1;
	s10 =	sld [smem:$0x3FAE]  }
0x3d: {  	_ =	shalt  }
0x3e: {  	_ =	shalt  }
0x3f: {  	_ =	shalt  }
0x40: {  	_ =	shalt  }
0x41: {  	_ =	shalt  }
0x42: {  	_ =	shalt  }
0x43: {  	_ =	shalt  }
0x44: {  	_ =	shalt  }
0x45: {  	_ =	shalt  }
0x46: {  	_ =	shalt  }
0x47: {  	_ =	shalt  }
0x48: {  	_ =	shalt  }
0x49: {  	_ =	shalt  }
0x4a: {  	_ =	shalt  }
0x4b: {  	_ =	shalt  }
0x4c: {  	_ =	shalt  }
0x4d: {  	_ =	shalt  }
0x4e: {  	_ =	shalt  }
0x4f: {  	_ =	shalt  }
0x50: {  	_ =	shalt  }
0x51: {  	_ =	shalt  }
0x52: {  	_ =	shalt  }
0x53: {  	_ =	shalt  }
0x54: {  	_ =	shalt  }
0x55: {  	_ =	shalt  }
0x56: {  	_ =	shalt  }
0x57: {  	_ =	shalt  }
0x58: {  	_ =	shalt  }
0x59: {  	_ =	shalt  }
0x5a: {  	_ =	shalt  }
0x5b: {  	_ =	shalt  }
0x5c: {  	_ =	shalt  }
0x5d: {  	_ =	shalt  }
0x5e: {  	_ =	shalt  }
0x5f: {  	_ =	shalt  }
0x60: {  	_ =	shalt  }
0x61: {  	_ =	shalt  }
0x62: {  	_ =	shalt  }
0x63: {  	_ =	shalt  }
0x64: {  	_ =	shalt  }
0x65: {  	_ =	shalt  }
0x66: {  	_ =	shalt  }
0x67: {  	_ =	shalt  }
0x68: {  	_ =	shalt  }
0x69: {  	_ =	shalt  }
0x6a: {  	_ =	shalt  }
0x6b: {  	_ =	shalt  }
0x6c: {  	_ =	shalt  }
0x6d: {  	_ =	shalt  }
0x6e: {  	_ =	shalt  }
0x6f: {  	_ =	shalt  }
0x70: {  	_ =	shalt  }
0x71: {  	_ =	shalt  }
0x72: {  	_ =	shalt  }
0x73: {  	_ =	shalt  }
0x74: {  	_ =	shalt  }
0x75: {  	_ =	shalt  }
0x76: {  	_ =	shalt  }
0x77: {  	_ =	shalt  }
0x78: {  	_ =	shalt  }
0x79: {  	_ =	shalt  }
0x7a: {  	_ =	shalt  }
0x7b: {  	_ =	shalt  }
0x7c: {  	_ =	shalt  }
0x7d: {  	_ =	shalt  }
0x7e: {  	_ =	shalt  }
0x7f: {  	_ =	shalt  }
0x80: {  	_ =	shalt  }
0x81: {  	_ =	shalt  }
0x82: {  	_ =	shalt  }
0x83: {  	_ =	shalt  }
0x84: {  	_ =	shalt  }
0x85: {  	_ =	shalt  }
0x86: {  	_ =	shalt  }
0x87: {  	_ =	shalt  }
.Lfunc_end0:
.L_simem_size_0:
called_computation.1_lowered:
.L_overlay_start_0:
0x88: {  	s2 =	sld [smem:$0x3FD9]  }
0x89: {  	s3 =	sld [smem:$0x3FFE];
	_ =	sdelay $0x1  }
0x8a: {  	s1 =	srdreg.scid  }
0x8b: {  	s0 =	sand.u32 $0x1, s1  }
0x8c: {  	s17 =	sshll.u32 s0, $0xA;
	s2 =	sadd.s32 s3, s2  }
0x8d: {  	s2 =	sadd.s32 s2, s17  }
0x8e: {  	[smem:$0x3FBA] =	sst s2  }
0x8f: {  	_ = 	snop  }
0x90: {  	s18 =	sld [smem:$0x3FBF];
	(tm) =	ssettm $0x1  }
0x91: {  	s19 =	sld [smem:$0x3FFB];
	_ =	sdelay $0x3  }
0x92: {  	_ =	strace s19  }
0x93: {  	s2 =	sld [smem:$0x3FFC];
	_ =	sdelay $0x3  }
0x94: {  	_ =	strace s2  }
0x95: {  	s2 =	sld [smem:$0x3FFD];
	_ =	sdelay $0x3  }
0x96: {  	_ =	strace s2  }
0x97: {  	_ =	strace $0x8FFFFFFF  }
0x98: {  	s20 =	sld [smem:$0x3FDB];
	_ =	sdelay $0x1  }
0x99: {  	s4 =	simm.s32 $_scs_section_size  }
0x9a: {  	s5 =	simm.s32 $_size__tile_overlayer_lowered;
	s6 =	simm.s32 $_tile_overlayer_lowered  }
0x9b: {  	s7 =	simm.s32 $0x1BFF;
	s21 =	sshll.u32 s6, $0x1;
	s4 =	sadd.s32 s4, s20  }
0x9c: {  	s22 =	simm.s32 $0x0;
	s5 =	sshll.u32 s5, $0x1;
	s6 =	sadd.s32 s21, s4  }
0x9d: {  	[timem:s22], [sflag:s7] =	dma.local [hbm:s6], s5  }
0x9e: {  	_ =	swait.ge [sflag:s7], s5  }
0x9f: {  	s5 =	ssub.s32 $0x0, s5;
	[sflag:s7] =	ssyncset.done $0x0  }
0xa0: {  	[sflag:s7] =	ssyncadd.s32 s5;
	_ =	sdelay $0x1  }
0xa1: {  	s23 =	simm.s32 $0x1B8B  }
0xa2: {  	_ =	swait.ge [sflag:s23], $0x1  }
0xa3: {  	[sflag:s23] =	ssyncset.done $0x0  }
0xa4: {  	[sflag:s23] =	ssyncadd.s32 $0xFFFFFFFF  }
0xa5: {  	s5 =	sld [smem:$0x0]  }
0xa6: {  	s6 =	sand.u32 $0xFFFFFFFE, s1  }
0xa7: {  	p0 =	sne.s32 s1, s6  }
0xa8: {  	s6 =	sshll.u32 @p0 s6, $0xE  }
0xa9: {  	s6 =	sadd.s32 @p0 $0x11B8D, s6;
	s7 =	sshll.u32 @p0 s5, $0x11  }
0xaa: {  	s6 =	sor.u32 @p0 s7, s6  }
0xab: {  	[sflag:s6] =	ssyncadd.remote.s32 @p0 $0x1;
	_ =	sdelay $0x1  }
0xac: {  	s6 =	simm.s32 @p0 $0x1B8D  }
0xad: {  	_ =	swait.eq @p0 [sflag:s6], $0x1  }
0xae: {  	[sflag:s6] =	ssyncadd.s32 @p0 $0xFFFFFFFF  }
0xaf: {  	s7 =	sshll.u32 @!p0 s1, $0xE  }
0xb0: {  	s7 =	sor.u32 @!p0 $0x4000, s7;
	s6 =	simm.s32 @!p0 $0x1B8D  }
0xb1: {  	s5 =	sshll.u32 @!p0 s5, $0x11;
	s7 =	sadd.s32 @!p0 $0x11B8D, s7;
	_ =	swait.eq @!p0 [sflag:s6], $0x1  }
0xb2: {  	s5 =	sor.u32 @!p0 s5, s7;
	[sflag:s6] =	ssyncadd.s32 @!p0 $0xFFFFFFFF  }
0xb3: {  	s25 =	simm.s32 $0x1B8E;
	s24 =	sld [smem:$0x3FFE];
	[sflag:s5] =	ssyncadd.remote.s32 @!p0 $0x1  }
0xb4: {  	s26 =	simm.s32 $execute0_lowered;
	[smem:$0x3FD2] =	sst s25  }
0xb5: {  	s6 =	sshll.u32 s26, $0x1;
	_ =	strace $0x8000005B;
	[dreg:$0x1] =	wrdreg $0xFFFFFFFF  }
0xb6: {  	s28 =	simm.s32 $_size_execute0_lowered;
	s4 =	sadd.s32 s4, s6;
	[dreg:$0x0] =	wrdreg $0x0  }
0xb7: {  	s6 =	sshll.u32 s28, $0x1;
	[dreg:$0x2] =	wrdreg s4  }
0xb8: {  	[dreg:$0x3] =	wrdreg s6  }
0xb9: {  	[dreg:$0x4] =	wrdreg $0xC0  }
0xba: {  	_ =	task [dreg:s22], $0x5FFFF  }
0xbb: {  	[dreg:$0x1] =	wrdreg $0xFFFFFFFF  }
0xbc: {  	[dreg:$0x0] =	wrdreg $0x60  }
0xbd: {  	[dreg:$0x2] =	wrdreg s18  }
0xbe: {  	[dreg:$0x3] =	wrdreg s24  }
0xbf: {  	[dreg:$0x4] =	wrdreg $0xA  }
0xc0: {  	_ =	task.clear_ibuf [dreg:s22], $0x5FFFF;
	_ =	strace $0x9000005B  }
0xc1: {  	s29 =	simm.s32 $0xA;
	_ =	strace $0x8000005D  }
0xc2: {  	_ =	swait.ge [sflag:s29], $0x1  }
0xc3: {  	[sflag:s29] =	ssyncadd.s32 $0xFFFFFFFF  }
0xc4: {  	_ =	strace $0x9000005D  }
0xc5: {  	_ =	sfence  }
0xc6: {  	s30 =	sld [smem:$0x0];
	_ =	sdelay $0x2  }
0xc7: {  	s31 =	sshll.u32 s1, $0xD;
	s1 =	sshrl.u32 s1, $0x2  }
0xc8: {  	s4 =	sand.u32 $0x4000, s31;
	s1 =	sadd.s32 s1, s30  }
0xc9: {  	s0 =	sor.u32 s4, s0;
	s1 =	sshll.u32 s1, $0x11  }
0xca: {  	s0 =	sor.u32 s1, s0  }
0xcb: {  	s0 =	sadd.s32 $0x8F2B, s0  }
0xcc: {  	[sflag:s0] =	ssyncadd.remote.s32 $0x1  }
0xcd: {  	_ =	sfence.sel $0xFFFF  }
0xce: {  	[dreg:$0x0] =	wrdreg $0xFFFFFFFF;
	(pc) =	sbr.abs _section_cstart, $3  }
0xcf: {  	[dreg:$0x1] =	wrdreg $0xFFFFFFFF  }
0xd0: {  	_ =	task.clear_ibuf [dreg:s22], $0x2FFFF;
	_ =	strace $0x9FFFFFFF  }
0xd1: {  	(tm) =	ssettm $0x7FFFFFFF  }
tec
execute0_lowered:
.L_overlay_start_1:
0x0: {  	(tag) =	ssettag $0x1  }
0x1: {  	s1 =	srdreg.scid;
	s2 =	rddreg [dreg:$0x0]  }
0x2: {  	s0 =	stileid.u32;
	s5 =	rddreg [dreg:$0x1];
	s6 =	simm.s32 $0x1  }
0x3: {  	s9 =	simm.s32 $0x1;
	s10 =	simm.s32 $0x3;
	s1 =	sshll.u32 s1, $0x9  }
0x4: {  	s13 =	simm.s32 $0x0;
	s3 =	sshll.u32 s0, $0xA;
	s4 =	sand.u32 $0x200, s1  }
0x5: {  	s12 =	simm.s32 $0x0;
	s1 =	rddreg [dreg:$0x2];
	s3 =	sor.u32 s3, s4  }
0x6: {  	_ =	strace $0x8000005C;
	s4 =	sadd.s32 $0x85200, s5;
	s8 =	ssub.s32 $0x8000, s3  }
.Ltmp0:
0x7: {  	s5 =	sadd.s32 $0x90A00, s5;
	s7 =	sand.u32 $0x3E00, s8;
	(pc) =	sbr.rel .LBB2_1-.Ltmp0, $4  }
0x8: {  	[sflag:s6] =	ssyncpa.u1 $0x0;
	s11 =	smov.u32 s3;
	p0 =	sne.s32 s7, $0x0  }
0x9: {  	s8 =	sshrl.u32 s8, $0xE;
	s7 =	simm.s32 $0x2;
	s9 =	simm.s32 @!p0 $0x0  }
0xa: {  	[sflag:s7] =	ssyncpa.u1 $0x0;
	p0 =	por $0x0, $0x0;
	s8 =	sadd.s32 s9, s8  }
0xb: {  	vm0 =	vmmov $0xffff;
	[sflag:s10] =	ssyncpa.u1 $0x0;
	s10 =	simm.s32 $0x0;
	s9 =	sadd.s32 $0x1, s8  }
.LBB2_4:
0xc: {  	v2 =	vnsel vm1, $0x0, v2  }
0xd: {  	vm1 =	vgt.s32 v0, $0x0;
	v2 =	vmin.u32 v2, $0x7FFF  }
0xe: {  	v0 =	vnsel vm1, $0x0, v0  }
0xf: {  	v0 =	vmin.u32 v0, $0x7FFF  }
0x10: {  	[tilespmem:s15], [sflag:$0x1] =	stream.indirect_vreg.gather [hbm4b:s2+s10], $0x1, v1, vm0, $0x4038;
	[tilespmem:$0x800] =	vst v63  }
0x11: {  	(ifvalue) =	ssetifvalue $0x7FFFFFFF  }
0x12: {  	[tilespmem:s16], [sflag:$0x1] =	stream.indirect_vreg.gather [hbm4b:s2+s10], $0x1, v2, vm0, $0x4038;
	[tilespmem:$0x800] =	vst v63  }
0x13: {  	s29 =	sadd.s32 $0x10, s16;
	(ifvalue) =	ssetifvalue $0x7FFFFFFF  }
0x14: {  	[tilespmem:s29], [sflag:$0x1] =	stream.indirect_vreg.gather [hbm4b:s2+s10], $0x1, v0, vm0, $0x4038;
	[tilespmem:$0x800] =	vst v63  }
0x15: {  	_ =	swait.ge [sflag:s6], $0x200  }
0x16: {  	s30 =	sshrl.u32 s13, $0x3;
	[sflag:s6] =	ssyncset.done $0x0  }
0x17: {  	s31 =	sand.u32 $0x7, s13;
	s15 =	sadd.s32 s5, s30;
	[sflag:s6] =	ssyncadd.s32 $0xFFFFFE00  }
0x18: {  	[hbm4b:s15+s31] =	stream.linear.scatter [tilespmem:s14], [sflag:$0x3], $0x200, $0x38;
	[tilespmem:$0x800] =	vst v63  }
.LBB2_5:
0x19: {  	s15 =	sadd.s32 $0x4000, s11  }
0x1a: {  	p2 =	sgt.s32 s15, $0x7FFF  }
0x1b: {  	s15 =	smov.u32 @p2 s3;
	p2 =	sne.s32 s12, s9  }
.Ltmp1:
0x1c: {  	p1 =	slt.u32 s12, $0x2;
	(pc) =	sbr.rel @!p2 .LBB2_6-.Ltmp1, $4  }
0x1d: {  	s14 =	simm.s32 @!p1 $0x3  }
0x1e: {  	s16 =	sadd.s32 $0x1, s12;
	_ =	swait.ge @!p1 [sflag:s14], $0x200  }
0x1f: {  	s13 =	smov.u32 s11;
	p0 =	por !p0, !p0;
	[sflag:s14] =	ssyncset.done @!p1 $0x0  }
0x20: {  	s12 =	smov.u32 s16;
	s11 =	smov.u32 s15;
	[sflag:s14] =	ssyncadd.s32 @!p1 $0xFFFFFE00  }
.LBB2_1:
0x21: {  	p1 =	sge.u32 s12, s8  }
0x22: {  	s14 =	sxor.u32 @!p1 $0xFFFFFFFF, s12  }
0x23: {  	s31 =	sadd.s32 $0xFFFFFFFF, s12;
	s15 =	sshrl.u32 @!p1 s11, $0x3;
	s14 =	sshll.u32 @!p1 s14, $0x9  }
0x24: {  	s16 =	sand.u32 @!p1 $0x7, s11;
	s15 =	sadd.s32 @!p1 s4, s15;
	s14 =	sand.u32 @!p1 $0x200, s14  }
0x25: {  	[tilespmem:s14], [sflag:$0x2] =	stream.linear.gather @!p1 [hbm4b:s15+s16], $0x200, $0x38;
	[tilespmem:$0x800] =	vst v63  }
0x26: {  	p1 =	sge.u32 s31, s8  }
.Ltmp2:
0x27: {  	_ = 	snop;
	(pc) =	sbr.rel @p1 .LBB2_5-.Ltmp2, $1  }
0x28: {  	_ =	sdelay $0x3  }
0x29: {  	s14 =	simm.s32 $0x1  }
0x2a: {  	_ =	swait.ge [sflag:s7], $0x200;
	s14 =	simm.s32 @!p0 $0x0  }
0x2b: {  	[sflag:s7] =	ssyncset.done $0x0;
	s14 =	sshll.u32 s14, $0x9  }
0x2c: {  	[sflag:s7] =	ssyncadd.s32 $0xFFFFFE00;
	(ifvalue) =	ssetifvalue $0x7FFFFFFF;
	v0 =	vld.msk [tilespmem:s14+$0x0 ss:$0x1], $0xffff;
	_ =	sdelay $0x4  }
0x2d: {  	s15 =	sadd.s32 $0x10, s14;
	vm1 =	vgt.s32 v0, $0x0  }
0x2e: {  	v2 =	vld.msk [tilespmem:s15+$0x0 ss:$0x1], $0xffff;
	v1 =	vnsel vm1, $0x0, v0  }
0x2f: {  	v1 =	vmin.u32 v1, $0x7FFF;
	_ =	sdelay $0x1  }
0x30: {  	s16 =	sshll.u32 s12, $0x9;
	s18 =	simm.s32 $0x20  }
0x31: {  	s16 =	sand.u32 $0x200, s16;
	s17 =	sadd.s32 $0x10, s15;
	s15 =	sor.u32 $0x400, s14  }
0x32: {  	s14 =	sor.u32 $0x400, s16;
	s16 =	sadd.s32 $0x10, s15;
	v0 =	vld.msk [tilespmem:s17+$0x0 ss:$0x1], $0xffff;
	vm1 =	vgt.s32 v2, $0x0;
	(ifvalue) =	ssetifvalue $0x7FFFFFFF  }
.LBB2_3:
0x33: {  	[tilespmem:s15], [sflag:$0x1] =	stream.indirect_vreg.gather [hbm4b:s2+s10], $0x1, v1, vm0, $0x4038;
	[tilespmem:$0x800] =	vst v63  }
0x34: {  	s18 =	sadd.s32 $0x10, s18  }
0x35: {  	v2 =	vnsel vm1, $0x0, v2;
	p1 =	slt.u32 s18, $0x1F0  }
.Ltmp3:
0x36: {  	s15 =	smov.u32 s16;
	v1 =	vmin.u32 v2, $0x7FFF;
	(pc) =	sbr.rel @p1 .LBB2_3-.Ltmp3, $3  }
0x37: {  	_ =	sdelay $0x1  }
0x38: {  	s17 =	sadd.s32 $0x10, s17  }
0x39: {  	vm1 =	vgt.s32 v0, $0x0;
	s16 =	sadd.s32 $0x10, s16;
	v2 =	vmov v0;
	(ifvalue) =	ssetifvalue $0x7FFFFFFF;
	v0 =	vld.msk [tilespmem:s17+$0x0 ss:$0x1], $0xffff  }
.Ltmp4:
0x3a: {  	_ = 	snop;
	(pc) =	sbr.rel .LBB2_4-.Ltmp4, $1  }
0x3b: {  	_ =	sdelay $0x3  }
.LBB2_6:
0x3c: {  	_ =	sfence.sel $0x180000  }
0x3d: {  	s2 =	simm.s32 $0x2;
	[bflag:$0x0] =	sbarrier.arrive $0xFFFF  }
0x3e: {  	s30 =	simm.s32 $0x3;
	[sflag:s2] =	ssyncpa.u1 $0x1  }
0x3f: {  	s31 =	simm.s32 $0x1;
	[sflag:s30] =	ssyncpa.u1 $0x1  }
0x40: {  	[sflag:s31] =	ssyncpa.u1 $0x1  }
0x41: {  	p0 =	sne.s32 s0, $0x0;
	_ =	strace $0x9000005C  }
0x42: {  	s0 =	sadd.s32 @!p0 $0x100000, s1;
	[bflag:$0x2] =	sbarrier.arrive $0xFFFF  }
0x43: {  	[sflag:s0] =	ssyncadd.tile.s32 @!p0 $0x1;
	_ =	shalt  }
.Lfunc_end2:
_tile_overlayer_lowered:
.L_overlay_start_2:
0x44: {  	(tag) =	ssettag $0x2  }
0x45: {  	s0 =	rddreg [dreg:$0x0];
	s2 =	stileid.u32  }
0x46: {  	s1 =	rddreg [dreg:$0x1];
	p0 =	sne.s32 s2, $0x0  }
0x47: {  	s3 =	rddreg [dreg:$0x2];
	[bflag:$0x3] =	sbarrier.arrive $0xFFFF;
	s2 =	simm.s32 @!p0 $0x1C01  }
0x48: {  	[timem:s3], [sflag:s2] =	dma.local @!p0 [hbm:s0], s1  }
0x49: {  	s0 =	simm.s32 @!p0 $0x1  }
0x4a: {  	_ =	swait.ge @!p0 [sflag:s0], s1  }
0x4b: {  	s1 =	ssub.s32 @!p0 $0x0, s1;
	[sflag:s0] =	ssyncset.done @!p0 $0x0  }
0x4c: {  	[sflag:s0] =	ssyncadd.s32 @!p0 s1  }
0x4d: {  	[bflag:$0x3] =	sbarrier.arrive $0xFFFF  }
0x4e: {  	_ =	shalt  }

// kernel: gather_offload_async_start.2
scs
__scs_entry_jumppad:
0x0: {  	(pc) =	sbr.rel $0x88, $3  }
0x1: {  	(tag) =	ssettag $0x0;
	lr =	simm.s32 $0x1  }
0x2: {  	[smem:$0x3F93] =	sst lr;
	_ =	strace $0xD0000000  }
0x3: {  	_ = 	snop  }
0x4: {  	_ = 	snop  }
0x5: {  	_ = 	snop  }
0x6: {  	_ = 	snop  }
0x7: {  	_ = 	snop  }
__scs_overlays_trampoline_lowered:
0x8: {  	[smem:$0x3FA2] =	sst s0  }
0x9: {  	[smem:$0x3FA3] =	sst s1  }
0xa: {  	[smem:$0x3FA4] =	sst s2  }
0xb: {  	[smem:$0x3FA5] =	sst s3  }
0xc: {  	[smem:$0x3FA6] =	sst s4  }
0xd: {  	[smem:$0x3FA7] =	sst s5  }
0xe: {  	[smem:$0x3FA8] =	sst s6  }
0xf: {  	[smem:$0x3FA9] =	sst s7  }
0x10: {  	[smem:$0x3FAA] =	sst s8  }
0x11: {  	[smem:$0x3FAB] =	sst s9;
	s0 =	simm.s32 @!p0 $0x0  }
0x12: {  	s1 =	sld [smem:$0x3F91];
	s0 =	simm.s32 @p0 $0x1  }
0x13: {  	[smem:$0x3FAC] =	sst s0;
	s0 =	simm.s32 @!p1 $0x0  }
0x14: {  	s2 =	sld [smem:$0x3F90];
	s0 =	simm.s32 @p1 $0x1  }
0x15: {  	[smem:$0x3FAD] =	sst s0;
	s0 =	simm.s32 @!p2 $0x0  }
0x16: {  	s3 =	sld [smem:$0x3FDB];
	s0 =	simm.s32 @p2 $0x1  }
0x17: {  	s4 =	simm.s32 $0x1BF5;
	[smem:$0x3FAF] =	sst s0  }
0x18: {  	s0 =	sld [smem:$0x3F92];
	_ =	swait.ge [sflag:s4], $0x0  }
0x19: {  	s7 =	sld [smem:$0x3F93]  }
0x1a: {  	s8 =	sadd.s32 $0xFFFFE003, lr  }
0x1b: {  	s9 =	sadd.s32 $0xFFFFFEF7, lr;
	s5 =	simm.s32 $0xFFFFFFFF;
	p2 =	slt.u32 s8, $0xFFFFF086  }
0x1c: {  	p1 =	slt.u32 s9, $0xF7A;
	s5 =	simm.s32 @!p2 $0x0  }
0x1d: {  	s5 =	simm.s32 @p1 $0x1;
	p0 =	seq.s32 s7, s2  }
0x1e: {  	s7 =	smul.u32 @!p0 $0xF7A, s2;
	p2 =	seq.s32 @!p0 s5, $0x0  }
0x1f: {  	s9 =	smul.u32 $0xF7A, s1;
	s8 =	simm.s32 @!p0 $0x1BF5;
	p2 =	por !p2, p0  }
0x20: {  	[sflag:s8] =	ssyncset.s32 @!p0 $0xFFFFF086;
	s6 =	sadd.s32 @!p0 s3, s7;
	s7 =	simm.s32 @!p0 $0x108  }
0x21: {  	s3 =	sadd.s32 s3, s9;
	s6 =	sadd.s32 @!p0 $0x88, s6;
	s7 =	simm.s32 @p2 $0x1082  }
0x22: {  	[simem:s7], [sflag:s8] =	dma.local @!p0 [hbm:s6], $0xF7A  }
0x23: {  	s9 =	sor.u32 $0xD0000000, s2;
	s6 =	simm.s32 $0x108;
	_ =	swait.ge @!p0 [sflag:s8], $0x0  }
0x24: {  	s3 =	sadd.s32 $0x88, s3;
	s6 =	simm.s32 @!p1 $0x1082;
	[sflag:s4] =	ssyncset.s32 $0xFFFFF086  }
0x25: {  	[simem:s6], [sflag:s4] =	dma.local [hbm:s3], $0xF7A  }
0x26: {  	[smem:$0x3F93] =	sst s1;
	(tag) =	ssettag s2;
	_ =	strace s9  }
0x27: {  	s1 =	sld [smem:$0x3FA3]  }
0x28: {  	s2 =	sld [smem:$0x3FA4]  }
0x29: {  	s4 =	sld [smem:$0x3FA6]  }
0x2a: {  	p0 =	seq.s32 s5, $0x0;
	s5 =	sld [smem:$0x3FA7]  }
0x2b: {  	s6 =	sld [smem:$0x3FA8]  }
0x2c: {  	s7 =	sld [smem:$0x3FA9]  }
0x2d: {  	s3 =	simm.s32 $0x108;
	s8 =	sld [smem:$0x3FAA]  }
0x2e: {  	s3 =	simm.s32 @!p0 $0x1082;
	s9 =	sld [smem:$0x3FAB]  }
0x2f: {  	lr =	sadd.s32 s0, s3;
	s0 =	sld [smem:$0x3FA2]  }
0x30: {  	s3 =	sld [smem:$0x3FA5]  }
0x31: {  	[smem:$0x3FAE] =	sst s10  }
0x32: {  	s10 =	sld [smem:$0x3FAC];
	_ =	sdelay $0x3  }
0x33: {  	p0 =	seq.s32 s10, $0x1;
	s10 =	sld [smem:$0x3FAE];
	_ =	sdelay $0x3  }
0x34: {  	[smem:$0x3FAE] =	sst s10  }
0x35: {  	s10 =	sld [smem:$0x3FAD];
	_ =	sdelay $0x3  }
0x36: {  	p1 =	seq.s32 s10, $0x1;
	s10 =	sld [smem:$0x3FAE];
	_ =	sdelay $0x3  }
0x37: {  	[smem:$0x3FAE] =	sst s10  }
0x38: {  	s10 =	sld [smem:$0x3FAF]  }
0x39: {  	_ = 	snop;
	(pc) =	sbr.ind lr, $3  }
0x3a: {  	_ = 	snop  }
0x3b: {  	_ = 	snop  }
0x3c: {  	p2 =	seq.s32 s10, $0x1;
	s10 =	sld [smem:$0x3FAE]  }
0x3d: {  	_ =	shalt  }
0x3e: {  	_ =	shalt  }
0x3f: {  	_ =	shalt  }
0x40: {  	_ =	shalt  }
0x41: {  	_ =	shalt  }
0x42: {  	_ =	shalt  }
0x43: {  	_ =	shalt  }
0x44: {  	_ =	shalt  }
0x45: {  	_ =	shalt  }
0x46: {  	_ =	shalt  }
0x47: {  	_ =	shalt  }
0x48: {  	_ =	shalt  }
0x49: {  	_ =	shalt  }
0x4a: {  	_ =	shalt  }
0x4b: {  	_ =	shalt  }
0x4c: {  	_ =	shalt  }
0x4d: {  	_ =	shalt  }
0x4e: {  	_ =	shalt  }
0x4f: {  	_ =	shalt  }
0x50: {  	_ =	shalt  }
0x51: {  	_ =	shalt  }
0x52: {  	_ =	shalt  }
0x53: {  	_ =	shalt  }
0x54: {  	_ =	shalt  }
0x55: {  	_ =	shalt  }
0x56: {  	_ =	shalt  }
0x57: {  	_ =	shalt  }
0x58: {  	_ =	shalt  }
0x59: {  	_ =	shalt  }
0x5a: {  	_ =	shalt  }
0x5b: {  	_ =	shalt  }
0x5c: {  	_ =	shalt  }
0x5d: {  	_ =	shalt  }
0x5e: {  	_ =	shalt  }
0x5f: {  	_ =	shalt  }
0x60: {  	_ =	shalt  }
0x61: {  	_ =	shalt  }
0x62: {  	_ =	shalt  }
0x63: {  	_ =	shalt  }
0x64: {  	_ =	shalt  }
0x65: {  	_ =	shalt  }
0x66: {  	_ =	shalt  }
0x67: {  	_ =	shalt  }
0x68: {  	_ =	shalt  }
0x69: {  	_ =	shalt  }
0x6a: {  	_ =	shalt  }
0x6b: {  	_ =	shalt  }
0x6c: {  	_ =	shalt  }
0x6d: {  	_ =	shalt  }
0x6e: {  	_ =	shalt  }
0x6f: {  	_ =	shalt  }
0x70: {  	_ =	shalt  }
0x71: {  	_ =	shalt  }
0x72: {  	_ =	shalt  }
0x73: {  	_ =	shalt  }
0x74: {  	_ =	shalt  }
0x75: {  	_ =	shalt  }
0x76: {  	_ =	shalt  }
0x77: {  	_ =	shalt  }
0x78: {  	_ =	shalt  }
0x79: {  	_ =	shalt  }
0x7a: {  	_ =	shalt  }
0x7b: {  	_ =	shalt  }
0x7c: {  	_ =	shalt  }
0x7d: {  	_ =	shalt  }
0x7e: {  	_ =	shalt  }
0x7f: {  	_ =	shalt  }
0x80: {  	_ =	shalt  }
0x81: {  	_ =	shalt  }
0x82: {  	_ =	shalt  }
0x83: {  	_ =	shalt  }
0x84: {  	_ =	shalt  }
0x85: {  	_ =	shalt  }
0x86: {  	_ =	shalt  }
0x87: {  	_ =	shalt  }
.Lfunc_end0:
.L_simem_size_0:
called_computation.2_lowered:
.L_overlay_start_0:
0x88: {  	s2 =	sld [smem:$0x3FD9]  }
0x89: {  	s3 =	sld [smem:$0x3FFE];
	_ =	sdelay $0x1  }
0x8a: {  	s1 =	srdreg.scid  }
0x8b: {  	s0 =	sand.u32 $0x1, s1  }
0x8c: {  	s17 =	sshll.u32 s0, $0xA;
	s2 =	sadd.s32 s3, s2  }
0x8d: {  	s2 =	sadd.s32 s2, s17  }
0x8e: {  	[smem:$0x3FBA] =	sst s2  }
0x8f: {  	_ = 	snop  }
0x90: {  	s18 =	sld [smem:$0x3FBE];
	(tm) =	ssettm $0x1  }
0x91: {  	s19 =	sld [smem:$0x3FFB];
	_ =	sdelay $0x3  }
0x92: {  	_ =	strace s19  }
0x93: {  	s2 =	sld [smem:$0x3FFC];
	_ =	sdelay $0x3  }
0x94: {  	_ =	strace s2  }
0x95: {  	s2 =	sld [smem:$0x3FFD];
	_ =	sdelay $0x3  }
0x96: {  	_ =	strace s2  }
0x97: {  	_ =	strace $0x8FFFFFFF  }
0x98: {  	s20 =	sld [smem:$0x3FDB];
	_ =	sdelay $0x1  }
0x99: {  	s4 =	simm.s32 $_scs_section_size  }
0x9a: {  	s5 =	simm.s32 $_size__tile_overlayer_lowered;
	s6 =	simm.s32 $_tile_overlayer_lowered  }
0x9b: {  	s7 =	simm.s32 $0x1BFF;
	s21 =	sshll.u32 s6, $0x1;
	s4 =	sadd.s32 s4, s20  }
0x9c: {  	s22 =	simm.s32 $0x0;
	s5 =	sshll.u32 s5, $0x1;
	s6 =	sadd.s32 s21, s4  }
0x9d: {  	[timem:s22], [sflag:s7] =	dma.local [hbm:s6], s5  }
0x9e: {  	_ =	swait.ge [sflag:s7], s5  }
0x9f: {  	s5 =	ssub.s32 $0x0, s5;
	[sflag:s7] =	ssyncset.done $0x0  }
0xa0: {  	[sflag:s7] =	ssyncadd.s32 s5;
	_ =	sdelay $0x1  }
0xa1: {  	s23 =	simm.s32 $0x1B8B  }
0xa2: {  	_ =	swait.ge [sflag:s23], $0x1  }
0xa3: {  	[sflag:s23] =	ssyncset.done $0x0  }
0xa4: {  	[sflag:s23] =	ssyncadd.s32 $0xFFFFFFFF  }
0xa5: {  	s5 =	sld [smem:$0x0]  }
0xa6: {  	s6 =	sand.u32 $0xFFFFFFFE, s1  }
0xa7: {  	p0 =	sne.s32 s1, s6  }
0xa8: {  	s6 =	sshll.u32 @p0 s6, $0xE  }
0xa9: {  	s6 =	sadd.s32 @p0 $0x11B8D, s6;
	s7 =	sshll.u32 @p0 s5, $0x11  }
0xaa: {  	s6 =	sor.u32 @p0 s7, s6  }
0xab: {  	[sflag:s6] =	ssyncadd.remote.s32 @p0 $0x1;
	_ =	sdelay $0x1  }
0xac: {  	s6 =	simm.s32 @p0 $0x1B8D  }
0xad: {  	_ =	swait.eq @p0 [sflag:s6], $0x1  }
0xae: {  	[sflag:s6] =	ssyncadd.s32 @p0 $0xFFFFFFFF  }
0xaf: {  	s7 =	sshll.u32 @!p0 s1, $0xE  }
0xb0: {  	s7 =	sor.u32 @!p0 $0x4000, s7;
	s6 =	simm.s32 @!p0 $0x1B8D  }
0xb1: {  	s5 =	sshll.u32 @!p0 s5, $0x11;
	s7 =	sadd.s32 @!p0 $0x11B8D, s7;
	_ =	swait.eq @!p0 [sflag:s6], $0x1  }
0xb2: {  	s5 =	sor.u32 @!p0 s5, s7;
	[sflag:s6] =	ssyncadd.s32 @!p0 $0xFFFFFFFF  }
0xb3: {  	s25 =	simm.s32 $0x1B8E;
	s24 =	sld [smem:$0x3FFE];
	[sflag:s5] =	ssyncadd.remote.s32 @!p0 $0x1  }
0xb4: {  	s26 =	simm.s32 $execute0_lowered;
	[smem:$0x3FD2] =	sst s25  }
0xb5: {  	s6 =	sshll.u32 s26, $0x1;
	_ =	strace $0x8000005E;
	[dreg:$0x1] =	wrdreg $0xFFFFFFFF  }
0xb6: {  	s28 =	simm.s32 $_size_execute0_lowered;
	s4 =	sadd.s32 s4, s6;
	[dreg:$0x0] =	wrdreg $0x0  }
0xb7: {  	s6 =	sshll.u32 s28, $0x1;
	[dreg:$0x2] =	wrdreg s4  }
0xb8: {  	[dreg:$0x3] =	wrdreg s6  }
0xb9: {  	[dreg:$0x4] =	wrdreg $0xC0  }
0xba: {  	_ =	task [dreg:s22], $0x5FFFF  }
0xbb: {  	[dreg:$0x1] =	wrdreg $0xFFFFFFFF  }
0xbc: {  	[dreg:$0x0] =	wrdreg $0x60  }
0xbd: {  	[dreg:$0x2] =	wrdreg s18  }
0xbe: {  	[dreg:$0x3] =	wrdreg s24  }
0xbf: {  	[dreg:$0x4] =	wrdreg $0xB  }
0xc0: {  	_ =	task.clear_ibuf [dreg:s22], $0x5FFFF;
	_ =	strace $0x9000005E  }
0xc1: {  	s29 =	simm.s32 $0xB;
	_ =	strace $0x80000060  }
0xc2: {  	_ =	swait.ge [sflag:s29], $0x1  }
0xc3: {  	[sflag:s29] =	ssyncadd.s32 $0xFFFFFFFF  }
0xc4: {  	_ =	strace $0x90000060  }
0xc5: {  	_ =	sfence  }
0xc6: {  	s30 =	sld [smem:$0x0];
	_ =	sdelay $0x2  }
0xc7: {  	s31 =	sshll.u32 s1, $0xD;
	s1 =	sshrl.u32 s1, $0x2  }
0xc8: {  	s4 =	sand.u32 $0x4000, s31;
	s1 =	sadd.s32 s1, s30  }
0xc9: {  	s0 =	sor.u32 s4, s0;
	s1 =	sshll.u32 s1, $0x11  }
0xca: {  	s0 =	sor.u32 s1, s0  }
0xcb: {  	s0 =	sadd.s32 $0x8F2B, s0  }
0xcc: {  	[sflag:s0] =	ssyncadd.remote.s32 $0x1  }
0xcd: {  	_ =	sfence.sel $0xFFFF  }
0xce: {  	[dreg:$0x0] =	wrdreg $0xFFFFFFFF;
	(pc) =	sbr.abs _section_cstart, $3  }
0xcf: {  	[dreg:$0x1] =	wrdreg $0xFFFFFFFF  }
0xd0: {  	_ =	task.clear_ibuf [dreg:s22], $0x2FFFF;
	_ =	strace $0x9FFFFFFF  }
0xd1: {  	(tm) =	ssettm $0x7FFFFFFF  }
tec
execute0_lowered:
.L_overlay_start_1:
0x0: {  	(tag) =	ssettag $0x1  }
0x1: {  	s1 =	srdreg.scid;
	s2 =	rddreg [dreg:$0x0]  }
0x2: {  	s0 =	stileid.u32;
	s5 =	rddreg [dreg:$0x1];
	s6 =	simm.s32 $0x1  }
0x3: {  	s9 =	simm.s32 $0x1;
	s10 =	simm.s32 $0x3;
	s1 =	sshll.u32 s1, $0x9  }
0x4: {  	s13 =	simm.s32 $0x0;
	s3 =	sshll.u32 s0, $0xA;
	s4 =	sand.u32 $0x200, s1  }
0x5: {  	s12 =	simm.s32 $0x0;
	s1 =	rddreg [dreg:$0x2];
	s3 =	sor.u32 s3, s4  }
0x6: {  	_ =	strace $0x8000005F;
	s4 =	sadd.s32 $0x85200, s5;
	s8 =	ssub.s32 $0x8000, s3  }
.Ltmp0:
0x7: {  	s5 =	sadd.s32 $0x91A00, s5;
	s7 =	sand.u32 $0x3E00, s8;
	(pc) =	sbr.rel .LBB2_1-.Ltmp0, $4  }
0x8: {  	[sflag:s6] =	ssyncpa.u1 $0x0;
	s11 =	smov.u32 s3;
	p0 =	sne.s32 s7, $0x0  }
0x9: {  	s8 =	sshrl.u32 s8, $0xE;
	s7 =	simm.s32 $0x2;
	s9 =	simm.s32 @!p0 $0x0  }
0xa: {  	[sflag:s7] =	ssyncpa.u1 $0x0;
	p0 =	por $0x0, $0x0;
	s8 =	sadd.s32 s9, s8  }
0xb: {  	vm0 =	vmmov $0xffff;
	[sflag:s10] =	ssyncpa.u1 $0x0;
	s10 =	simm.s32 $0x0;
	s9 =	sadd.s32 $0x1, s8  }
.LBB2_4:
0xc: {  	v2 =	vnsel vm1, $0x0, v2  }
0xd: {  	vm1 =	vgt.s32 v0, $0x0;
	v2 =	vmin.u32 v2, $0x7FFF  }
0xe: {  	v0 =	vnsel vm1, $0x0, v0  }
0xf: {  	v0 =	vmin.u32 v0, $0x7FFF  }
0x10: {  	[tilespmem:s15], [sflag:$0x1] =	stream.indirect_vreg.gather [hbm4b:s2+s10], $0x1, v1, vm0, $0x4038;
	[tilespmem:$0x800] =	vst v63  }
0x11: {  	(ifvalue) =	ssetifvalue $0x7FFFFFFF  }
0x12: {  	[tilespmem:s16], [sflag:$0x1] =	stream.indirect_vreg.gather [hbm4b:s2+s10], $0x1, v2, vm0, $0x4038;
	[tilespmem:$0x800] =	vst v63  }
0x13: {  	s29 =	sadd.s32 $0x10, s16;
	(ifvalue) =	ssetifvalue $0x7FFFFFFF  }
0x14: {  	[tilespmem:s29], [sflag:$0x1] =	stream.indirect_vreg.gather [hbm4b:s2+s10], $0x1, v0, vm0, $0x4038;
	[tilespmem:$0x800] =	vst v63  }
0x15: {  	_ =	swait.ge [sflag:s6], $0x200  }
0x16: {  	s30 =	sshrl.u32 s13, $0x3;
	[sflag:s6] =	ssyncset.done $0x0  }
0x17: {  	s31 =	sand.u32 $0x7, s13;
	s15 =	sadd.s32 s5, s30;
	[sflag:s6] =	ssyncadd.s32 $0xFFFFFE00  }
0x18: {  	[hbm4b:s15+s31] =	stream.linear.scatter [tilespmem:s14], [sflag:$0x3], $0x200, $0x38;
	[tilespmem:$0x800] =	vst v63  }
.LBB2_5:
0x19: {  	s15 =	sadd.s32 $0x4000, s11  }
0x1a: {  	p2 =	sgt.s32 s15, $0x7FFF  }
0x1b: {  	s15 =	smov.u32 @p2 s3;
	p2 =	sne.s32 s12, s9  }
.Ltmp1:
0x1c: {  	p1 =	slt.u32 s12, $0x2;
	(pc) =	sbr.rel @!p2 .LBB2_6-.Ltmp1, $4  }
0x1d: {  	s14 =	simm.s32 @!p1 $0x3  }
0x1e: {  	s16 =	sadd.s32 $0x1, s12;
	_ =	swait.ge @!p1 [sflag:s14], $0x200  }
0x1f: {  	s13 =	smov.u32 s11;
	p0 =	por !p0, !p0;
	[sflag:s14] =	ssyncset.done @!p1 $0x0  }
0x20: {  	s12 =	smov.u32 s16;
	s11 =	smov.u32 s15;
	[sflag:s14] =	ssyncadd.s32 @!p1 $0xFFFFFE00  }
.LBB2_1:
0x21: {  	p1 =	sge.u32 s12, s8  }
0x22: {  	s14 =	sxor.u32 @!p1 $0xFFFFFFFF, s12  }
0x23: {  	s31 =	sadd.s32 $0xFFFFFFFF, s12;
	s15 =	sshrl.u32 @!p1 s11, $0x3;
	s14 =	sshll.u32 @!p1 s14, $0x9  }
0x24: {  	s16 =	sand.u32 @!p1 $0x7, s11;
	s15 =	sadd.s32 @!p1 s4, s15;
	s14 =	sand.u32 @!p1 $0x200, s14  }
0x25: {  	[tilespmem:s14], [sflag:$0x2] =	stream.linear.gather @!p1 [hbm4b:s15+s16], $0x200, $0x38;
	[tilespmem:$0x800] =	vst v63  }
0x26: {  	p1 =	sge.u32 s31, s8  }
.Ltmp2:
0x27: {  	_ = 	snop;
	(pc) =	sbr.rel @p1 .LBB2_5-.Ltmp2, $1  }
0x28: {  	_ =	sdelay $0x3  }
0x29: {  	s14 =	simm.s32 $0x1  }
0x2a: {  	_ =	swait.ge [sflag:s7], $0x200;
	s14 =	simm.s32 @!p0 $0x0  }
0x2b: {  	[sflag:s7] =	ssyncset.done $0x0;
	s14 =	sshll.u32 s14, $0x9  }
0x2c: {  	[sflag:s7] =	ssyncadd.s32 $0xFFFFFE00;
	(ifvalue) =	ssetifvalue $0x7FFFFFFF;
	v0 =	vld.msk [tilespmem:s14+$0x0 ss:$0x1], $0xffff;
	_ =	sdelay $0x4  }
0x2d: {  	s15 =	sadd.s32 $0x10, s14;
	vm1 =	vgt.s32 v0, $0x0  }
0x2e: {  	v2 =	vld.msk [tilespmem:s15+$0x0 ss:$0x1], $0xffff;
	v1 =	vnsel vm1, $0x0, v0  }
0x2f: {  	v1 =	vmin.u32 v1, $0x7FFF;
	_ =	sdelay $0x1  }
0x30: {  	s16 =	sshll.u32 s12, $0x9;
	s18 =	simm.s32 $0x20  }
0x31: {  	s16 =	sand.u32 $0x200, s16;
	s17 =	sadd.s32 $0x10, s15;
	s15 =	sor.u32 $0x400, s14  }
0x32: {  	s14 =	sor.u32 $0x400, s16;
	s16 =	sadd.s32 $0x10, s15;
	v0 =	vld.msk [tilespmem:s17+$0x0 ss:$0x1], $0xffff;
	vm1 =	vgt.s32 v2, $0x0;
	(ifvalue) =	ssetifvalue $0x7FFFFFFF  }
.LBB2_3:
0x33: {  	[tilespmem:s15], [sflag:$0x1] =	stream.indirect_vreg.gather [hbm4b:s2+s10], $0x1, v1, vm0, $0x4038;
	[tilespmem:$0x800] =	vst v63  }
0x34: {  	s18 =	sadd.s32 $0x10, s18  }
0x35: {  	v2 =	vnsel vm1, $0x0, v2;
	p1 =	slt.u32 s18, $0x1F0  }
.Ltmp3:
0x36: {  	s15 =	smov.u32 s16;
	v1 =	vmin.u32 v2, $0x7FFF;
	(pc) =	sbr.rel @p1 .LBB2_3-.Ltmp3, $3  }
0x37: {  	_ =	sdelay $0x1  }
0x38: {  	s17 =	sadd.s32 $0x10, s17  }
0x39: {  	vm1 =	vgt.s32 v0, $0x0;
	s16 =	sadd.s32 $0x10, s16;
	v2 =	vmov v0;
	(ifvalue) =	ssetifvalue $0x7FFFFFFF;
	v0 =	vld.msk [tilespmem:s17+$0x0 ss:$0x1], $0xffff  }
.Ltmp4:
0x3a: {  	_ = 	snop;
	(pc) =	sbr.rel .LBB2_4-.Ltmp4, $1  }
0x3b: {  	_ =	sdelay $0x3  }
.LBB2_6:
0x3c: {  	_ =	sfence.sel $0x180000  }
0x3d: {  	s2 =	simm.s32 $0x2;
	[bflag:$0x0] =	sbarrier.arrive $0xFFFF  }
0x3e: {  	s30 =	simm.s32 $0x3;
	[sflag:s2] =	ssyncpa.u1 $0x1  }
0x3f: {  	s31 =	simm.s32 $0x1;
	[sflag:s30] =	ssyncpa.u1 $0x1  }
0x40: {  	[sflag:s31] =	ssyncpa.u1 $0x1  }
0x41: {  	p0 =	sne.s32 s0, $0x0;
	_ =	strace $0x9000005F  }
0x42: {  	s0 =	sadd.s32 @!p0 $0x100000, s1;
	[bflag:$0x2] =	sbarrier.arrive $0xFFFF  }
0x43: {  	[sflag:s0] =	ssyncadd.tile.s32 @!p0 $0x1;
	_ =	shalt  }
.Lfunc_end2:
_tile_overlayer_lowered:
.L_overlay_start_2:
0x44: {  	(tag) =	ssettag $0x2  }
0x45: {  	s0 =	rddreg [dreg:$0x0];
	s2 =	stileid.u32  }
0x46: {  	s1 =	rddreg [dreg:$0x1];
	p0 =	sne.s32 s2, $0x0  }
0x47: {  	s3 =	rddreg [dreg:$0x2];
	[bflag:$0x3] =	sbarrier.arrive $0xFFFF;
	s2 =	simm.s32 @!p0 $0x1C01  }
0x48: {  	[timem:s3], [sflag:s2] =	dma.local @!p0 [hbm:s0], s1  }
0x49: {  	s0 =	simm.s32 @!p0 $0x1  }
0x4a: {  	_ =	swait.ge @!p0 [sflag:s0], s1  }
0x4b: {  	s1 =	ssub.s32 @!p0 $0x0, s1;
	[sflag:s0] =	ssyncset.done @!p0 $0x0  }
0x4c: {  	[sflag:s0] =	ssyncadd.s32 @!p0 s1  }
0x4d: {  	[bflag:$0x3] =	sbarrier.arrive $0xFFFF  }
0x4e: {  	_ =	shalt  }

// kernel: gather_offload_async_start.3
scs
__scs_entry_jumppad:
0x0: {  	(pc) =	sbr.rel $0x88, $3  }
0x1: {  	(tag) =	ssettag $0x0;
	lr =	simm.s32 $0x1  }
0x2: {  	[smem:$0x3F93] =	sst lr;
	_ =	strace $0xD0000000  }
0x3: {  	_ = 	snop  }
0x4: {  	_ = 	snop  }
0x5: {  	_ = 	snop  }
0x6: {  	_ = 	snop  }
0x7: {  	_ = 	snop  }
__scs_overlays_trampoline_lowered:
0x8: {  	[smem:$0x3FA2] =	sst s0  }
0x9: {  	[smem:$0x3FA3] =	sst s1  }
0xa: {  	[smem:$0x3FA4] =	sst s2  }
0xb: {  	[smem:$0x3FA5] =	sst s3  }
0xc: {  	[smem:$0x3FA6] =	sst s4  }
0xd: {  	[smem:$0x3FA7] =	sst s5  }
0xe: {  	[smem:$0x3FA8] =	sst s6  }
0xf: {  	[smem:$0x3FA9] =	sst s7  }
0x10: {  	[smem:$0x3FAA] =	sst s8  }
0x11: {  	[smem:$0x3FAB] =	sst s9;
	s0 =	simm.s32 @!p0 $0x0  }
0x12: {  	s1 =	sld [smem:$0x3F91];
	s0 =	simm.s32 @p0 $0x1  }
0x13: {  	[smem:$0x3FAC] =	sst s0;
	s0 =	simm.s32 @!p1 $0x0  }
0x14: {  	s2 =	sld [smem:$0x3F90];
	s0 =	simm.s32 @p1 $0x1  }
0x15: {  	[smem:$0x3FAD] =	sst s0;
	s0 =	simm.s32 @!p2 $0x0  }
0x16: {  	s3 =	sld [smem:$0x3FDB];
	s0 =	simm.s32 @p2 $0x1  }
0x17: {  	s4 =	simm.s32 $0x1BF5;
	[smem:$0x3FAF] =	sst s0  }
0x18: {  	s0 =	sld [smem:$0x3F92];
	_ =	swait.ge [sflag:s4], $0x0  }
0x19: {  	s7 =	sld [smem:$0x3F93]  }
0x1a: {  	s8 =	sadd.s32 $0xFFFFE003, lr  }
0x1b: {  	s9 =	sadd.s32 $0xFFFFFEF7, lr;
	s5 =	simm.s32 $0xFFFFFFFF;
	p2 =	slt.u32 s8, $0xFFFFF086  }
0x1c: {  	p1 =	slt.u32 s9, $0xF7A;
	s5 =	simm.s32 @!p2 $0x0  }
0x1d: {  	s5 =	simm.s32 @p1 $0x1;
	p0 =	seq.s32 s7, s2  }
0x1e: {  	s7 =	smul.u32 @!p0 $0xF7A, s2;
	p2 =	seq.s32 @!p0 s5, $0x0  }
0x1f: {  	s9 =	smul.u32 $0xF7A, s1;
	s8 =	simm.s32 @!p0 $0x1BF5;
	p2 =	por !p2, p0  }
0x20: {  	[sflag:s8] =	ssyncset.s32 @!p0 $0xFFFFF086;
	s6 =	sadd.s32 @!p0 s3, s7;
	s7 =	simm.s32 @!p0 $0x108  }
0x21: {  	s3 =	sadd.s32 s3, s9;
	s6 =	sadd.s32 @!p0 $0x88, s6;
	s7 =	simm.s32 @p2 $0x1082  }
0x22: {  	[simem:s7], [sflag:s8] =	dma.local @!p0 [hbm:s6], $0xF7A  }
0x23: {  	s9 =	sor.u32 $0xD0000000, s2;
	s6 =	simm.s32 $0x108;
	_ =	swait.ge @!p0 [sflag:s8], $0x0  }
0x24: {  	s3 =	sadd.s32 $0x88, s3;
	s6 =	simm.s32 @!p1 $0x1082;
	[sflag:s4] =	ssyncset.s32 $0xFFFFF086  }
0x25: {  	[simem:s6], [sflag:s4] =	dma.local [hbm:s3], $0xF7A  }
0x26: {  	[smem:$0x3F93] =	sst s1;
	(tag) =	ssettag s2;
	_ =	strace s9  }
0x27: {  	s1 =	sld [smem:$0x3FA3]  }
0x28: {  	s2 =	sld [smem:$0x3FA4]  }
0x29: {  	s4 =	sld [smem:$0x3FA6]  }
0x2a: {  	p0 =	seq.s32 s5, $0x0;
	s5 =	sld [smem:$0x3FA7]  }
0x2b: {  	s6 =	sld [smem:$0x3FA8]  }
0x2c: {  	s7 =	sld [smem:$0x3FA9]  }
0x2d: {  	s3 =	simm.s32 $0x108;
	s8 =	sld [smem:$0x3FAA]  }
0x2e: {  	s3 =	simm.s32 @!p0 $0x1082;
	s9 =	sld [smem:$0x3FAB]  }
0x2f: {  	lr =	sadd.s32 s0, s3;
	s0 =	sld [smem:$0x3FA2]  }
0x30: {  	s3 =	sld [smem:$0x3FA5]  }
0x31: {  	[smem:$0x3FAE] =	sst s10  }
0x32: {  	s10 =	sld [smem:$0x3FAC];
	_ =	sdelay $0x3  }
0x33: {  	p0 =	seq.s32 s10, $0x1;
	s10 =	sld [smem:$0x3FAE];
	_ =	sdelay $0x3  }
0x34: {  	[smem:$0x3FAE] =	sst s10  }
0x35: {  	s10 =	sld [smem:$0x3FAD];
	_ =	sdelay $0x3  }
0x36: {  	p1 =	seq.s32 s10, $0x1;
	s10 =	sld [smem:$0x3FAE];
	_ =	sdelay $0x3  }
0x37: {  	[smem:$0x3FAE] =	sst s10  }
0x38: {  	s10 =	sld [smem:$0x3FAF]  }
0x39: {  	_ = 	snop;
	(pc) =	sbr.ind lr, $3  }
0x3a: {  	_ = 	snop  }
0x3b: {  	_ = 	snop  }
0x3c: {  	p2 =	seq.s32 s10, $0x1;
	s10 =	sld [smem:$0x3FAE]  }
0x3d: {  	_ =	shalt  }
0x3e: {  	_ =	shalt  }
0x3f: {  	_ =	shalt  }
0x40: {  	_ =	shalt  }
0x41: {  	_ =	shalt  }
0x42: {  	_ =	shalt  }
0x43: {  	_ =	shalt  }
0x44: {  	_ =	shalt  }
0x45: {  	_ =	shalt  }
0x46: {  	_ =	shalt  }
0x47: {  	_ =	shalt  }
0x48: {  	_ =	shalt  }
0x49: {  	_ =	shalt  }
0x4a: {  	_ =	shalt  }
0x4b: {  	_ =	shalt  }
0x4c: {  	_ =	shalt  }
0x4d: {  	_ =	shalt  }
0x4e: {  	_ =	shalt  }
0x4f: {  	_ =	shalt  }
0x50: {  	_ =	shalt  }
0x51: {  	_ =	shalt  }
0x52: {  	_ =	shalt  }
0x53: {  	_ =	shalt  }
0x54: {  	_ =	shalt  }
0x55: {  	_ =	shalt  }
0x56: {  	_ =	shalt  }
0x57: {  	_ =	shalt  }
0x58: {  	_ =	shalt  }
0x59: {  	_ =	shalt  }
0x5a: {  	_ =	shalt  }
0x5b: {  	_ =	shalt  }
0x5c: {  	_ =	shalt  }
0x5d: {  	_ =	shalt  }
0x5e: {  	_ =	shalt  }
0x5f: {  	_ =	shalt  }
0x60: {  	_ =	shalt  }
0x61: {  	_ =	shalt  }
0x62: {  	_ =	shalt  }
0x63: {  	_ =	shalt  }
0x64: {  	_ =	shalt  }
0x65: {  	_ =	shalt  }
0x66: {  	_ =	shalt  }
0x67: {  	_ =	shalt  }
0x68: {  	_ =	shalt  }
0x69: {  	_ =	shalt  }
0x6a: {  	_ =	shalt  }
0x6b: {  	_ =	shalt  }
0x6c: {  	_ =	shalt  }
0x6d: {  	_ =	shalt  }
0x6e: {  	_ =	shalt  }
0x6f: {  	_ =	shalt  }
0x70: {  	_ =	shalt  }
0x71: {  	_ =	shalt  }
0x72: {  	_ =	shalt  }
0x73: {  	_ =	shalt  }
0x74: {  	_ =	shalt  }
0x75: {  	_ =	shalt  }
0x76: {  	_ =	shalt  }
0x77: {  	_ =	shalt  }
0x78: {  	_ =	shalt  }
0x79: {  	_ =	shalt  }
0x7a: {  	_ =	shalt  }
0x7b: {  	_ =	shalt  }
0x7c: {  	_ =	shalt  }
0x7d: {  	_ =	shalt  }
0x7e: {  	_ =	shalt  }
0x7f: {  	_ =	shalt  }
0x80: {  	_ =	shalt  }
0x81: {  	_ =	shalt  }
0x82: {  	_ =	shalt  }
0x83: {  	_ =	shalt  }
0x84: {  	_ =	shalt  }
0x85: {  	_ =	shalt  }
0x86: {  	_ =	shalt  }
0x87: {  	_ =	shalt  }
.Lfunc_end0:
.L_simem_size_0:
called_computation.3_lowered:
.L_overlay_start_0:
0x88: {  	s2 =	sld [smem:$0x3FD9]  }
0x89: {  	s3 =	sld [smem:$0x3FFE];
	_ =	sdelay $0x1  }
0x8a: {  	s1 =	srdreg.scid  }
0x8b: {  	s0 =	sand.u32 $0x1, s1  }
0x8c: {  	s17 =	sshll.u32 s0, $0xA;
	s2 =	sadd.s32 s3, s2  }
0x8d: {  	s2 =	sadd.s32 s2, s17  }
0x8e: {  	[smem:$0x3FBA] =	sst s2  }
0x8f: {  	_ = 	snop  }
0x90: {  	(tm) =	ssettm $0x1  }
0x91: {  	s18 =	sld [smem:$0x3FFB];
	_ =	sdelay $0x3  }
0x92: {  	_ =	strace s18  }
0x93: {  	s2 =	sld [smem:$0x3FFC];
	_ =	sdelay $0x3  }
0x94: {  	_ =	strace s2  }
0x95: {  	s2 =	sld [smem:$0x3FFD];
	_ =	sdelay $0x3  }
0x96: {  	_ =	strace s2  }
0x97: {  	_ =	strace $0x8FFFFFFF  }
0x98: {  	s19 =	sld [smem:$0x3FDB];
	_ =	sdelay $0x1  }
0x99: {  	s20 =	simm.s32 $_scs_section_size  }
0x9a: {  	s4 =	simm.s32 $_size__tile_overlayer_lowered;
	s5 =	simm.s32 $_tile_overlayer_lowered  }
0x9b: {  	s6 =	simm.s32 $0x1BFF;
	s21 =	sshll.u32 s5, $0x1;
	s3 =	sadd.s32 s20, s19  }
0x9c: {  	s22 =	simm.s32 $0x0;
	s4 =	sshll.u32 s4, $0x1;
	s5 =	sadd.s32 s21, s3  }
0x9d: {  	[timem:s22], [sflag:s6] =	dma.local [hbm:s5], s4  }
0x9e: {  	_ =	swait.ge [sflag:s6], s4  }
0x9f: {  	s4 =	ssub.s32 $0x0, s4;
	[sflag:s6] =	ssyncset.done $0x0  }
0xa0: {  	[sflag:s6] =	ssyncadd.s32 s4;
	_ =	sdelay $0x1  }
0xa1: {  	s23 =	simm.s32 $0x1B8B  }
0xa2: {  	_ =	swait.ge [sflag:s23], $0x1  }
0xa3: {  	[sflag:s23] =	ssyncset.done $0x0  }
0xa4: {  	[sflag:s23] =	ssyncadd.s32 $0xFFFFFFFF  }
0xa5: {  	s4 =	sld [smem:$0x0]  }
0xa6: {  	s5 =	sand.u32 $0xFFFFFFFE, s1  }
0xa7: {  	p0 =	sne.s32 s1, s5  }
0xa8: {  	s5 =	sshll.u32 @p0 s5, $0xE  }
0xa9: {  	s5 =	sadd.s32 @p0 $0x11B8D, s5;
	s6 =	sshll.u32 @p0 s4, $0x11  }
0xaa: {  	s5 =	sor.u32 @p0 s6, s5  }
0xab: {  	[sflag:s5] =	ssyncadd.remote.s32 @p0 $0x1;
	_ =	sdelay $0x1  }
0xac: {  	s5 =	simm.s32 @p0 $0x1B8D  }
0xad: {  	_ =	swait.eq @p0 [sflag:s5], $0x1  }
0xae: {  	[sflag:s5] =	ssyncadd.s32 @p0 $0xFFFFFFFF  }
0xaf: {  	s6 =	sshll.u32 @!p0 s1, $0xE  }
0xb0: {  	s6 =	sor.u32 @!p0 $0x4000, s6;
	s5 =	simm.s32 @!p0 $0x1B8D  }
0xb1: {  	s4 =	sshll.u32 @!p0 s4, $0x11;
	s6 =	sadd.s32 @!p0 $0x11B8D, s6;
	_ =	swait.eq @!p0 [sflag:s5], $0x1  }
0xb2: {  	s4 =	sor.u32 @!p0 s4, s6;
	[sflag:s5] =	ssyncadd.s32 @!p0 $0xFFFFFFFF  }
0xb3: {  	s25 =	simm.s32 $0x1B8E;
	s24 =	sld [smem:$0x3FFE];
	[sflag:s4] =	ssyncadd.remote.s32 @!p0 $0x1  }
0xb4: {  	s26 =	simm.s32 $execute0_lowered;
	[smem:$0x3FD2] =	sst s25  }
0xb5: {  	s5 =	sshll.u32 s26, $0x1;
	_ =	strace $0x80000061;
	[dreg:$0x1] =	wrdreg $0xFFFFFFFF  }
0xb6: {  	s28 =	simm.s32 $_size_execute0_lowered;
	s3 =	sadd.s32 s3, s5;
	[dreg:$0x0] =	wrdreg $0x0  }
0xb7: {  	s5 =	sshll.u32 s28, $0x1;
	[dreg:$0x2] =	wrdreg s3  }
0xb8: {  	[dreg:$0x3] =	wrdreg s5  }
0xb9: {  	[dreg:$0x4] =	wrdreg $0xC0  }
0xba: {  	_ =	task [dreg:s22], $0x5FFFF  }
0xbb: {  	[dreg:$0x1] =	wrdreg $0xFFFFFFFF  }
0xbc: {  	[dreg:$0x0] =	wrdreg $0x60  }
0xbd: {  	[dreg:$0x2] =	wrdreg s24  }
0xbe: {  	[dreg:$0x3] =	wrdreg $0xC  }
0xbf: {  	_ =	task.clear_ibuf [dreg:s22], $0x4FFFF;
	_ =	strace $0x90000061  }
0xc0: {  	s29 =	simm.s32 $0xC;
	_ =	strace $0x80000063  }
0xc1: {  	_ =	swait.ge [sflag:s29], $0x1  }
0xc2: {  	[sflag:s29] =	ssyncadd.s32 $0xFFFFFFFF  }
0xc3: {  	_ =	strace $0x90000063  }
0xc4: {  	_ =	sfence  }
0xc5: {  	s30 =	sld [smem:$0x0];
	_ =	sdelay $0x2  }
0xc6: {  	s31 =	sshll.u32 s1, $0xD;
	s1 =	sshrl.u32 s1, $0x2  }
0xc7: {  	s4 =	sand.u32 $0x4000, s31;
	s1 =	sadd.s32 s1, s30  }
0xc8: {  	s0 =	sor.u32 s4, s0;
	s1 =	sshll.u32 s1, $0x11  }
0xc9: {  	s0 =	sor.u32 s1, s0  }
0xca: {  	s0 =	sadd.s32 $0x8F2B, s0  }
0xcb: {  	[sflag:s0] =	ssyncadd.remote.s32 $0x1  }
0xcc: {  	_ =	sfence.sel $0xFFFF  }
0xcd: {  	[dreg:$0x0] =	wrdreg $0xFFFFFFFF;
	(pc) =	sbr.abs _section_cstart, $3  }
0xce: {  	[dreg:$0x1] =	wrdreg $0xFFFFFFFF  }
0xcf: {  	_ =	task.clear_ibuf [dreg:s22], $0x2FFFF;
	_ =	strace $0x9FFFFFFF  }
0xd0: {  	(tm) =	ssettm $0x7FFFFFFF  }
0xd1: {  	_ =	shalt  }
tec
execute0_lowered:
.L_overlay_start_1:
0x0: {  	(tag) =	ssettag $0x1  }
0x1: {  	s7 =	rddreg [dreg:$0x0]  }
0x2: {  	s0 =	rddreg [dreg:$0x1];
	_ =	strace $0x80000062  }
0x3: {  	s1 =	srdreg.scid;
	s4 =	simm.s32 $0x1;
	s9 =	simm.s32 $0x3  }
0x4: {  	s11 =	simm.s32 $0x0;
	p0 =	por $0x0, $0x0;
	s5 =	sshll.u32 s1, $0x4  }
.Ltmp0:
0x5: {  	s1 =	stileid.u32;
	s5 =	sand.u32 $0x10, s5;
	(pc) =	sbr.rel .LBB2_1-.Ltmp0, $4  }
0x6: {  	s2 =	sadd.s32 $0x5200, s7;
	s3 =	sadd.s32 $0x85200, s7;
	s6 =	sor.u32 s1, s5  }
0x7: {  	[sflag:s4] =	ssyncpa.u1 $0x0;
	s5 =	simm.s32 $0x2;
	s6 =	sshll.u32 s6, $0xA  }
0x8: {  	s7 =	sadd.s32 $0x93A00, s7;
	[sflag:s5] =	ssyncpa.u1 $0x0;
	s8 =	sadd.s32 $0x400, s6  }
0x9: {  	vm0 =	vmmov $0xff;
	vm1 =	vcmask $0x3F20;
	[sflag:s9] =	ssyncpa.u1 $0x0;
	s10 =	smov.u32 s6;
	s9 =	simm.s32 $0x0  }
.LBB2_7:
0xa: {  	p1 =	slt.u32 s9, $0x2;
	s11 =	sadd.s32 $0x100, s10  }
0xb: {  	s13 =	smov.u32 s6;
	s9 =	sadd.s32 $0x1, s9;
	p2 =	slt.s32 s11, s8  }
0xc: {  	s13 =	smov.u32 @p2 s11;
	p2 =	sne.s32 s9, $0x6  }
.Ltmp1:
0xd: {  	_ = 	snop;
	(pc) =	sbr.rel @!p2 .LBB2_8-.Ltmp1, $4  }
0xe: {  	s12 =	simm.s32 @!p1 $0x3  }
0xf: {  	_ =	swait.ge @!p1 [sflag:s12], $0x8000  }
0x10: {  	p0 =	por !p0, !p0;
	[sflag:s12] =	ssyncset.done @!p1 $0x0  }
0x11: {  	s11 =	smov.u32 s10;
	s10 =	smov.u32 s13;
	[sflag:s12] =	ssyncadd.s32 @!p1 $0xFFFF8000  }
.LBB2_1:
0x12: {  	p1 =	sgt.u32 s9, $0x3  }
0x13: {  	s12 =	sxor.u32 @!p1 $0xFFFFFFFF, s9  }
0x14: {  	s13 =	sshrl.u32 @!p1 s10, $0x3;
	s12 =	sshll.u32 @!p1 s12, $0x8  }
0x15: {  	s14 =	sand.u32 @!p1 $0x7, s10;
	s13 =	sadd.s32 @!p1 s3, s13;
	s12 =	sand.u32 @!p1 $0x100, s12  }
0x16: {  	[tilespmem:s12], [sflag:$0x2] =	stream.linear.gather @!p1 [hbm4b:s13+s14], $0x100, $0x38;
	[tilespmem:$0x10200] =	vst v63  }
0x17: {  	p1 =	seq.s32 s9, $0x0  }
0x18: {  	p2 =	seq.s32 @!p1 s9, $0x5  }
0x19: {  	p1 =	por p1, p2  }
.Ltmp2:
0x1a: {  	_ = 	snop;
	(pc) =	sbr.rel @p1 .LBB2_7-.Ltmp2, $1  }
0x1b: {  	_ =	sdelay $0x3  }
0x1c: {  	s12 =	simm.s32 $0x1  }
0x1d: {  	_ =	swait.ge [sflag:s5], $0x100;
	s12 =	simm.s32 @!p0 $0x0  }
0x1e: {  	[sflag:s5] =	ssyncset.done $0x0;
	s14 =	sshll.u32 s12, $0x8  }
0x1f: {  	[sflag:s5] =	ssyncadd.s32 $0xFFFFFF00;
	s13 =	sadd.s32 $0x0, s14  }
0x20: {  	v0 =	vld.msk [tilespmem:s13+$0x0 ss:$0x1], $0xffff;
	_ =	sdelay $0x4  }
0x21: {  	vm2 =	vgt.s32 v0, $0x0  }
0x22: {  	v0 =	vnsel vm2, $0x0, v0  }
0x23: {  	v0 =	vmin.u32 v0, $0x7FFF  }
0x24: {  	v0 =	vshll.u32 v0, $0x4;
	_ =	sdelay $0x2  }
0x25: {  	s12 =	sshll.u32 s12, $0xF  }
0x26: {  	s12 =	sor.u32 $0x200, s12  }
0x27: {  	[tilespmem:s12], [sflag:$0x1] =	stream.indirect_vreg.gather [hbm:s2], $0x80, v0, vm0, $0x38;
	[tilespmem:$0x10200] =	vst v63  }
0x28: {  	s15 =	sadd.s32 $0x10, s14;
	s13 =	sadd.s32 $0x400, s12  }
0x29: {  	[tilespmem:s13], [sflag:$0x1] =	stream.indirect_vreg.gather [hbm:s2], $0x80, v0, vm1, $0x38;
	[tilespmem:$0x10200] =	vst v63  }
0x2a: {  	s16 =	simm.s32 $0x80;
	v0 =	vld.msk [tilespmem:s15+$0x0 ss:$0x1], $0xffff;
	s15 =	smov.u32 s12  }
.LBB2_3:
0x2b: {  	p1 =	sne.s32 s16, $0x3C0;
	_ =	sdelay $0x4  }
0x2c: {  	vm2 =	vgt.s32 v0, $0x0  }
0x2d: {  	v0 =	vnsel vm2, $0x0, v0  }
0x2e: {  	v0 =	vmin.u32 v0, $0x7FFF  }
0x2f: {  	v0 =	vshll.u32 v0, $0x4;
	_ =	sdelay $0x3  }
.Ltmp3:
0x30: {  	s17 =	sshra.s32 s16, $0x2;
	s15 =	sadd.s32 $0x800, s15;
	(pc) =	sbr.rel @p1 .LBB2_3-.Ltmp3, $4  }
0x31: {  	[tilespmem:s15], [sflag:$0x1] =	stream.indirect_vreg.gather [hbm:s2], $0x80, v0, vm0, $0x38;
	[tilespmem:$0x10200] =	vst v63  }
0x32: {  	s17 =	sadd.s32 s17, s14;
	s18 =	sadd.s32 $0x400, s15  }
0x33: {  	[tilespmem:s18], [sflag:$0x1] =	stream.indirect_vreg.gather [hbm:s2], $0x80, v0, vm1, $0x38;
	[tilespmem:$0x10200] =	vst v63  }
0x34: {  	s16 =	sadd.s32 $0x40, s16;
	v0 =	vld.msk [tilespmem:s17+$0x0 ss:$0x1], $0xffff  }
0x35: {  	_ =	sdelay $0x3  }
0x36: {  	vm2 =	vgt.s32 v0, $0x0  }
0x37: {  	v0 =	vnsel vm2, $0x0, v0  }
0x38: {  	v0 =	vmin.u32 v0, $0x7FFF  }
0x39: {  	v0 =	vshll.u32 v0, $0x4;
	_ =	sdelay $0x3  }
0x3a: {  	s14 =	sadd.s32 $0x800, s15  }
0x3b: {  	[tilespmem:s14], [sflag:$0x1] =	stream.indirect_vreg.gather [hbm:s2], $0x80, v0, vm0, $0x38;
	[tilespmem:$0x10200] =	vst v63  }
0x3c: {  	s14 =	sadd.s32 $0x400, s14  }
0x3d: {  	[tilespmem:s14], [sflag:$0x1] =	stream.indirect_vreg.gather [hbm:s2], $0x80, v0, vm1, $0x38;
	[tilespmem:$0x10200] =	vst v63  }
0x3e: {  	s11 =	sshll.u32 s11, $0x4;
	_ =	swait.ge [sflag:s4], $0x8000  }
0x3f: {  	s11 =	sadd.s32 s11, s7;
	[sflag:s4] =	ssyncset.done $0x0  }
0x40: {  	s15 =	sadd.s32 $0x0, s11;
	s14 =	simm.s32 $0x80;
	[sflag:s4] =	ssyncadd.s32 $0xFFFF8000  }
.LBB2_5:
0x41: {  	[hbm:s15] =	stream.linear.scatter [tilespmem:s12], [sflag:$0x3], $0x400, $0x38;
	[tilespmem:$0x10200] =	vst v63  }
0x42: {  	s15 =	smov.u32 s14;
	s12 =	smov.u32 s13;
	p1 =	sne.s32 s14, $0xF80  }
.Ltmp4:
0x43: {  	s14 =	sadd.s32 $0x80, s14;
	(pc) =	sbr.rel @p1 .LBB2_5-.Ltmp4, $2  }
0x44: {  	_ =	sdelay $0x2  }
0x45: {  	s13 =	sadd.s32 $0x400, s13;
	s15 =	sadd.s32 s15, s11  }
.Ltmp5:
0x46: {  	(pc) =	sbr.rel .LBB2_7-.Ltmp5, $2  }
0x47: {  	_ =	sdelay $0x2  }
0x48: {  	[hbm:s15] =	stream.linear.scatter [tilespmem:s12], [sflag:$0x3], $0x400, $0x38;
	[tilespmem:$0x10200] =	vst v63  }
.LBB2_8:
0x49: {  	_ =	sfence.sel $0x180000  }
0x4a: {  	s2 =	simm.s32 $0x2;
	[bflag:$0x0] =	sbarrier.arrive $0xFFFF  }
0x4b: {  	s30 =	simm.s32 $0x3;
	[sflag:s2] =	ssyncpa.u1 $0x1  }
0x4c: {  	s31 =	simm.s32 $0x1;
	[sflag:s30] =	ssyncpa.u1 $0x1  }
0x4d: {  	[sflag:s31] =	ssyncpa.u1 $0x1  }
0x4e: {  	p0 =	sne.s32 s1, $0x0;
	_ =	strace $0x90000062  }
0x4f: {  	s0 =	sadd.s32 @!p0 $0x100000, s0;
	[bflag:$0x2] =	sbarrier.arrive $0xFFFF  }
0x50: {  	[sflag:s0] =	ssyncadd.tile.s32 @!p0 $0x1;
	_ =	shalt  }
.Lfunc_end2:
_tile_overlayer_lowered:
.L_overlay_start_2:
0x51: {  	(tag) =	ssettag $0x2  }
0x52: {  	s0 =	rddreg [dreg:$0x0];
	s2 =	stileid.u32  }
0x53: {  	s1 =	rddreg [dreg:$0x1];
	p0 =	sne.s32 s2, $0x0  }
0x54: {  	s3 =	rddreg [dreg:$0x2];
	[bflag:$0x3] =	sbarrier.arrive $0xFFFF;
	s2 =	simm.s32 @!p0 $0x1C01  }
0x55: {  	[timem:s3], [sflag:s2] =	dma.local @!p0 [hbm:s0], s1  }
0x56: {  	s0 =	simm.s32 @!p0 $0x1  }
0x57: {  	_ =	swait.ge @!p0 [sflag:s0], s1  }
0x58: {  	s1 =	ssub.s32 @!p0 $0x0, s1;
	[sflag:s0] =	ssyncset.done @!p0 $0x0  }
0x59: {  	[sflag:s0] =	ssyncadd.s32 @!p0 s1  }
0x5a: {  	[bflag:$0x3] =	sbarrier.arrive $0xFFFF  }
0x5b: {  	_ =	shalt  }

// kernel: gather_offload_async_start.4
scs
__scs_entry_jumppad:
0x0: {  	(pc) =	sbr.rel $0x88, $3  }
0x1: {  	(tag) =	ssettag $0x0;
	lr =	simm.s32 $0x1  }
0x2: {  	[smem:$0x3F93] =	sst lr;
	_ =	strace $0xD0000000  }
0x3: {  	_ = 	snop  }
0x4: {  	_ = 	snop  }
0x5: {  	_ = 	snop  }
0x6: {  	_ = 	snop  }
0x7: {  	_ = 	snop  }
__scs_overlays_trampoline_lowered:
0x8: {  	[smem:$0x3FA2] =	sst s0  }
0x9: {  	[smem:$0x3FA3] =	sst s1  }
0xa: {  	[smem:$0x3FA4] =	sst s2  }
0xb: {  	[smem:$0x3FA5] =	sst s3  }
0xc: {  	[smem:$0x3FA6] =	sst s4  }
0xd: {  	[smem:$0x3FA7] =	sst s5  }
0xe: {  	[smem:$0x3FA8] =	sst s6  }
0xf: {  	[smem:$0x3FA9] =	sst s7  }
0x10: {  	[smem:$0x3FAA] =	sst s8  }
0x11: {  	[smem:$0x3FAB] =	sst s9;
	s0 =	simm.s32 @!p0 $0x0  }
0x12: {  	s1 =	sld [smem:$0x3F91];
	s0 =	simm.s32 @p0 $0x1  }
0x13: {  	[smem:$0x3FAC] =	sst s0;
	s0 =	simm.s32 @!p1 $0x0  }
0x14: {  	s2 =	sld [smem:$0x3F90];
	s0 =	simm.s32 @p1 $0x1  }
0x15: {  	[smem:$0x3FAD] =	sst s0;
	s0 =	simm.s32 @!p2 $0x0  }
0x16: {  	s3 =	sld [smem:$0x3FDB];
	s0 =	simm.s32 @p2 $0x1  }
0x17: {  	s4 =	simm.s32 $0x1BF5;
	[smem:$0x3FAF] =	sst s0  }
0x18: {  	s0 =	sld [smem:$0x3F92];
	_ =	swait.ge [sflag:s4], $0x0  }
0x19: {  	s7 =	sld [smem:$0x3F93]  }
0x1a: {  	s8 =	sadd.s32 $0xFFFFE003, lr  }
0x1b: {  	s9 =	sadd.s32 $0xFFFFFEF7, lr;
	s5 =	simm.s32 $0xFFFFFFFF;
	p2 =	slt.u32 s8, $0xFFFFF086  }
0x1c: {  	p1 =	slt.u32 s9, $0xF7A;
	s5 =	simm.s32 @!p2 $0x0  }
0x1d: {  	s5 =	simm.s32 @p1 $0x1;
	p0 =	seq.s32 s7, s2  }
0x1e: {  	s7 =	smul.u32 @!p0 $0xF7A, s2;
	p2 =	seq.s32 @!p0 s5, $0x0  }
0x1f: {  	s9 =	smul.u32 $0xF7A, s1;
	s8 =	simm.s32 @!p0 $0x1BF5;
	p2 =	por !p2, p0  }
0x20: {  	[sflag:s8] =	ssyncset.s32 @!p0 $0xFFFFF086;
	s6 =	sadd.s32 @!p0 s3, s7;
	s7 =	simm.s32 @!p0 $0x108  }
0x21: {  	s3 =	sadd.s32 s3, s9;
	s6 =	sadd.s32 @!p0 $0x88, s6;
	s7 =	simm.s32 @p2 $0x1082  }
0x22: {  	[simem:s7], [sflag:s8] =	dma.local @!p0 [hbm:s6], $0xF7A  }
0x23: {  	s9 =	sor.u32 $0xD0000000, s2;
	s6 =	simm.s32 $0x108;
	_ =	swait.ge @!p0 [sflag:s8], $0x0  }
0x24: {  	s3 =	sadd.s32 $0x88, s3;
	s6 =	simm.s32 @!p1 $0x1082;
	[sflag:s4] =	ssyncset.s32 $0xFFFFF086  }
0x25: {  	[simem:s6], [sflag:s4] =	dma.local [hbm:s3], $0xF7A  }
0x26: {  	[smem:$0x3F93] =	sst s1;
	(tag) =	ssettag s2;
	_ =	strace s9  }
0x27: {  	s1 =	sld [smem:$0x3FA3]  }
0x28: {  	s2 =	sld [smem:$0x3FA4]  }
0x29: {  	s4 =	sld [smem:$0x3FA6]  }
0x2a: {  	p0 =	seq.s32 s5, $0x0;
	s5 =	sld [smem:$0x3FA7]  }
0x2b: {  	s6 =	sld [smem:$0x3FA8]  }
0x2c: {  	s7 =	sld [smem:$0x3FA9]  }
0x2d: {  	s3 =	simm.s32 $0x108;
	s8 =	sld [smem:$0x3FAA]  }
0x2e: {  	s3 =	simm.s32 @!p0 $0x1082;
	s9 =	sld [smem:$0x3FAB]  }
0x2f: {  	lr =	sadd.s32 s0, s3;
	s0 =	sld [smem:$0x3FA2]  }
0x30: {  	s3 =	sld [smem:$0x3FA5]  }
0x31: {  	[smem:$0x3FAE] =	sst s10  }
0x32: {  	s10 =	sld [smem:$0x3FAC];
	_ =	sdelay $0x3  }
0x33: {  	p0 =	seq.s32 s10, $0x1;
	s10 =	sld [smem:$0x3FAE];
	_ =	sdelay $0x3  }
0x34: {  	[smem:$0x3FAE] =	sst s10  }
0x35: {  	s10 =	sld [smem:$0x3FAD];
	_ =	sdelay $0x3  }
0x36: {  	p1 =	seq.s32 s10, $0x1;
	s10 =	sld [smem:$0x3FAE];
	_ =	sdelay $0x3  }
0x37: {  	[smem:$0x3FAE] =	sst s10  }
0x38: {  	s10 =	sld [smem:$0x3FAF]  }
0x39: {  	_ = 	snop;
	(pc) =	sbr.ind lr, $3  }
0x3a: {  	_ = 	snop  }
0x3b: {  	_ = 	snop  }
0x3c: {  	p2 =	seq.s32 s10, $0x1;
	s10 =	sld [smem:$0x3FAE]  }
0x3d: {  	_ =	shalt  }
0x3e: {  	_ =	shalt  }
0x3f: {  	_ =	shalt  }
0x40: {  	_ =	shalt  }
0x41: {  	_ =	shalt  }
0x42: {  	_ =	shalt  }
0x43: {  	_ =	shalt  }
0x44: {  	_ =	shalt  }
0x45: {  	_ =	shalt  }
0x46: {  	_ =	shalt  }
0x47: {  	_ =	shalt  }
0x48: {  	_ =	shalt  }
0x49: {  	_ =	shalt  }
0x4a: {  	_ =	shalt  }
0x4b: {  	_ =	shalt  }
0x4c: {  	_ =	shalt  }
0x4d: {  	_ =	shalt  }
0x4e: {  	_ =	shalt  }
0x4f: {  	_ =	shalt  }
0x50: {  	_ =	shalt  }
0x51: {  	_ =	shalt  }
0x52: {  	_ =	shalt  }
0x53: {  	_ =	shalt  }
0x54: {  	_ =	shalt  }
0x55: {  	_ =	shalt  }
0x56: {  	_ =	shalt  }
0x57: {  	_ =	shalt  }
0x58: {  	_ =	shalt  }
0x59: {  	_ =	shalt  }
0x5a: {  	_ =	shalt  }
0x5b: {  	_ =	shalt  }
0x5c: {  	_ =	shalt  }
0x5d: {  	_ =	shalt  }
0x5e: {  	_ =	shalt  }
0x5f: {  	_ =	shalt  }
0x60: {  	_ =	shalt  }
0x61: {  	_ =	shalt  }
0x62: {  	_ =	shalt  }
0x63: {  	_ =	shalt  }
0x64: {  	_ =	shalt  }
0x65: {  	_ =	shalt  }
0x66: {  	_ =	shalt  }
0x67: {  	_ =	shalt  }
0x68: {  	_ =	shalt  }
0x69: {  	_ =	shalt  }
0x6a: {  	_ =	shalt  }
0x6b: {  	_ =	shalt  }
0x6c: {  	_ =	shalt  }
0x6d: {  	_ =	shalt  }
0x6e: {  	_ =	shalt  }
0x6f: {  	_ =	shalt  }
0x70: {  	_ =	shalt  }
0x71: {  	_ =	shalt  }
0x72: {  	_ =	shalt  }
0x73: {  	_ =	shalt  }
0x74: {  	_ =	shalt  }
0x75: {  	_ =	shalt  }
0x76: {  	_ =	shalt  }
0x77: {  	_ =	shalt  }
0x78: {  	_ =	shalt  }
0x79: {  	_ =	shalt  }
0x7a: {  	_ =	shalt  }
0x7b: {  	_ =	shalt  }
0x7c: {  	_ =	shalt  }
0x7d: {  	_ =	shalt  }
0x7e: {  	_ =	shalt  }
0x7f: {  	_ =	shalt  }
0x80: {  	_ =	shalt  }
0x81: {  	_ =	shalt  }
0x82: {  	_ =	shalt  }
0x83: {  	_ =	shalt  }
0x84: {  	_ =	shalt  }
0x85: {  	_ =	shalt  }
0x86: {  	_ =	shalt  }
0x87: {  	_ =	shalt  }
.Lfunc_end0:
.L_simem_size_0:
called_computation.4_lowered:
.L_overlay_start_0:
0x88: {  	s2 =	sld [smem:$0x3FD9]  }
0x89: {  	s3 =	sld [smem:$0x3FFE];
	_ =	sdelay $0x1  }
0x8a: {  	s1 =	srdreg.scid  }
0x8b: {  	s0 =	sand.u32 $0x1, s1  }
0x8c: {  	s17 =	sshll.u32 s0, $0xA;
	s2 =	sadd.s32 s3, s2  }
0x8d: {  	s2 =	sadd.s32 s2, s17  }
0x8e: {  	[smem:$0x3FBA] =	sst s2  }
0x8f: {  	_ = 	snop  }
0x90: {  	(tm) =	ssettm $0x1  }
0x91: {  	s18 =	sld [smem:$0x3FFB];
	_ =	sdelay $0x3  }
0x92: {  	_ =	strace s18  }
0x93: {  	s2 =	sld [smem:$0x3FFC];
	_ =	sdelay $0x3  }
0x94: {  	_ =	strace s2  }
0x95: {  	s2 =	sld [smem:$0x3FFD];
	_ =	sdelay $0x3  }
0x96: {  	_ =	strace s2  }
0x97: {  	_ =	strace $0x8FFFFFFF  }
0x98: {  	s19 =	sld [smem:$0x3FDB];
	_ =	sdelay $0x1  }
0x99: {  	s20 =	simm.s32 $_scs_section_size  }
0x9a: {  	s4 =	simm.s32 $_size__tile_overlayer_lowered;
	s5 =	simm.s32 $_tile_overlayer_lowered  }
0x9b: {  	s6 =	simm.s32 $0x1BFF;
	s21 =	sshll.u32 s5, $0x1;
	s3 =	sadd.s32 s20, s19  }
0x9c: {  	s22 =	simm.s32 $0x0;
	s4 =	sshll.u32 s4, $0x1;
	s5 =	sadd.s32 s21, s3  }
0x9d: {  	[timem:s22], [sflag:s6] =	dma.local [hbm:s5], s4  }
0x9e: {  	_ =	swait.ge [sflag:s6], s4  }
0x9f: {  	s4 =	ssub.s32 $0x0, s4;
	[sflag:s6] =	ssyncset.done $0x0  }
0xa0: {  	[sflag:s6] =	ssyncadd.s32 s4;
	_ =	sdelay $0x1  }
0xa1: {  	s23 =	simm.s32 $0x1B8B  }
0xa2: {  	_ =	swait.ge [sflag:s23], $0x1  }
0xa3: {  	[sflag:s23] =	ssyncset.done $0x0  }
0xa4: {  	[sflag:s23] =	ssyncadd.s32 $0xFFFFFFFF  }
0xa5: {  	s4 =	sld [smem:$0x0]  }
0xa6: {  	s5 =	sand.u32 $0xFFFFFFFE, s1  }
0xa7: {  	p0 =	sne.s32 s1, s5  }
0xa8: {  	s5 =	sshll.u32 @p0 s5, $0xE  }
0xa9: {  	s5 =	sadd.s32 @p0 $0x11B8D, s5;
	s6 =	sshll.u32 @p0 s4, $0x11  }
0xaa: {  	s5 =	sor.u32 @p0 s6, s5  }
0xab: {  	[sflag:s5] =	ssyncadd.remote.s32 @p0 $0x1;
	_ =	sdelay $0x1  }
0xac: {  	s5 =	simm.s32 @p0 $0x1B8D  }
0xad: {  	_ =	swait.eq @p0 [sflag:s5], $0x1  }
0xae: {  	[sflag:s5] =	ssyncadd.s32 @p0 $0xFFFFFFFF  }
0xaf: {  	s6 =	sshll.u32 @!p0 s1, $0xE  }
0xb0: {  	s6 =	sor.u32 @!p0 $0x4000, s6;
	s5 =	simm.s32 @!p0 $0x1B8D  }
0xb1: {  	s4 =	sshll.u32 @!p0 s4, $0x11;
	s6 =	sadd.s32 @!p0 $0x11B8D, s6;
	_ =	swait.eq @!p0 [sflag:s5], $0x1  }
0xb2: {  	s4 =	sor.u32 @!p0 s4, s6;
	[sflag:s5] =	ssyncadd.s32 @!p0 $0xFFFFFFFF  }
0xb3: {  	s25 =	simm.s32 $0x1B8E;
	s24 =	sld [smem:$0x3FFE];
	[sflag:s4] =	ssyncadd.remote.s32 @!p0 $0x1  }
0xb4: {  	s26 =	simm.s32 $execute0_lowered;
	[smem:$0x3FD2] =	sst s25  }
0xb5: {  	s5 =	sshll.u32 s26, $0x1;
	_ =	strace $0x80000064;
	[dreg:$0x1] =	wrdreg $0xFFFFFFFF  }
0xb6: {  	s28 =	simm.s32 $_size_execute0_lowered;
	s3 =	sadd.s32 s3, s5;
	[dreg:$0x0] =	wrdreg $0x0  }
0xb7: {  	s5 =	sshll.u32 s28, $0x1;
	[dreg:$0x2] =	wrdreg s3  }
0xb8: {  	[dreg:$0x3] =	wrdreg s5  }
0xb9: {  	[dreg:$0x4] =	wrdreg $0xC0  }
0xba: {  	_ =	task [dreg:s22], $0x5FFFF  }
0xbb: {  	[dreg:$0x1] =	wrdreg $0xFFFFFFFF  }
0xbc: {  	[dreg:$0x0] =	wrdreg $0x60  }
0xbd: {  	[dreg:$0x2] =	wrdreg s24  }
0xbe: {  	[dreg:$0x3] =	wrdreg $0xD  }
0xbf: {  	_ =	task.clear_ibuf [dreg:s22], $0x4FFFF;
	_ =	strace $0x90000064  }
0xc0: {  	s29 =	simm.s32 $0xD;
	_ =	strace $0x80000066  }
0xc1: {  	_ =	swait.ge [sflag:s29], $0x1  }
0xc2: {  	[sflag:s29] =	ssyncadd.s32 $0xFFFFFFFF  }
0xc3: {  	_ =	strace $0x90000066  }
0xc4: {  	_ =	sfence  }
0xc5: {  	s30 =	sld [smem:$0x0];
	_ =	sdelay $0x2  }
0xc6: {  	s31 =	sshll.u32 s1, $0xD;
	s1 =	sshrl.u32 s1, $0x2  }
0xc7: {  	s4 =	sand.u32 $0x4000, s31;
	s1 =	sadd.s32 s1, s30  }
0xc8: {  	s0 =	sor.u32 s4, s0;
	s1 =	sshll.u32 s1, $0x11  }
0xc9: {  	s0 =	sor.u32 s1, s0  }
0xca: {  	s0 =	sadd.s32 $0x8F2B, s0  }
0xcb: {  	[sflag:s0] =	ssyncadd.remote.s32 $0x1  }
0xcc: {  	_ =	sfence.sel $0xFFFF  }
0xcd: {  	[dreg:$0x0] =	wrdreg $0xFFFFFFFF;
	(pc) =	sbr.abs _section_cstart, $3  }
0xce: {  	[dreg:$0x1] =	wrdreg $0xFFFFFFFF  }
0xcf: {  	_ =	task.clear_ibuf [dreg:s22], $0x2FFFF;
	_ =	strace $0x9FFFFFFF  }
0xd0: {  	(tm) =	ssettm $0x7FFFFFFF  }
0xd1: {  	_ =	shalt  }
tec
execute0_lowered:
.L_overlay_start_1:
0x0: {  	(tag) =	ssettag $0x1  }
0x1: {  	s7 =	rddreg [dreg:$0x0]  }
0x2: {  	s0 =	rddreg [dreg:$0x1];
	_ =	strace $0x80000065  }
0x3: {  	s1 =	srdreg.scid;
	s4 =	simm.s32 $0x1;
	s9 =	simm.s32 $0x3  }
0x4: {  	s11 =	simm.s32 $0x0;
	p0 =	por $0x0, $0x0;
	s5 =	sshll.u32 s1, $0x4  }
.Ltmp0:
0x5: {  	s1 =	stileid.u32;
	s5 =	sand.u32 $0x10, s5;
	(pc) =	sbr.rel .LBB2_1-.Ltmp0, $4  }
0x6: {  	s2 =	sadd.s32 $0x113A00, s7;
	s3 =	sadd.s32 $0x85200, s7;
	s6 =	sor.u32 s1, s5  }
0x7: {  	[sflag:s4] =	ssyncpa.u1 $0x0;
	s5 =	simm.s32 $0x2;
	s6 =	sshll.u32 s6, $0xA  }
0x8: {  	s7 =	sadd.s32 $0x193A00, s7;
	[sflag:s5] =	ssyncpa.u1 $0x0;
	s8 =	sadd.s32 $0x400, s6  }
0x9: {  	vm0 =	vmmov $0xff;
	vm1 =	vcmask $0x3F20;
	[sflag:s9] =	ssyncpa.u1 $0x0;
	s10 =	smov.u32 s6;
	s9 =	simm.s32 $0x0  }
.LBB2_7:
0xa: {  	p1 =	slt.u32 s9, $0x2;
	s11 =	sadd.s32 $0x100, s10  }
0xb: {  	s13 =	smov.u32 s6;
	s9 =	sadd.s32 $0x1, s9;
	p2 =	slt.s32 s11, s8  }
0xc: {  	s13 =	smov.u32 @p2 s11;
	p2 =	sne.s32 s9, $0x6  }
.Ltmp1:
0xd: {  	_ = 	snop;
	(pc) =	sbr.rel @!p2 .LBB2_8-.Ltmp1, $4  }
0xe: {  	s12 =	simm.s32 @!p1 $0x3  }
0xf: {  	_ =	swait.ge @!p1 [sflag:s12], $0x8000  }
0x10: {  	p0 =	por !p0, !p0;
	[sflag:s12] =	ssyncset.done @!p1 $0x0  }
0x11: {  	s11 =	smov.u32 s10;
	s10 =	smov.u32 s13;
	[sflag:s12] =	ssyncadd.s32 @!p1 $0xFFFF8000  }
.LBB2_1:
0x12: {  	p1 =	sgt.u32 s9, $0x3  }
0x13: {  	s12 =	sxor.u32 @!p1 $0xFFFFFFFF, s9  }
0x14: {  	s13 =	sshrl.u32 @!p1 s10, $0x3;
	s12 =	sshll.u32 @!p1 s12, $0x8  }
0x15: {  	s14 =	sand.u32 @!p1 $0x7, s10;
	s13 =	sadd.s32 @!p1 s3, s13;
	s12 =	sand.u32 @!p1 $0x100, s12  }
0x16: {  	[tilespmem:s12], [sflag:$0x2] =	stream.linear.gather @!p1 [hbm4b:s13+s14], $0x100, $0x38;
	[tilespmem:$0x10200] =	vst v63  }
0x17: {  	p1 =	seq.s32 s9, $0x0  }
0x18: {  	p2 =	seq.s32 @!p1 s9, $0x5  }
0x19: {  	p1 =	por p1, p2  }
.Ltmp2:
0x1a: {  	_ = 	snop;
	(pc) =	sbr.rel @p1 .LBB2_7-.Ltmp2, $1  }
0x1b: {  	_ =	sdelay $0x3  }
0x1c: {  	s12 =	simm.s32 $0x1  }
0x1d: {  	_ =	swait.ge [sflag:s5], $0x100;
	s12 =	simm.s32 @!p0 $0x0  }
0x1e: {  	[sflag:s5] =	ssyncset.done $0x0;
	s14 =	sshll.u32 s12, $0x8  }
0x1f: {  	[sflag:s5] =	ssyncadd.s32 $0xFFFFFF00;
	s13 =	sadd.s32 $0x0, s14  }
0x20: {  	v0 =	vld.msk [tilespmem:s13+$0x0 ss:$0x1], $0xffff;
	_ =	sdelay $0x4  }
0x21: {  	vm2 =	vgt.s32 v0, $0x0  }
0x22: {  	v0 =	vnsel vm2, $0x0, v0  }
0x23: {  	v0 =	vmin.u32 v0, $0x7FFF  }
0x24: {  	v0 =	vshll.u32 v0, $0x4;
	_ =	sdelay $0x2  }
0x25: {  	s12 =	sshll.u32 s12, $0xF  }
0x26: {  	s12 =	sor.u32 $0x200, s12  }
0x27: {  	[tilespmem:s12], [sflag:$0x1] =	stream.indirect_vreg.gather [hbm:s2], $0x80, v0, vm0, $0x38;
	[tilespmem:$0x10200] =	vst v63  }
0x28: {  	s15 =	sadd.s32 $0x10, s14;
	s13 =	sadd.s32 $0x400, s12  }
0x29: {  	[tilespmem:s13], [sflag:$0x1] =	stream.indirect_vreg.gather [hbm:s2], $0x80, v0, vm1, $0x38;
	[tilespmem:$0x10200] =	vst v63  }
0x2a: {  	s16 =	simm.s32 $0x80;
	v0 =	vld.msk [tilespmem:s15+$0x0 ss:$0x1], $0xffff;
	s15 =	smov.u32 s12  }
.LBB2_3:
0x2b: {  	p1 =	sne.s32 s16, $0x3C0;
	_ =	sdelay $0x4  }
0x2c: {  	vm2 =	vgt.s32 v0, $0x0  }
0x2d: {  	v0 =	vnsel vm2, $0x0, v0  }
0x2e: {  	v0 =	vmin.u32 v0, $0x7FFF  }
0x2f: {  	v0 =	vshll.u32 v0, $0x4;
	_ =	sdelay $0x3  }
.Ltmp3:
0x30: {  	s17 =	sshra.s32 s16, $0x2;
	s15 =	sadd.s32 $0x800, s15;
	(pc) =	sbr.rel @p1 .LBB2_3-.Ltmp3, $4  }
0x31: {  	[tilespmem:s15], [sflag:$0x1] =	stream.indirect_vreg.gather [hbm:s2], $0x80, v0, vm0, $0x38;
	[tilespmem:$0x10200] =	vst v63  }
0x32: {  	s17 =	sadd.s32 s17, s14;
	s18 =	sadd.s32 $0x400, s15  }
0x33: {  	[tilespmem:s18], [sflag:$0x1] =	stream.indirect_vreg.gather [hbm:s2], $0x80, v0, vm1, $0x38;
	[tilespmem:$0x10200] =	vst v63  }
0x34: {  	s16 =	sadd.s32 $0x40, s16;
	v0 =	vld.msk [tilespmem:s17+$0x0 ss:$0x1], $0xffff  }
0x35: {  	_ =	sdelay $0x3  }
0x36: {  	vm2 =	vgt.s32 v0, $0x0  }
0x37: {  	v0 =	vnsel vm2, $0x0, v0  }
0x38: {  	v0 =	vmin.u32 v0, $0x7FFF  }
0x39: {  	v0 =	vshll.u32 v0, $0x4;
	_ =	sdelay $0x3  }
0x3a: {  	s14 =	sadd.s32 $0x800, s15  }
0x3b: {  	[tilespmem:s14], [sflag:$0x1] =	stream.indirect_vreg.gather [hbm:s2], $0x80, v0, vm0, $0x38;
	[tilespmem:$0x10200] =	vst v63  }
0x3c: {  	s14 =	sadd.s32 $0x400, s14  }
0x3d: {  	[tilespmem:s14], [sflag:$0x1] =	stream.indirect_vreg.gather [hbm:s2], $0x80, v0, vm1, $0x38;
	[tilespmem:$0x10200] =	vst v63  }
0x3e: {  	s11 =	sshll.u32 s11, $0x4;
	_ =	swait.ge [sflag:s4], $0x8000  }
0x3f: {  	s11 =	sadd.s32 s11, s7;
	[sflag:s4] =	ssyncset.done $0x0  }
0x40: {  	s15 =	sadd.s32 $0x0, s11;
	s14 =	simm.s32 $0x80;
	[sflag:s4] =	ssyncadd.s32 $0xFFFF8000  }
.LBB2_5:
0x41: {  	[hbm:s15] =	stream.linear.scatter [tilespmem:s12], [sflag:$0x3], $0x400, $0x38;
	[tilespmem:$0x10200] =	vst v63  }
0x42: {  	s15 =	smov.u32 s14;
	s12 =	smov.u32 s13;
	p1 =	sne.s32 s14, $0xF80  }
.Ltmp4:
0x43: {  	s14 =	sadd.s32 $0x80, s14;
	(pc) =	sbr.rel @p1 .LBB2_5-.Ltmp4, $2  }
0x44: {  	_ =	sdelay $0x2  }
0x45: {  	s13 =	sadd.s32 $0x400, s13;
	s15 =	sadd.s32 s15, s11  }
.Ltmp5:
0x46: {  	(pc) =	sbr.rel .LBB2_7-.Ltmp5, $2  }
0x47: {  	_ =	sdelay $0x2  }
0x48: {  	[hbm:s15] =	stream.linear.scatter [tilespmem:s12], [sflag:$0x3], $0x400, $0x38;
	[tilespmem:$0x10200] =	vst v63  }
.LBB2_8:
0x49: {  	_ =	sfence.sel $0x180000  }
0x4a: {  	s2 =	simm.s32 $0x2;
	[bflag:$0x0] =	sbarrier.arrive $0xFFFF  }
0x4b: {  	s30 =	simm.s32 $0x3;
	[sflag:s2] =	ssyncpa.u1 $0x1  }
0x4c: {  	s31 =	simm.s32 $0x1;
	[sflag:s30] =	ssyncpa.u1 $0x1  }
0x4d: {  	[sflag:s31] =	ssyncpa.u1 $0x1  }
0x4e: {  	p0 =	sne.s32 s1, $0x0;
	_ =	strace $0x90000065  }
0x4f: {  	s0 =	sadd.s32 @!p0 $0x100000, s0;
	[bflag:$0x2] =	sbarrier.arrive $0xFFFF  }
0x50: {  	[sflag:s0] =	ssyncadd.tile.s32 @!p0 $0x1;
	_ =	shalt  }
.Lfunc_end2:
_tile_overlayer_lowered:
.L_overlay_start_2:
0x51: {  	(tag) =	ssettag $0x2  }
0x52: {  	s0 =	rddreg [dreg:$0x0];
	s2 =	stileid.u32  }
0x53: {  	s1 =	rddreg [dreg:$0x1];
	p0 =	sne.s32 s2, $0x0  }
0x54: {  	s3 =	rddreg [dreg:$0x2];
	[bflag:$0x3] =	sbarrier.arrive $0xFFFF;
	s2 =	simm.s32 @!p0 $0x1C01  }
0x55: {  	[timem:s3], [sflag:s2] =	dma.local @!p0 [hbm:s0], s1  }
0x56: {  	s0 =	simm.s32 @!p0 $0x1  }
0x57: {  	_ =	swait.ge @!p0 [sflag:s0], s1  }
0x58: {  	s1 =	ssub.s32 @!p0 $0x0, s1;
	[sflag:s0] =	ssyncset.done @!p0 $0x0  }
0x59: {  	[sflag:s0] =	ssyncadd.s32 @!p0 s1  }
0x5a: {  	[bflag:$0x3] =	sbarrier.arrive $0xFFFF  }
0x5b: {  	_ =	shalt  }

// kernel: gather_offload_async_start.5
scs
__scs_entry_jumppad:
0x0: {  	(pc) =	sbr.rel $0x88, $3  }
0x1: {  	(tag) =	ssettag $0x0;
	lr =	simm.s32 $0x1  }
0x2: {  	[smem:$0x3F93] =	sst lr;
	_ =	strace $0xD0000000  }
0x3: {  	_ = 	snop  }
0x4: {  	_ = 	snop  }
0x5: {  	_ = 	snop  }
0x6: {  	_ = 	snop  }
0x7: {  	_ = 	snop  }
__scs_overlays_trampoline_lowered:
0x8: {  	[smem:$0x3FA2] =	sst s0  }
0x9: {  	[smem:$0x3FA3] =	sst s1  }
0xa: {  	[smem:$0x3FA4] =	sst s2  }
0xb: {  	[smem:$0x3FA5] =	sst s3  }
0xc: {  	[smem:$0x3FA6] =	sst s4  }
0xd: {  	[smem:$0x3FA7] =	sst s5  }
0xe: {  	[smem:$0x3FA8] =	sst s6  }
0xf: {  	[smem:$0x3FA9] =	sst s7  }
0x10: {  	[smem:$0x3FAA] =	sst s8  }
0x11: {  	[smem:$0x3FAB] =	sst s9;
	s0 =	simm.s32 @!p0 $0x0  }
0x12: {  	s1 =	sld [smem:$0x3F91];
	s0 =	simm.s32 @p0 $0x1  }
0x13: {  	[smem:$0x3FAC] =	sst s0;
	s0 =	simm.s32 @!p1 $0x0  }
0x14: {  	s2 =	sld [smem:$0x3F90];
	s0 =	simm.s32 @p1 $0x1  }
0x15: {  	[smem:$0x3FAD] =	sst s0;
	s0 =	simm.s32 @!p2 $0x0  }
0x16: {  	s3 =	sld [smem:$0x3FDB];
	s0 =	simm.s32 @p2 $0x1  }
0x17: {  	s4 =	simm.s32 $0x1BF5;
	[smem:$0x3FAF] =	sst s0  }
0x18: {  	s0 =	sld [smem:$0x3F92];
	_ =	swait.ge [sflag:s4], $0x0  }
0x19: {  	s7 =	sld [smem:$0x3F93]  }
0x1a: {  	s8 =	sadd.s32 $0xFFFFE003, lr  }
0x1b: {  	s9 =	sadd.s32 $0xFFFFFEF7, lr;
	s5 =	simm.s32 $0xFFFFFFFF;
	p2 =	slt.u32 s8, $0xFFFFF086  }
0x1c: {  	p1 =	slt.u32 s9, $0xF7A;
	s5 =	simm.s32 @!p2 $0x0  }
0x1d: {  	s5 =	simm.s32 @p1 $0x1;
	p0 =	seq.s32 s7, s2  }
0x1e: {  	s7 =	smul.u32 @!p0 $0xF7A, s2;
	p2 =	seq.s32 @!p0 s5, $0x0  }
0x1f: {  	s9 =	smul.u32 $0xF7A, s1;
	s8 =	simm.s32 @!p0 $0x1BF5;
	p2 =	por !p2, p0  }
0x20: {  	[sflag:s8] =	ssyncset.s32 @!p0 $0xFFFFF086;
	s6 =	sadd.s32 @!p0 s3, s7;
	s7 =	simm.s32 @!p0 $0x108  }
0x21: {  	s3 =	sadd.s32 s3, s9;
	s6 =	sadd.s32 @!p0 $0x88, s6;
	s7 =	simm.s32 @p2 $0x1082  }
0x22: {  	[simem:s7], [sflag:s8] =	dma.local @!p0 [hbm:s6], $0xF7A  }
0x23: {  	s9 =	sor.u32 $0xD0000000, s2;
	s6 =	simm.s32 $0x108;
	_ =	swait.ge @!p0 [sflag:s8], $0x0  }
0x24: {  	s3 =	sadd.s32 $0x88, s3;
	s6 =	simm.s32 @!p1 $0x1082;
	[sflag:s4] =	ssyncset.s32 $0xFFFFF086  }
0x25: {  	[simem:s6], [sflag:s4] =	dma.local [hbm:s3], $0xF7A  }
0x26: {  	[smem:$0x3F93] =	sst s1;
	(tag) =	ssettag s2;
	_ =	strace s9  }
0x27: {  	s1 =	sld [smem:$0x3FA3]  }
0x28: {  	s2 =	sld [smem:$0x3FA4]  }
0x29: {  	s4 =	sld [smem:$0x3FA6]  }
0x2a: {  	p0 =	seq.s32 s5, $0x0;
	s5 =	sld [smem:$0x3FA7]  }
0x2b: {  	s6 =	sld [smem:$0x3FA8]  }
0x2c: {  	s7 =	sld [smem:$0x3FA9]  }
0x2d: {  	s3 =	simm.s32 $0x108;
	s8 =	sld [smem:$0x3FAA]  }
0x2e: {  	s3 =	simm.s32 @!p0 $0x1082;
	s9 =	sld [smem:$0x3FAB]  }
0x2f: {  	lr =	sadd.s32 s0, s3;
	s0 =	sld [smem:$0x3FA2]  }
0x30: {  	s3 =	sld [smem:$0x3FA5]  }
0x31: {  	[smem:$0x3FAE] =	sst s10  }
0x32: {  	s10 =	sld [smem:$0x3FAC];
	_ =	sdelay $0x3  }
0x33: {  	p0 =	seq.s32 s10, $0x1;
	s10 =	sld [smem:$0x3FAE];
	_ =	sdelay $0x3  }
0x34: {  	[smem:$0x3FAE] =	sst s10  }
0x35: {  	s10 =	sld [smem:$0x3FAD];
	_ =	sdelay $0x3  }
0x36: {  	p1 =	seq.s32 s10, $0x1;
	s10 =	sld [smem:$0x3FAE];
	_ =	sdelay $0x3  }
0x37: {  	[smem:$0x3FAE] =	sst s10  }
0x38: {  	s10 =	sld [smem:$0x3FAF]  }
0x39: {  	_ = 	snop;
	(pc) =	sbr.ind lr, $3  }
0x3a: {  	_ = 	snop  }
0x3b: {  	_ = 	snop  }
0x3c: {  	p2 =	seq.s32 s10, $0x1;
	s10 =	sld [smem:$0x3FAE]  }
0x3d: {  	_ =	shalt  }
0x3e: {  	_ =	shalt  }
0x3f: {  	_ =	shalt  }
0x40: {  	_ =	shalt  }
0x41: {  	_ =	shalt  }
0x42: {  	_ =	shalt  }
0x43: {  	_ =	shalt  }
0x44: {  	_ =	shalt  }
0x45: {  	_ =	shalt  }
0x46: {  	_ =	shalt  }
0x47: {  	_ =	shalt  }
0x48: {  	_ =	shalt  }
0x49: {  	_ =	shalt  }
0x4a: {  	_ =	shalt  }
0x4b: {  	_ =	shalt  }
0x4c: {  	_ =	shalt  }
0x4d: {  	_ =	shalt  }
0x4e: {  	_ =	shalt  }
0x4f: {  	_ =	shalt  }
0x50: {  	_ =	shalt  }
0x51: {  	_ =	shalt  }
0x52: {  	_ =	shalt  }
0x53: {  	_ =	shalt  }
0x54: {  	_ =	shalt  }
0x55: {  	_ =	shalt  }
0x56: {  	_ =	shalt  }
0x57: {  	_ =	shalt  }
0x58: {  	_ =	shalt  }
0x59: {  	_ =	shalt  }
0x5a: {  	_ =	shalt  }
0x5b: {  	_ =	shalt  }
0x5c: {  	_ =	shalt  }
0x5d: {  	_ =	shalt  }
0x5e: {  	_ =	shalt  }
0x5f: {  	_ =	shalt  }
0x60: {  	_ =	shalt  }
0x61: {  	_ =	shalt  }
0x62: {  	_ =	shalt  }
0x63: {  	_ =	shalt  }
0x64: {  	_ =	shalt  }
0x65: {  	_ =	shalt  }
0x66: {  	_ =	shalt  }
0x67: {  	_ =	shalt  }
0x68: {  	_ =	shalt  }
0x69: {  	_ =	shalt  }
0x6a: {  	_ =	shalt  }
0x6b: {  	_ =	shalt  }
0x6c: {  	_ =	shalt  }
0x6d: {  	_ =	shalt  }
0x6e: {  	_ =	shalt  }
0x6f: {  	_ =	shalt  }
0x70: {  	_ =	shalt  }
0x71: {  	_ =	shalt  }
0x72: {  	_ =	shalt  }
0x73: {  	_ =	shalt  }
0x74: {  	_ =	shalt  }
0x75: {  	_ =	shalt  }
0x76: {  	_ =	shalt  }
0x77: {  	_ =	shalt  }
0x78: {  	_ =	shalt  }
0x79: {  	_ =	shalt  }
0x7a: {  	_ =	shalt  }
0x7b: {  	_ =	shalt  }
0x7c: {  	_ =	shalt  }
0x7d: {  	_ =	shalt  }
0x7e: {  	_ =	shalt  }
0x7f: {  	_ =	shalt  }
0x80: {  	_ =	shalt  }
0x81: {  	_ =	shalt  }
0x82: {  	_ =	shalt  }
0x83: {  	_ =	shalt  }
0x84: {  	_ =	shalt  }
0x85: {  	_ =	shalt  }
0x86: {  	_ =	shalt  }
0x87: {  	_ =	shalt  }
.Lfunc_end0:
.L_simem_size_0:
called_computation.5_lowered:
.L_overlay_start_0:
0x88: {  	s2 =	sld [smem:$0x3FD9]  }
0x89: {  	s3 =	sld [smem:$0x3FFE];
	_ =	sdelay $0x1  }
0x8a: {  	s1 =	srdreg.scid  }
0x8b: {  	s0 =	sand.u32 $0x1, s1  }
0x8c: {  	s17 =	sshll.u32 s0, $0xA;
	s2 =	sadd.s32 s3, s2  }
0x8d: {  	s2 =	sadd.s32 s2, s17  }
0x8e: {  	[smem:$0x3FBA] =	sst s2  }
0x8f: {  	_ = 	snop  }
0x90: {  	s18 =	sld [smem:$0x3FC7];
	(tm) =	ssettm $0x1  }
0x91: {  	s19 =	sld [smem:$0x3FFB];
	_ =	sdelay $0x3  }
0x92: {  	_ =	strace s19  }
0x93: {  	s2 =	sld [smem:$0x3FFC];
	_ =	sdelay $0x3  }
0x94: {  	_ =	strace s2  }
0x95: {  	s2 =	sld [smem:$0x3FFD];
	_ =	sdelay $0x3  }
0x96: {  	_ =	strace s2  }
0x97: {  	_ =	strace $0x8FFFFFFF  }
0x98: {  	s20 =	sld [smem:$0x3FDB];
	_ =	sdelay $0x1  }
0x99: {  	s4 =	simm.s32 $_scs_section_size  }
0x9a: {  	s5 =	simm.s32 $_size__tile_overlayer_lowered;
	s6 =	simm.s32 $_tile_overlayer_lowered  }
0x9b: {  	s7 =	simm.s32 $0x1BFF;
	s21 =	sshll.u32 s6, $0x1;
	s4 =	sadd.s32 s4, s20  }
0x9c: {  	s22 =	simm.s32 $0x0;
	s5 =	sshll.u32 s5, $0x1;
	s6 =	sadd.s32 s21, s4  }
0x9d: {  	[timem:s22], [sflag:s7] =	dma.local [hbm:s6], s5  }
0x9e: {  	_ =	swait.ge [sflag:s7], s5  }
0x9f: {  	s5 =	ssub.s32 $0x0, s5;
	[sflag:s7] =	ssyncset.done $0x0  }
0xa0: {  	[sflag:s7] =	ssyncadd.s32 s5;
	_ =	sdelay $0x1  }
0xa1: {  	s23 =	simm.s32 $0x1B8B  }
0xa2: {  	_ =	swait.ge [sflag:s23], $0x1  }
0xa3: {  	[sflag:s23] =	ssyncset.done $0x0  }
0xa4: {  	[sflag:s23] =	ssyncadd.s32 $0xFFFFFFFF  }
0xa5: {  	s5 =	sld [smem:$0x0]  }
0xa6: {  	s6 =	sand.u32 $0xFFFFFFFE, s1  }
0xa7: {  	p0 =	sne.s32 s1, s6  }
0xa8: {  	s6 =	sshll.u32 @p0 s6, $0xE  }
0xa9: {  	s6 =	sadd.s32 @p0 $0x11B8D, s6;
	s7 =	sshll.u32 @p0 s5, $0x11  }
0xaa: {  	s6 =	sor.u32 @p0 s7, s6  }
0xab: {  	[sflag:s6] =	ssyncadd.remote.s32 @p0 $0x1;
	_ =	sdelay $0x1  }
0xac: {  	s6 =	simm.s32 @p0 $0x1B8D  }
0xad: {  	_ =	swait.eq @p0 [sflag:s6], $0x1  }
0xae: {  	[sflag:s6] =	ssyncadd.s32 @p0 $0xFFFFFFFF  }
0xaf: {  	s7 =	sshll.u32 @!p0 s1, $0xE  }
0xb0: {  	s7 =	sor.u32 @!p0 $0x4000, s7;
	s6 =	simm.s32 @!p0 $0x1B8D  }
0xb1: {  	s5 =	sshll.u32 @!p0 s5, $0x11;
	s7 =	sadd.s32 @!p0 $0x11B8D, s7;
	_ =	swait.eq @!p0 [sflag:s6], $0x1  }
0xb2: {  	s5 =	sor.u32 @!p0 s5, s7;
	[sflag:s6] =	ssyncadd.s32 @!p0 $0xFFFFFFFF  }
0xb3: {  	s25 =	simm.s32 $0x1B8E;
	s24 =	sld [smem:$0x3FFE];
	[sflag:s5] =	ssyncadd.remote.s32 @!p0 $0x1  }
0xb4: {  	s26 =	simm.s32 $execute0_lowered;
	[smem:$0x3FD2] =	sst s25  }
0xb5: {  	s6 =	sshll.u32 s26, $0x1;
	_ =	strace $0x8000004C;
	[dreg:$0x1] =	wrdreg $0xFFFFFFFF  }
0xb6: {  	s28 =	simm.s32 $_size_execute0_lowered;
	s4 =	sadd.s32 s4, s6;
	[dreg:$0x0] =	wrdreg $0x0  }
0xb7: {  	s6 =	sshll.u32 s28, $0x1;
	[dreg:$0x2] =	wrdreg s4  }
0xb8: {  	[dreg:$0x3] =	wrdreg s6  }
0xb9: {  	[dreg:$0x4] =	wrdreg $0xC0  }
0xba: {  	_ =	task [dreg:s22], $0x5FFFF  }
0xbb: {  	[dreg:$0x1] =	wrdreg $0xFFFFFFFF  }
0xbc: {  	[dreg:$0x0] =	wrdreg $0x60  }
0xbd: {  	[dreg:$0x2] =	wrdreg s18  }
0xbe: {  	[dreg:$0x3] =	wrdreg s24  }
0xbf: {  	[dreg:$0x4] =	wrdreg $0xE  }
0xc0: {  	_ =	task.clear_ibuf [dreg:s22], $0x5FFFF;
	_ =	strace $0x9000004C  }
0xc1: {  	s29 =	simm.s32 $0xE;
	_ =	strace $0x8000004E  }
0xc2: {  	_ =	swait.ge [sflag:s29], $0x1  }
0xc3: {  	[sflag:s29] =	ssyncadd.s32 $0xFFFFFFFF  }
0xc4: {  	_ =	strace $0x9000004E  }
0xc5: {  	_ =	sfence  }
0xc6: {  	s30 =	sld [smem:$0x0];
	_ =	sdelay $0x2  }
0xc7: {  	s31 =	sshll.u32 s1, $0xD;
	s1 =	sshrl.u32 s1, $0x2  }
0xc8: {  	s4 =	sand.u32 $0x4000, s31;
	s1 =	sadd.s32 s1, s30  }
0xc9: {  	s0 =	sor.u32 s4, s0;
	s1 =	sshll.u32 s1, $0x11  }
0xca: {  	s0 =	sor.u32 s1, s0  }
0xcb: {  	s0 =	sadd.s32 $0x8F2B, s0  }
0xcc: {  	[sflag:s0] =	ssyncadd.remote.s32 $0x1  }
0xcd: {  	_ =	sfence.sel $0xFFFF  }
0xce: {  	[dreg:$0x0] =	wrdreg $0xFFFFFFFF;
	(pc) =	sbr.abs _section_cstart, $3  }
0xcf: {  	[dreg:$0x1] =	wrdreg $0xFFFFFFFF  }
0xd0: {  	_ =	task.clear_ibuf [dreg:s22], $0x2FFFF;
	_ =	strace $0x9FFFFFFF  }
0xd1: {  	(tm) =	ssettm $0x7FFFFFFF  }
tec
execute0_lowered:
.L_overlay_start_1:
0x0: {  	(tag) =	ssettag $0x1  }
0x1: {  	s1 =	srdreg.scid;
	s2 =	rddreg [dreg:$0x0]  }
0x2: {  	s0 =	stileid.u32;
	s5 =	rddreg [dreg:$0x1];
	s6 =	simm.s32 $0x1  }
0x3: {  	s9 =	simm.s32 $0x1;
	s10 =	simm.s32 $0x3;
	s1 =	sshll.u32 s1, $0x9  }
0x4: {  	s13 =	simm.s32 $0x0;
	s3 =	sshll.u32 s0, $0xA;
	s4 =	sand.u32 $0x200, s1  }
0x5: {  	s12 =	simm.s32 $0x0;
	s1 =	rddreg [dreg:$0x2];
	s3 =	sor.u32 s3, s4  }
0x6: {  	_ =	strace $0x8000004D;
	s4 =	sadd.s32 $0x85200, s5;
	s8 =	ssub.s32 $0x8000, s3  }
.Ltmp0:
0x7: {  	s5 =	sadd.s32 $0x8BA00, s5;
	s7 =	sand.u32 $0x3E00, s8;
	(pc) =	sbr.rel .LBB2_1-.Ltmp0, $4  }
0x8: {  	[sflag:s6] =	ssyncpa.u1 $0x0;
	s11 =	smov.u32 s3;
	p0 =	sne.s32 s7, $0x0  }
0x9: {  	s8 =	sshrl.u32 s8, $0xE;
	s7 =	simm.s32 $0x2;
	s9 =	simm.s32 @!p0 $0x0  }
0xa: {  	[sflag:s7] =	ssyncpa.u1 $0x0;
	p0 =	por $0x0, $0x0;
	s8 =	sadd.s32 s9, s8  }
0xb: {  	vm0 =	vmmov $0xffff;
	[sflag:s10] =	ssyncpa.u1 $0x0;
	s10 =	simm.s32 $0x0;
	s9 =	sadd.s32 $0x1, s8  }
.LBB2_4:
0xc: {  	v2 =	vnsel vm1, $0x0, v2  }
0xd: {  	vm1 =	vgt.s32 v0, $0x0;
	v2 =	vmin.u32 v2, $0x7FFF  }
0xe: {  	v0 =	vnsel vm1, $0x0, v0  }
0xf: {  	v0 =	vmin.u32 v0, $0x7FFF  }
0x10: {  	[tilespmem:s15], [sflag:$0x1] =	stream.indirect_vreg.gather [hbm4b:s2+s10], $0x1, v1, vm0, $0x4038;
	[tilespmem:$0x800] =	vst v63  }
0x11: {  	(ifvalue) =	ssetifvalue $0x7FFFFFFF  }
0x12: {  	[tilespmem:s16], [sflag:$0x1] =	stream.indirect_vreg.gather [hbm4b:s2+s10], $0x1, v2, vm0, $0x4038;
	[tilespmem:$0x800] =	vst v63  }
0x13: {  	s29 =	sadd.s32 $0x10, s16;
	(ifvalue) =	ssetifvalue $0x7FFFFFFF  }
0x14: {  	[tilespmem:s29], [sflag:$0x1] =	stream.indirect_vreg.gather [hbm4b:s2+s10], $0x1, v0, vm0, $0x4038;
	[tilespmem:$0x800] =	vst v63  }
0x15: {  	_ =	swait.ge [sflag:s6], $0x200  }
0x16: {  	s30 =	sshrl.u32 s13, $0x3;
	[sflag:s6] =	ssyncset.done $0x0  }
0x17: {  	s31 =	sand.u32 $0x7, s13;
	s15 =	sadd.s32 s5, s30;
	[sflag:s6] =	ssyncadd.s32 $0xFFFFFE00  }
0x18: {  	[hbm4b:s15+s31] =	stream.linear.scatter [tilespmem:s14], [sflag:$0x3], $0x200, $0x38;
	[tilespmem:$0x800] =	vst v63  }
.LBB2_5:
0x19: {  	s15 =	sadd.s32 $0x4000, s11  }
0x1a: {  	p2 =	sgt.s32 s15, $0x7FFF  }
0x1b: {  	s15 =	smov.u32 @p2 s3;
	p2 =	sne.s32 s12, s9  }
.Ltmp1:
0x1c: {  	p1 =	slt.u32 s12, $0x2;
	(pc) =	sbr.rel @!p2 .LBB2_6-.Ltmp1, $4  }
0x1d: {  	s14 =	simm.s32 @!p1 $0x3  }
0x1e: {  	s16 =	sadd.s32 $0x1, s12;
	_ =	swait.ge @!p1 [sflag:s14], $0x200  }
0x1f: {  	s13 =	smov.u32 s11;
	p0 =	por !p0, !p0;
	[sflag:s14] =	ssyncset.done @!p1 $0x0  }
0x20: {  	s12 =	smov.u32 s16;
	s11 =	smov.u32 s15;
	[sflag:s14] =	ssyncadd.s32 @!p1 $0xFFFFFE00  }
.LBB2_1:
0x21: {  	p1 =	sge.u32 s12, s8  }
0x22: {  	s14 =	sxor.u32 @!p1 $0xFFFFFFFF, s12  }
0x23: {  	s31 =	sadd.s32 $0xFFFFFFFF, s12;
	s15 =	sshrl.u32 @!p1 s11, $0x3;
	s14 =	sshll.u32 @!p1 s14, $0x9  }
0x24: {  	s16 =	sand.u32 @!p1 $0x7, s11;
	s15 =	sadd.s32 @!p1 s4, s15;
	s14 =	sand.u32 @!p1 $0x200, s14  }
0x25: {  	[tilespmem:s14], [sflag:$0x2] =	stream.linear.gather @!p1 [hbm4b:s15+s16], $0x200, $0x38;
	[tilespmem:$0x800] =	vst v63  }
0x26: {  	p1 =	sge.u32 s31, s8  }
.Ltmp2:
0x27: {  	_ = 	snop;
	(pc) =	sbr.rel @p1 .LBB2_5-.Ltmp2, $1  }
0x28: {  	_ =	sdelay $0x3  }
0x29: {  	s14 =	simm.s32 $0x1  }
0x2a: {  	_ =	swait.ge [sflag:s7], $0x200;
	s14 =	simm.s32 @!p0 $0x0  }
0x2b: {  	[sflag:s7] =	ssyncset.done $0x0;
	s14 =	sshll.u32 s14, $0x9  }
0x2c: {  	[sflag:s7] =	ssyncadd.s32 $0xFFFFFE00;
	(ifvalue) =	ssetifvalue $0x7FFFFFFF;
	v0 =	vld.msk [tilespmem:s14+$0x0 ss:$0x1], $0xffff;
	_ =	sdelay $0x4  }
0x2d: {  	s15 =	sadd.s32 $0x10, s14;
	vm1 =	vgt.s32 v0, $0x0  }
0x2e: {  	v2 =	vld.msk [tilespmem:s15+$0x0 ss:$0x1], $0xffff;
	v1 =	vnsel vm1, $0x0, v0  }
0x2f: {  	v1 =	vmin.u32 v1, $0x7FFF;
	_ =	sdelay $0x1  }
0x30: {  	s16 =	sshll.u32 s12, $0x9;
	s18 =	simm.s32 $0x20  }
0x31: {  	s16 =	sand.u32 $0x200, s16;
	s17 =	sadd.s32 $0x10, s15;
	s15 =	sor.u32 $0x400, s14  }
0x32: {  	s14 =	sor.u32 $0x400, s16;
	s16 =	sadd.s32 $0x10, s15;
	v0 =	vld.msk [tilespmem:s17+$0x0 ss:$0x1], $0xffff;
	vm1 =	vgt.s32 v2, $0x0;
	(ifvalue) =	ssetifvalue $0x7FFFFFFF  }
.LBB2_3:
0x33: {  	[tilespmem:s15], [sflag:$0x1] =	stream.indirect_vreg.gather [hbm4b:s2+s10], $0x1, v1, vm0, $0x4038;
	[tilespmem:$0x800] =	vst v63  }
0x34: {  	s18 =	sadd.s32 $0x10, s18  }
0x35: {  	v2 =	vnsel vm1, $0x0, v2;
	p1 =	slt.u32 s18, $0x1F0  }
.Ltmp3:
0x36: {  	s15 =	smov.u32 s16;
	v1 =	vmin.u32 v2, $0x7FFF;
	(pc) =	sbr.rel @p1 .LBB2_3-.Ltmp3, $3  }
0x37: {  	_ =	sdelay $0x1  }
0x38: {  	s17 =	sadd.s32 $0x10, s17  }
0x39: {  	vm1 =	vgt.s32 v0, $0x0;
	s16 =	sadd.s32 $0x10, s16;
	v2 =	vmov v0;
	(ifvalue) =	ssetifvalue $0x7FFFFFFF;
	v0 =	vld.msk [tilespmem:s17+$0x0 ss:$0x1], $0xffff  }
.Ltmp4:
0x3a: {  	_ = 	snop;
	(pc) =	sbr.rel .LBB2_4-.Ltmp4, $1  }
0x3b: {  	_ =	sdelay $0x3  }
.LBB2_6:
0x3c: {  	_ =	sfence.sel $0x180000  }
0x3d: {  	s2 =	simm.s32 $0x2;
	[bflag:$0x0] =	sbarrier.arrive $0xFFFF  }
0x3e: {  	s30 =	simm.s32 $0x3;
	[sflag:s2] =	ssyncpa.u1 $0x1  }
0x3f: {  	s31 =	simm.s32 $0x1;
	[sflag:s30] =	ssyncpa.u1 $0x1  }
0x40: {  	[sflag:s31] =	ssyncpa.u1 $0x1  }
0x41: {  	p0 =	sne.s32 s0, $0x0;
	_ =	strace $0x9000004D  }
0x42: {  	s0 =	sadd.s32 @!p0 $0x100000, s1;
	[bflag:$0x2] =	sbarrier.arrive $0xFFFF  }
0x43: {  	[sflag:s0] =	ssyncadd.tile.s32 @!p0 $0x1;
	_ =	shalt  }
.Lfunc_end2:
_tile_overlayer_lowered:
.L_overlay_start_2:
0x44: {  	(tag) =	ssettag $0x2  }
0x45: {  	s0 =	rddreg [dreg:$0x0];
	s2 =	stileid.u32  }
0x46: {  	s1 =	rddreg [dreg:$0x1];
	p0 =	sne.s32 s2, $0x0  }
0x47: {  	s3 =	rddreg [dreg:$0x2];
	[bflag:$0x3] =	sbarrier.arrive $0xFFFF;
	s2 =	simm.s32 @!p0 $0x1C01  }
0x48: {  	[timem:s3], [sflag:s2] =	dma.local @!p0 [hbm:s0], s1  }
0x49: {  	s0 =	simm.s32 @!p0 $0x1  }
0x4a: {  	_ =	swait.ge @!p0 [sflag:s0], s1  }
0x4b: {  	s1 =	ssub.s32 @!p0 $0x0, s1;
	[sflag:s0] =	ssyncset.done @!p0 $0x0  }
0x4c: {  	[sflag:s0] =	ssyncadd.s32 @!p0 s1  }
0x4d: {  	[bflag:$0x3] =	sbarrier.arrive $0xFFFF  }
0x4e: {  	_ =	shalt  }

// kernel: gather_offload_async_start.6
scs
__scs_entry_jumppad:
0x0: {  	(pc) =	sbr.rel $0x88, $3  }
0x1: {  	(tag) =	ssettag $0x0;
	lr =	simm.s32 $0x1  }
0x2: {  	[smem:$0x3F93] =	sst lr;
	_ =	strace $0xD0000000  }
0x3: {  	_ = 	snop  }
0x4: {  	_ = 	snop  }
0x5: {  	_ = 	snop  }
0x6: {  	_ = 	snop  }
0x7: {  	_ = 	snop  }
__scs_overlays_trampoline_lowered:
0x8: {  	[smem:$0x3FA2] =	sst s0  }
0x9: {  	[smem:$0x3FA3] =	sst s1  }
0xa: {  	[smem:$0x3FA4] =	sst s2  }
0xb: {  	[smem:$0x3FA5] =	sst s3  }
0xc: {  	[smem:$0x3FA6] =	sst s4  }
0xd: {  	[smem:$0x3FA7] =	sst s5  }
0xe: {  	[smem:$0x3FA8] =	sst s6  }
0xf: {  	[smem:$0x3FA9] =	sst s7  }
0x10: {  	[smem:$0x3FAA] =	sst s8  }
0x11: {  	[smem:$0x3FAB] =	sst s9;
	s0 =	simm.s32 @!p0 $0x0  }
0x12: {  	s1 =	sld [smem:$0x3F91];
	s0 =	simm.s32 @p0 $0x1  }
0x13: {  	[smem:$0x3FAC] =	sst s0;
	s0 =	simm.s32 @!p1 $0x0  }
0x14: {  	s2 =	sld [smem:$0x3F90];
	s0 =	simm.s32 @p1 $0x1  }
0x15: {  	[smem:$0x3FAD] =	sst s0;
	s0 =	simm.s32 @!p2 $0x0  }
0x16: {  	s3 =	sld [smem:$0x3FDB];
	s0 =	simm.s32 @p2 $0x1  }
0x17: {  	s4 =	simm.s32 $0x1BF5;
	[smem:$0x3FAF] =	sst s0  }
0x18: {  	s0 =	sld [smem:$0x3F92];
	_ =	swait.ge [sflag:s4], $0x0  }
0x19: {  	s7 =	sld [smem:$0x3F93]  }
0x1a: {  	s8 =	sadd.s32 $0xFFFFE003, lr  }
0x1b: {  	s9 =	sadd.s32 $0xFFFFFEF7, lr;
	s5 =	simm.s32 $0xFFFFFFFF;
	p2 =	slt.u32 s8, $0xFFFFF086  }
0x1c: {  	p1 =	slt.u32 s9, $0xF7A;
	s5 =	simm.s32 @!p2 $0x0  }
0x1d: {  	s5 =	simm.s32 @p1 $0x1;
	p0 =	seq.s32 s7, s2  }
0x1e: {  	s7 =	smul.u32 @!p0 $0xF7A, s2;
	p2 =	seq.s32 @!p0 s5, $0x0  }
0x1f: {  	s9 =	smul.u32 $0xF7A, s1;
	s8 =	simm.s32 @!p0 $0x1BF5;
	p2 =	por !p2, p0  }
0x20: {  	[sflag:s8] =	ssyncset.s32 @!p0 $0xFFFFF086;
	s6 =	sadd.s32 @!p0 s3, s7;
	s7 =	simm.s32 @!p0 $0x108  }
0x21: {  	s3 =	sadd.s32 s3, s9;
	s6 =	sadd.s32 @!p0 $0x88, s6;
	s7 =	simm.s32 @p2 $0x1082  }
0x22: {  	[simem:s7], [sflag:s8] =	dma.local @!p0 [hbm:s6], $0xF7A  }
0x23: {  	s9 =	sor.u32 $0xD0000000, s2;
	s6 =	simm.s32 $0x108;
	_ =	swait.ge @!p0 [sflag:s8], $0x0  }
0x24: {  	s3 =	sadd.s32 $0x88, s3;
	s6 =	simm.s32 @!p1 $0x1082;
	[sflag:s4] =	ssyncset.s32 $0xFFFFF086  }
0x25: {  	[simem:s6], [sflag:s4] =	dma.local [hbm:s3], $0xF7A  }
0x26: {  	[smem:$0x3F93] =	sst s1;
	(tag) =	ssettag s2;
	_ =	strace s9  }
0x27: {  	s1 =	sld [smem:$0x3FA3]  }
0x28: {  	s2 =	sld [smem:$0x3FA4]  }
0x29: {  	s4 =	sld [smem:$0x3FA6]  }
0x2a: {  	p0 =	seq.s32 s5, $0x0;
	s5 =	sld [smem:$0x3FA7]  }
0x2b: {  	s6 =	sld [smem:$0x3FA8]  }
0x2c: {  	s7 =	sld [smem:$0x3FA9]  }
0x2d: {  	s3 =	simm.s32 $0x108;
	s8 =	sld [smem:$0x3FAA]  }
0x2e: {  	s3 =	simm.s32 @!p0 $0x1082;
	s9 =	sld [smem:$0x3FAB]  }
0x2f: {  	lr =	sadd.s32 s0, s3;
	s0 =	sld [smem:$0x3FA2]  }
0x30: {  	s3 =	sld [smem:$0x3FA5]  }
0x31: {  	[smem:$0x3FAE] =	sst s10  }
0x32: {  	s10 =	sld [smem:$0x3FAC];
	_ =	sdelay $0x3  }
0x33: {  	p0 =	seq.s32 s10, $0x1;
	s10 =	sld [smem:$0x3FAE];
	_ =	sdelay $0x3  }
0x34: {  	[smem:$0x3FAE] =	sst s10  }
0x35: {  	s10 =	sld [smem:$0x3FAD];
	_ =	sdelay $0x3  }
0x36: {  	p1 =	seq.s32 s10, $0x1;
	s10 =	sld [smem:$0x3FAE];
	_ =	sdelay $0x3  }
0x37: {  	[smem:$0x3FAE] =	sst s10  }
0x38: {  	s10 =	sld [smem:$0x3FAF]  }
0x39: {  	_ = 	snop;
	(pc) =	sbr.ind lr, $3  }
0x3a: {  	_ = 	snop  }
0x3b: {  	_ = 	snop  }
0x3c: {  	p2 =	seq.s32 s10, $0x1;
	s10 =	sld [smem:$0x3FAE]  }
0x3d: {  	_ =	shalt  }
0x3e: {  	_ =	shalt  }
0x3f: {  	_ =	shalt  }
0x40: {  	_ =	shalt  }
0x41: {  	_ =	shalt  }
0x42: {  	_ =	shalt  }
0x43: {  	_ =	shalt  }
0x44: {  	_ =	shalt  }
0x45: {  	_ =	shalt  }
0x46: {  	_ =	shalt  }
0x47: {  	_ =	shalt  }
0x48: {  	_ =	shalt  }
0x49: {  	_ =	shalt  }
0x4a: {  	_ =	shalt  }
0x4b: {  	_ =	shalt  }
0x4c: {  	_ =	shalt  }
0x4d: {  	_ =	shalt  }
0x4e: {  	_ =	shalt  }
0x4f: {  	_ =	shalt  }
0x50: {  	_ =	shalt  }
0x51: {  	_ =	shalt  }
0x52: {  	_ =	shalt  }
0x53: {  	_ =	shalt  }
0x54: {  	_ =	shalt  }
0x55: {  	_ =	shalt  }
0x56: {  	_ =	shalt  }
0x57: {  	_ =	shalt  }
0x58: {  	_ =	shalt  }
0x59: {  	_ =	shalt  }
0x5a: {  	_ =	shalt  }
0x5b: {  	_ =	shalt  }
0x5c: {  	_ =	shalt  }
0x5d: {  	_ =	shalt  }
0x5e: {  	_ =	shalt  }
0x5f: {  	_ =	shalt  }
0x60: {  	_ =	shalt  }
0x61: {  	_ =	shalt  }
0x62: {  	_ =	shalt  }
0x63: {  	_ =	shalt  }
0x64: {  	_ =	shalt  }
0x65: {  	_ =	shalt  }
0x66: {  	_ =	shalt  }
0x67: {  	_ =	shalt  }
0x68: {  	_ =	shalt  }
0x69: {  	_ =	shalt  }
0x6a: {  	_ =	shalt  }
0x6b: {  	_ =	shalt  }
0x6c: {  	_ =	shalt  }
0x6d: {  	_ =	shalt  }
0x6e: {  	_ =	shalt  }
0x6f: {  	_ =	shalt  }
0x70: {  	_ =	shalt  }
0x71: {  	_ =	shalt  }
0x72: {  	_ =	shalt  }
0x73: {  	_ =	shalt  }
0x74: {  	_ =	shalt  }
0x75: {  	_ =	shalt  }
0x76: {  	_ =	shalt  }
0x77: {  	_ =	shalt  }
0x78: {  	_ =	shalt  }
0x79: {  	_ =	shalt  }
0x7a: {  	_ =	shalt  }
0x7b: {  	_ =	shalt  }
0x7c: {  	_ =	shalt  }
0x7d: {  	_ =	shalt  }
0x7e: {  	_ =	shalt  }
0x7f: {  	_ =	shalt  }
0x80: {  	_ =	shalt  }
0x81: {  	_ =	shalt  }
0x82: {  	_ =	shalt  }
0x83: {  	_ =	shalt  }
0x84: {  	_ =	shalt  }
0x85: {  	_ =	shalt  }
0x86: {  	_ =	shalt  }
0x87: {  	_ =	shalt  }
.Lfunc_end0:
.L_simem_size_0:
called_computation.6_lowered:
.L_overlay_start_0:
0x88: {  	s2 =	sld [smem:$0x3FD9]  }
0x89: {  	s3 =	sld [smem:$0x3FFE];
	_ =	sdelay $0x1  }
0x8a: {  	s1 =	srdreg.scid  }
0x8b: {  	s0 =	sand.u32 $0x1, s1  }
0x8c: {  	s17 =	sshll.u32 s0, $0xA;
	s2 =	sadd.s32 s3, s2  }
0x8d: {  	s2 =	sadd.s32 s2, s17  }
0x8e: {  	[smem:$0x3FBA] =	sst s2  }
0x8f: {  	_ = 	snop  }
0x90: {  	s18 =	sld [smem:$0x3FC6];
	(tm) =	ssettm $0x1  }
0x91: {  	s19 =	sld [smem:$0x3FFB];
	_ =	sdelay $0x3  }
0x92: {  	_ =	strace s19  }
0x93: {  	s2 =	sld [smem:$0x3FFC];
	_ =	sdelay $0x3  }
0x94: {  	_ =	strace s2  }
0x95: {  	s2 =	sld [smem:$0x3FFD];
	_ =	sdelay $0x3  }
0x96: {  	_ =	strace s2  }
0x97: {  	_ =	strace $0x8FFFFFFF  }
0x98: {  	s20 =	sld [smem:$0x3FDB];
	_ =	sdelay $0x1  }
0x99: {  	s4 =	simm.s32 $_scs_section_size  }
0x9a: {  	s5 =	simm.s32 $_size__tile_overlayer_lowered;
	s6 =	simm.s32 $_tile_overlayer_lowered  }
0x9b: {  	s7 =	simm.s32 $0x1BFF;
	s21 =	sshll.u32 s6, $0x1;
	s4 =	sadd.s32 s4, s20  }
0x9c: {  	s22 =	simm.s32 $0x0;
	s5 =	sshll.u32 s5, $0x1;
	s6 =	sadd.s32 s21, s4  }
0x9d: {  	[timem:s22], [sflag:s7] =	dma.local [hbm:s6], s5  }
0x9e: {  	_ =	swait.ge [sflag:s7], s5  }
0x9f: {  	s5 =	ssub.s32 $0x0, s5;
	[sflag:s7] =	ssyncset.done $0x0  }
0xa0: {  	[sflag:s7] =	ssyncadd.s32 s5;
	_ =	sdelay $0x1  }
0xa1: {  	s23 =	simm.s32 $0x1B8B  }
0xa2: {  	_ =	swait.ge [sflag:s23], $0x1  }
0xa3: {  	[sflag:s23] =	ssyncset.done $0x0  }
0xa4: {  	[sflag:s23] =	ssyncadd.s32 $0xFFFFFFFF  }
0xa5: {  	s5 =	sld [smem:$0x0]  }
0xa6: {  	s6 =	sand.u32 $0xFFFFFFFE, s1  }
0xa7: {  	p0 =	sne.s32 s1, s6  }
0xa8: {  	s6 =	sshll.u32 @p0 s6, $0xE  }
0xa9: {  	s6 =	sadd.s32 @p0 $0x11B8D, s6;
	s7 =	sshll.u32 @p0 s5, $0x11  }
0xaa: {  	s6 =	sor.u32 @p0 s7, s6  }
0xab: {  	[sflag:s6] =	ssyncadd.remote.s32 @p0 $0x1;
	_ =	sdelay $0x1  }
0xac: {  	s6 =	simm.s32 @p0 $0x1B8D  }
0xad: {  	_ =	swait.eq @p0 [sflag:s6], $0x1  }
0xae: {  	[sflag:s6] =	ssyncadd.s32 @p0 $0xFFFFFFFF  }
0xaf: {  	s7 =	sshll.u32 @!p0 s1, $0xE  }
0xb0: {  	s7 =	sor.u32 @!p0 $0x4000, s7;
	s6 =	simm.s32 @!p0 $0x1B8D  }
0xb1: {  	s5 =	sshll.u32 @!p0 s5, $0x11;
	s7 =	sadd.s32 @!p0 $0x11B8D, s7;
	_ =	swait.eq @!p0 [sflag:s6], $0x1  }
0xb2: {  	s5 =	sor.u32 @!p0 s5, s7;
	[sflag:s6] =	ssyncadd.s32 @!p0 $0xFFFFFFFF  }
0xb3: {  	s25 =	simm.s32 $0x1B8E;
	s24 =	sld [smem:$0x3FFE];
	[sflag:s5] =	ssyncadd.remote.s32 @!p0 $0x1  }
0xb4: {  	s26 =	simm.s32 $execute0_lowered;
	[smem:$0x3FD2] =	sst s25  }
0xb5: {  	s6 =	sshll.u32 s26, $0x1;
	_ =	strace $0x8000004F;
	[dreg:$0x1] =	wrdreg $0xFFFFFFFF  }
0xb6: {  	s28 =	simm.s32 $_size_execute0_lowered;
	s4 =	sadd.s32 s4, s6;
	[dreg:$0x0] =	wrdreg $0x0  }
0xb7: {  	s6 =	sshll.u32 s28, $0x1;
	[dreg:$0x2] =	wrdreg s4  }
0xb8: {  	[dreg:$0x3] =	wrdreg s6  }
0xb9: {  	[dreg:$0x4] =	wrdreg $0xC0  }
0xba: {  	_ =	task [dreg:s22], $0x5FFFF  }
0xbb: {  	[dreg:$0x1] =	wrdreg $0xFFFFFFFF  }
0xbc: {  	[dreg:$0x0] =	wrdreg $0x60  }
0xbd: {  	[dreg:$0x2] =	wrdreg s18  }
0xbe: {  	[dreg:$0x3] =	wrdreg s24  }
0xbf: {  	[dreg:$0x4] =	wrdreg $0xF  }
0xc0: {  	_ =	task.clear_ibuf [dreg:s22], $0x5FFFF;
	_ =	strace $0x9000004F  }
0xc1: {  	s29 =	simm.s32 $0xF;
	_ =	strace $0x80000051  }
0xc2: {  	_ =	swait.ge [sflag:s29], $0x1  }
0xc3: {  	[sflag:s29] =	ssyncadd.s32 $0xFFFFFFFF  }
0xc4: {  	_ =	strace $0x90000051  }
0xc5: {  	_ =	sfence  }
0xc6: {  	s30 =	sld [smem:$0x0];
	_ =	sdelay $0x2  }
0xc7: {  	s31 =	sshll.u32 s1, $0xD;
	s1 =	sshrl.u32 s1, $0x2  }
0xc8: {  	s4 =	sand.u32 $0x4000, s31;
	s1 =	sadd.s32 s1, s30  }
0xc9: {  	s0 =	sor.u32 s4, s0;
	s1 =	sshll.u32 s1, $0x11  }
0xca: {  	s0 =	sor.u32 s1, s0  }
0xcb: {  	s0 =	sadd.s32 $0x8F2B, s0  }
0xcc: {  	[sflag:s0] =	ssyncadd.remote.s32 $0x1  }
0xcd: {  	_ =	sfence.sel $0xFFFF  }
0xce: {  	[dreg:$0x0] =	wrdreg $0xFFFFFFFF;
	(pc) =	sbr.abs _section_cstart, $3  }
0xcf: {  	[dreg:$0x1] =	wrdreg $0xFFFFFFFF  }
0xd0: {  	_ =	task.clear_ibuf [dreg:s22], $0x2FFFF;
	_ =	strace $0x9FFFFFFF  }
0xd1: {  	(tm) =	ssettm $0x7FFFFFFF  }
tec
execute0_lowered:
.L_overlay_start_1:
0x0: {  	(tag) =	ssettag $0x1  }
0x1: {  	s1 =	srdreg.scid;
	s2 =	rddreg [dreg:$0x0]  }
0x2: {  	s0 =	stileid.u32;
	s5 =	rddreg [dreg:$0x1];
	s6 =	simm.s32 $0x1  }
0x3: {  	s9 =	simm.s32 $0x1;
	s10 =	simm.s32 $0x3;
	s1 =	sshll.u32 s1, $0x9  }
0x4: {  	s13 =	simm.s32 $0x0;
	s3 =	sshll.u32 s0, $0xA;
	s4 =	sand.u32 $0x200, s1  }
0x5: {  	s12 =	simm.s32 $0x0;
	s1 =	rddreg [dreg:$0x2];
	s3 =	sor.u32 s3, s4  }
0x6: {  	_ =	strace $0x80000050;
	s4 =	sadd.s32 $0x85200, s5;
	s8 =	ssub.s32 $0x8000, s3  }
.Ltmp0:
0x7: {  	s5 =	sadd.s32 $0x8CA00, s5;
	s7 =	sand.u32 $0x3E00, s8;
	(pc) =	sbr.rel .LBB2_1-.Ltmp0, $4  }
0x8: {  	[sflag:s6] =	ssyncpa.u1 $0x0;
	s11 =	smov.u32 s3;
	p0 =	sne.s32 s7, $0x0  }
0x9: {  	s8 =	sshrl.u32 s8, $0xE;
	s7 =	simm.s32 $0x2;
	s9 =	simm.s32 @!p0 $0x0  }
0xa: {  	[sflag:s7] =	ssyncpa.u1 $0x0;
	p0 =	por $0x0, $0x0;
	s8 =	sadd.s32 s9, s8  }
0xb: {  	vm0 =	vmmov $0xffff;
	[sflag:s10] =	ssyncpa.u1 $0x0;
	s10 =	simm.s32 $0x0;
	s9 =	sadd.s32 $0x1, s8  }
.LBB2_4:
0xc: {  	v2 =	vnsel vm1, $0x0, v2  }
0xd: {  	vm1 =	vgt.s32 v0, $0x0;
	v2 =	vmin.u32 v2, $0x7FFF  }
0xe: {  	v0 =	vnsel vm1, $0x0, v0  }
0xf: {  	v0 =	vmin.u32 v0, $0x7FFF  }
0x10: {  	[tilespmem:s15], [sflag:$0x1] =	stream.indirect_vreg.gather [hbm4b:s2+s10], $0x1, v1, vm0, $0x4038;
	[tilespmem:$0x800] =	vst v63  }
0x11: {  	(ifvalue) =	ssetifvalue $0x7FFFFFFF  }
0x12: {  	[tilespmem:s16], [sflag:$0x1] =	stream.indirect_vreg.gather [hbm4b:s2+s10], $0x1, v2, vm0, $0x4038;
	[tilespmem:$0x800] =	vst v63  }
0x13: {  	s29 =	sadd.s32 $0x10, s16;
	(ifvalue) =	ssetifvalue $0x7FFFFFFF  }
0x14: {  	[tilespmem:s29], [sflag:$0x1] =	stream.indirect_vreg.gather [hbm4b:s2+s10], $0x1, v0, vm0, $0x4038;
	[tilespmem:$0x800] =	vst v63  }
0x15: {  	_ =	swait.ge [sflag:s6], $0x200  }
0x16: {  	s30 =	sshrl.u32 s13, $0x3;
	[sflag:s6] =	ssyncset.done $0x0  }
0x17: {  	s31 =	sand.u32 $0x7, s13;
	s15 =	sadd.s32 s5, s30;
	[sflag:s6] =	ssyncadd.s32 $0xFFFFFE00  }
0x18: {  	[hbm4b:s15+s31] =	stream.linear.scatter [tilespmem:s14], [sflag:$0x3], $0x200, $0x38;
	[tilespmem:$0x800] =	vst v63  }
.LBB2_5:
0x19: {  	s15 =	sadd.s32 $0x4000, s11  }
0x1a: {  	p2 =	sgt.s32 s15, $0x7FFF  }
0x1b: {  	s15 =	smov.u32 @p2 s3;
	p2 =	sne.s32 s12, s9  }
.Ltmp1:
0x1c: {  	p1 =	slt.u32 s12, $0x2;
	(pc) =	sbr.rel @!p2 .LBB2_6-.Ltmp1, $4  }
0x1d: {  	s14 =	simm.s32 @!p1 $0x3  }
0x1e: {  	s16 =	sadd.s32 $0x1, s12;
	_ =	swait.ge @!p1 [sflag:s14], $0x200  }
0x1f: {  	s13 =	smov.u32 s11;
	p0 =	por !p0, !p0;
	[sflag:s14] =	ssyncset.done @!p1 $0x0  }
0x20: {  	s12 =	smov.u32 s16;
	s11 =	smov.u32 s15;
	[sflag:s14] =	ssyncadd.s32 @!p1 $0xFFFFFE00  }
.LBB2_1:
0x21: {  	p1 =	sge.u32 s12, s8  }
0x22: {  	s14 =	sxor.u32 @!p1 $0xFFFFFFFF, s12  }
0x23: {  	s31 =	sadd.s32 $0xFFFFFFFF, s12;
	s15 =	sshrl.u32 @!p1 s11, $0x3;
	s14 =	sshll.u32 @!p1 s14, $0x9  }
0x24: {  	s16 =	sand.u32 @!p1 $0x7, s11;
	s15 =	sadd.s32 @!p1 s4, s15;
	s14 =	sand.u32 @!p1 $0x200, s14  }
0x25: {  	[tilespmem:s14], [sflag:$0x2] =	stream.linear.gather @!p1 [hbm4b:s15+s16], $0x200, $0x38;
	[tilespmem:$0x800] =	vst v63  }
0x26: {  	p1 =	sge.u32 s31, s8  }
.Ltmp2:
0x27: {  	_ = 	snop;
	(pc) =	sbr.rel @p1 .LBB2_5-.Ltmp2, $1  }
0x28: {  	_ =	sdelay $0x3  }
0x29: {  	s14 =	simm.s32 $0x1  }
0x2a: {  	_ =	swait.ge [sflag:s7], $0x200;
	s14 =	simm.s32 @!p0 $0x0  }
0x2b: {  	[sflag:s7] =	ssyncset.done $0x0;
	s14 =	sshll.u32 s14, $0x9  }
0x2c: {  	[sflag:s7] =	ssyncadd.s32 $0xFFFFFE00;
	(ifvalue) =	ssetifvalue $0x7FFFFFFF;
	v0 =	vld.msk [tilespmem:s14+$0x0 ss:$0x1], $0xffff;
	_ =	sdelay $0x4  }
0x2d: {  	s15 =	sadd.s32 $0x10, s14;
	vm1 =	vgt.s32 v0, $0x0  }
0x2e: {  	v2 =	vld.msk [tilespmem:s15+$0x0 ss:$0x1], $0xffff;
	v1 =	vnsel vm1, $0x0, v0  }
0x2f: {  	v1 =	vmin.u32 v1, $0x7FFF;
	_ =	sdelay $0x1  }
0x30: {  	s16 =	sshll.u32 s12, $0x9;
	s18 =	simm.s32 $0x20  }
0x31: {  	s16 =	sand.u32 $0x200, s16;
	s17 =	sadd.s32 $0x10, s15;
	s15 =	sor.u32 $0x400, s14  }
0x32: {  	s14 =	sor.u32 $0x400, s16;
	s16 =	sadd.s32 $0x10, s15;
	v0 =	vld.msk [tilespmem:s17+$0x0 ss:$0x1], $0xffff;
	vm1 =	vgt.s32 v2, $0x0;
	(ifvalue) =	ssetifvalue $0x7FFFFFFF  }
.LBB2_3:
0x33: {  	[tilespmem:s15], [sflag:$0x1] =	stream.indirect_vreg.gather [hbm4b:s2+s10], $0x1, v1, vm0, $0x4038;
	[tilespmem:$0x800] =	vst v63  }
0x34: {  	s18 =	sadd.s32 $0x10, s18  }
0x35: {  	v2 =	vnsel vm1, $0x0, v2;
	p1 =	slt.u32 s18, $0x1F0  }
.Ltmp3:
0x36: {  	s15 =	smov.u32 s16;
	v1 =	vmin.u32 v2, $0x7FFF;
	(pc) =	sbr.rel @p1 .LBB2_3-.Ltmp3, $3  }
0x37: {  	_ =	sdelay $0x1  }
0x38: {  	s17 =	sadd.s32 $0x10, s17  }
0x39: {  	vm1 =	vgt.s32 v0, $0x0;
	s16 =	sadd.s32 $0x10, s16;
	v2 =	vmov v0;
	(ifvalue) =	ssetifvalue $0x7FFFFFFF;
	v0 =	vld.msk [tilespmem:s17+$0x0 ss:$0x1], $0xffff  }
.Ltmp4:
0x3a: {  	_ = 	snop;
	(pc) =	sbr.rel .LBB2_4-.Ltmp4, $1  }
0x3b: {  	_ =	sdelay $0x3  }
.LBB2_6:
0x3c: {  	_ =	sfence.sel $0x180000  }
0x3d: {  	s2 =	simm.s32 $0x2;
	[bflag:$0x0] =	sbarrier.arrive $0xFFFF  }
0x3e: {  	s30 =	simm.s32 $0x3;
	[sflag:s2] =	ssyncpa.u1 $0x1  }
0x3f: {  	s31 =	simm.s32 $0x1;
	[sflag:s30] =	ssyncpa.u1 $0x1  }
0x40: {  	[sflag:s31] =	ssyncpa.u1 $0x1  }
0x41: {  	p0 =	sne.s32 s0, $0x0;
	_ =	strace $0x90000050  }
0x42: {  	s0 =	sadd.s32 @!p0 $0x100000, s1;
	[bflag:$0x2] =	sbarrier.arrive $0xFFFF  }
0x43: {  	[sflag:s0] =	ssyncadd.tile.s32 @!p0 $0x1;
	_ =	shalt  }
.Lfunc_end2:
_tile_overlayer_lowered:
.L_overlay_start_2:
0x44: {  	(tag) =	ssettag $0x2  }
0x45: {  	s0 =	rddreg [dreg:$0x0];
	s2 =	stileid.u32  }
0x46: {  	s1 =	rddreg [dreg:$0x1];
	p0 =	sne.s32 s2, $0x0  }
0x47: {  	s3 =	rddreg [dreg:$0x2];
	[bflag:$0x3] =	sbarrier.arrive $0xFFFF;
	s2 =	simm.s32 @!p0 $0x1C01  }
0x48: {  	[timem:s3], [sflag:s2] =	dma.local @!p0 [hbm:s0], s1  }
0x49: {  	s0 =	simm.s32 @!p0 $0x1  }
0x4a: {  	_ =	swait.ge @!p0 [sflag:s0], s1  }
0x4b: {  	s1 =	ssub.s32 @!p0 $0x0, s1;
	[sflag:s0] =	ssyncset.done @!p0 $0x0  }
0x4c: {  	[sflag:s0] =	ssyncadd.s32 @!p0 s1  }
0x4d: {  	[bflag:$0x3] =	sbarrier.arrive $0xFFFF  }
0x4e: {  	_ =	shalt  }

// kernel: gather_offload_async_start.7
scs
__scs_entry_jumppad:
0x0: {  	(pc) =	sbr.rel $0x88, $3  }
0x1: {  	(tag) =	ssettag $0x0;
	lr =	simm.s32 $0x1  }
0x2: {  	[smem:$0x3F93] =	sst lr;
	_ =	strace $0xD0000000  }
0x3: {  	_ = 	snop  }
0x4: {  	_ = 	snop  }
0x5: {  	_ = 	snop  }
0x6: {  	_ = 	snop  }
0x7: {  	_ = 	snop  }
__scs_overlays_trampoline_lowered:
0x8: {  	[smem:$0x3FA2] =	sst s0  }
0x9: {  	[smem:$0x3FA3] =	sst s1  }
0xa: {  	[smem:$0x3FA4] =	sst s2  }
0xb: {  	[smem:$0x3FA5] =	sst s3  }
0xc: {  	[smem:$0x3FA6] =	sst s4  }
0xd: {  	[smem:$0x3FA7] =	sst s5  }
0xe: {  	[smem:$0x3FA8] =	sst s6  }
0xf: {  	[smem:$0x3FA9] =	sst s7  }
0x10: {  	[smem:$0x3FAA] =	sst s8  }
0x11: {  	[smem:$0x3FAB] =	sst s9;
	s0 =	simm.s32 @!p0 $0x0  }
0x12: {  	s1 =	sld [smem:$0x3F91];
	s0 =	simm.s32 @p0 $0x1  }
0x13: {  	[smem:$0x3FAC] =	sst s0;
	s0 =	simm.s32 @!p1 $0x0  }
0x14: {  	s2 =	sld [smem:$0x3F90];
	s0 =	simm.s32 @p1 $0x1  }
0x15: {  	[smem:$0x3FAD] =	sst s0;
	s0 =	simm.s32 @!p2 $0x0  }
0x16: {  	s3 =	sld [smem:$0x3FDB];
	s0 =	simm.s32 @p2 $0x1  }
0x17: {  	s4 =	simm.s32 $0x1BF5;
	[smem:$0x3FAF] =	sst s0  }
0x18: {  	s0 =	sld [smem:$0x3F92];
	_ =	swait.ge [sflag:s4], $0x0  }
0x19: {  	s7 =	sld [smem:$0x3F93]  }
0x1a: {  	s8 =	sadd.s32 $0xFFFFE003, lr  }
0x1b: {  	s9 =	sadd.s32 $0xFFFFFEF7, lr;
	s5 =	simm.s32 $0xFFFFFFFF;
	p2 =	slt.u32 s8, $0xFFFFF086  }
0x1c: {  	p1 =	slt.u32 s9, $0xF7A;
	s5 =	simm.s32 @!p2 $0x0  }
0x1d: {  	s5 =	simm.s32 @p1 $0x1;
	p0 =	seq.s32 s7, s2  }
0x1e: {  	s7 =	smul.u32 @!p0 $0xF7A, s2;
	p2 =	seq.s32 @!p0 s5, $0x0  }
0x1f: {  	s9 =	smul.u32 $0xF7A, s1;
	s8 =	simm.s32 @!p0 $0x1BF5;
	p2 =	por !p2, p0  }
0x20: {  	[sflag:s8] =	ssyncset.s32 @!p0 $0xFFFFF086;
	s6 =	sadd.s32 @!p0 s3, s7;
	s7 =	simm.s32 @!p0 $0x108  }
0x21: {  	s3 =	sadd.s32 s3, s9;
	s6 =	sadd.s32 @!p0 $0x88, s6;
	s7 =	simm.s32 @p2 $0x1082  }
0x22: {  	[simem:s7], [sflag:s8] =	dma.local @!p0 [hbm:s6], $0xF7A  }
0x23: {  	s9 =	sor.u32 $0xD0000000, s2;
	s6 =	simm.s32 $0x108;
	_ =	swait.ge @!p0 [sflag:s8], $0x0  }
0x24: {  	s3 =	sadd.s32 $0x88, s3;
	s6 =	simm.s32 @!p1 $0x1082;
	[sflag:s4] =	ssyncset.s32 $0xFFFFF086  }
0x25: {  	[simem:s6], [sflag:s4] =	dma.local [hbm:s3], $0xF7A  }
0x26: {  	[smem:$0x3F93] =	sst s1;
	(tag) =	ssettag s2;
	_ =	strace s9  }
0x27: {  	s1 =	sld [smem:$0x3FA3]  }
0x28: {  	s2 =	sld [smem:$0x3FA4]  }
0x29: {  	s4 =	sld [smem:$0x3FA6]  }
0x2a: {  	p0 =	seq.s32 s5, $0x0;
	s5 =	sld [smem:$0x3FA7]  }
0x2b: {  	s6 =	sld [smem:$0x3FA8]  }
0x2c: {  	s7 =	sld [smem:$0x3FA9]  }
0x2d: {  	s3 =	simm.s32 $0x108;
	s8 =	sld [smem:$0x3FAA]  }
0x2e: {  	s3 =	simm.s32 @!p0 $0x1082;
	s9 =	sld [smem:$0x3FAB]  }
0x2f: {  	lr =	sadd.s32 s0, s3;
	s0 =	sld [smem:$0x3FA2]  }
0x30: {  	s3 =	sld [smem:$0x3FA5]  }
0x31: {  	[smem:$0x3FAE] =	sst s10  }
0x32: {  	s10 =	sld [smem:$0x3FAC];
	_ =	sdelay $0x3  }
0x33: {  	p0 =	seq.s32 s10, $0x1;
	s10 =	sld [smem:$0x3FAE];
	_ =	sdelay $0x3  }
0x34: {  	[smem:$0x3FAE] =	sst s10  }
0x35: {  	s10 =	sld [smem:$0x3FAD];
	_ =	sdelay $0x3  }
0x36: {  	p1 =	seq.s32 s10, $0x1;
	s10 =	sld [smem:$0x3FAE];
	_ =	sdelay $0x3  }
0x37: {  	[smem:$0x3FAE] =	sst s10  }
0x38: {  	s10 =	sld [smem:$0x3FAF]  }
0x39: {  	_ = 	snop;
	(pc) =	sbr.ind lr, $3  }
0x3a: {  	_ = 	snop  }
0x3b: {  	_ = 	snop  }
0x3c: {  	p2 =	seq.s32 s10, $0x1;
	s10 =	sld [smem:$0x3FAE]  }
0x3d: {  	_ =	shalt  }
0x3e: {  	_ =	shalt  }
0x3f: {  	_ =	shalt  }
0x40: {  	_ =	shalt  }
0x41: {  	_ =	shalt  }
0x42: {  	_ =	shalt  }
0x43: {  	_ =	shalt  }
0x44: {  	_ =	shalt  }
0x45: {  	_ =	shalt  }
0x46: {  	_ =	shalt  }
0x47: {  	_ =	shalt  }
0x48: {  	_ =	shalt  }
0x49: {  	_ =	shalt  }
0x4a: {  	_ =	shalt  }
0x4b: {  	_ =	shalt  }
0x4c: {  	_ =	shalt  }
0x4d: {  	_ =	shalt  }
0x4e: {  	_ =	shalt  }
0x4f: {  	_ =	shalt  }
0x50: {  	_ =	shalt  }
0x51: {  	_ =	shalt  }
0x52: {  	_ =	shalt  }
0x53: {  	_ =	shalt  }
0x54: {  	_ =	shalt  }
0x55: {  	_ =	shalt  }
0x56: {  	_ =	shalt  }
0x57: {  	_ =	shalt  }
0x58: {  	_ =	shalt  }
0x59: {  	_ =	shalt  }
0x5a: {  	_ =	shalt  }
0x5b: {  	_ =	shalt  }
0x5c: {  	_ =	shalt  }
0x5d: {  	_ =	shalt  }
0x5e: {  	_ =	shalt  }
0x5f: {  	_ =	shalt  }
0x60: {  	_ =	shalt  }
0x61: {  	_ =	shalt  }
0x62: {  	_ =	shalt  }
0x63: {  	_ =	shalt  }
0x64: {  	_ =	shalt  }
0x65: {  	_ =	shalt  }
0x66: {  	_ =	shalt  }
0x67: {  	_ =	shalt  }
0x68: {  	_ =	shalt  }
0x69: {  	_ =	shalt  }
0x6a: {  	_ =	shalt  }
0x6b: {  	_ =	shalt  }
0x6c: {  	_ =	shalt  }
0x6d: {  	_ =	shalt  }
0x6e: {  	_ =	shalt  }
0x6f: {  	_ =	shalt  }
0x70: {  	_ =	shalt  }
0x71: {  	_ =	shalt  }
0x72: {  	_ =	shalt  }
0x73: {  	_ =	shalt  }
0x74: {  	_ =	shalt  }
0x75: {  	_ =	shalt  }
0x76: {  	_ =	shalt  }
0x77: {  	_ =	shalt  }
0x78: {  	_ =	shalt  }
0x79: {  	_ =	shalt  }
0x7a: {  	_ =	shalt  }
0x7b: {  	_ =	shalt  }
0x7c: {  	_ =	shalt  }
0x7d: {  	_ =	shalt  }
0x7e: {  	_ =	shalt  }
0x7f: {  	_ =	shalt  }
0x80: {  	_ =	shalt  }
0x81: {  	_ =	shalt  }
0x82: {  	_ =	shalt  }
0x83: {  	_ =	shalt  }
0x84: {  	_ =	shalt  }
0x85: {  	_ =	shalt  }
0x86: {  	_ =	shalt  }
0x87: {  	_ =	shalt  }
.Lfunc_end0:
.L_simem_size_0:
called_computation.7_lowered:
.L_overlay_start_0:
0x88: {  	s2 =	sld [smem:$0x3FD9]  }
0x89: {  	s3 =	sld [smem:$0x3FFE];
	_ =	sdelay $0x1  }
0x8a: {  	s1 =	srdreg.scid  }
0x8b: {  	s0 =	sand.u32 $0x1, s1  }
0x8c: {  	s17 =	sshll.u32 s0, $0xA;
	s2 =	sadd.s32 s3, s2  }
0x8d: {  	s2 =	sadd.s32 s2, s17  }
0x8e: {  	[smem:$0x3FBA] =	sst s2  }
0x8f: {  	_ = 	snop  }
0x90: {  	s18 =	sld [smem:$0x3FC5];
	(tm) =	ssettm $0x1  }
0x91: {  	s19 =	sld [smem:$0x3FFB];
	_ =	sdelay $0x3  }
0x92: {  	_ =	strace s19  }
0x93: {  	s2 =	sld [smem:$0x3FFC];
	_ =	sdelay $0x3  }
0x94: {  	_ =	strace s2  }
0x95: {  	s2 =	sld [smem:$0x3FFD];
	_ =	sdelay $0x3  }
0x96: {  	_ =	strace s2  }
0x97: {  	_ =	strace $0x8FFFFFFF  }
0x98: {  	s20 =	sld [smem:$0x3FDB];
	_ =	sdelay $0x1  }
0x99: {  	s4 =	simm.s32 $_scs_section_size  }
0x9a: {  	s5 =	simm.s32 $_size__tile_overlayer_lowered;
	s6 =	simm.s32 $_tile_overlayer_lowered  }
0x9b: {  	s7 =	simm.s32 $0x1BFF;
	s21 =	sshll.u32 s6, $0x1;
	s4 =	sadd.s32 s4, s20  }
0x9c: {  	s22 =	simm.s32 $0x0;
	s5 =	sshll.u32 s5, $0x1;
	s6 =	sadd.s32 s21, s4  }
0x9d: {  	[timem:s22], [sflag:s7] =	dma.local [hbm:s6], s5  }
0x9e: {  	_ =	swait.ge [sflag:s7], s5  }
0x9f: {  	s5 =	ssub.s32 $0x0, s5;
	[sflag:s7] =	ssyncset.done $0x0  }
0xa0: {  	[sflag:s7] =	ssyncadd.s32 s5;
	_ =	sdelay $0x1  }
0xa1: {  	s23 =	simm.s32 $0x1B8B  }
0xa2: {  	_ =	swait.ge [sflag:s23], $0x1  }
0xa3: {  	[sflag:s23] =	ssyncset.done $0x0  }
0xa4: {  	[sflag:s23] =	ssyncadd.s32 $0xFFFFFFFF  }
0xa5: {  	s5 =	sld [smem:$0x0]  }
0xa6: {  	s6 =	sand.u32 $0xFFFFFFFE, s1  }
0xa7: {  	p0 =	sne.s32 s1, s6  }
0xa8: {  	s6 =	sshll.u32 @p0 s6, $0xE  }
0xa9: {  	s6 =	sadd.s32 @p0 $0x11B8D, s6;
	s7 =	sshll.u32 @p0 s5, $0x11  }
0xaa: {  	s6 =	sor.u32 @p0 s7, s6  }
0xab: {  	[sflag:s6] =	ssyncadd.remote.s32 @p0 $0x1;
	_ =	sdelay $0x1  }
0xac: {  	s6 =	simm.s32 @p0 $0x1B8D  }
0xad: {  	_ =	swait.eq @p0 [sflag:s6], $0x1  }
0xae: {  	[sflag:s6] =	ssyncadd.s32 @p0 $0xFFFFFFFF  }
0xaf: {  	s7 =	sshll.u32 @!p0 s1, $0xE  }
0xb0: {  	s7 =	sor.u32 @!p0 $0x4000, s7;
	s6 =	simm.s32 @!p0 $0x1B8D  }
0xb1: {  	s5 =	sshll.u32 @!p0 s5, $0x11;
	s7 =	sadd.s32 @!p0 $0x11B8D, s7;
	_ =	swait.eq @!p0 [sflag:s6], $0x1  }
0xb2: {  	s5 =	sor.u32 @!p0 s5, s7;
	[sflag:s6] =	ssyncadd.s32 @!p0 $0xFFFFFFFF  }
0xb3: {  	s25 =	simm.s32 $0x1B8E;
	s24 =	sld [smem:$0x3FFE];
	[sflag:s5] =	ssyncadd.remote.s32 @!p0 $0x1  }
0xb4: {  	s26 =	simm.s32 $execute0_lowered;
	[smem:$0x3FD2] =	sst s25  }
0xb5: {  	s6 =	sshll.u32 s26, $0x1;
	_ =	strace $0x80000052;
	[dreg:$0x1] =	wrdreg $0xFFFFFFFF  }
0xb6: {  	s28 =	simm.s32 $_size_execute0_lowered;
	s4 =	sadd.s32 s4, s6;
	[dreg:$0x0] =	wrdreg $0x0  }
0xb7: {  	s6 =	sshll.u32 s28, $0x1;
	[dreg:$0x2] =	wrdreg s4  }
0xb8: {  	[dreg:$0x3] =	wrdreg s6  }
0xb9: {  	[dreg:$0x4] =	wrdreg $0xC0  }
0xba: {  	_ =	task [dreg:s22], $0x5FFFF  }
0xbb: {  	[dreg:$0x1] =	wrdreg $0xFFFFFFFF  }
0xbc: {  	[dreg:$0x0] =	wrdreg $0x60  }
0xbd: {  	[dreg:$0x2] =	wrdreg s18  }
0xbe: {  	[dreg:$0x3] =	wrdreg s24  }
0xbf: {  	[dreg:$0x4] =	wrdreg $0x10  }
0xc0: {  	_ =	task.clear_ibuf [dreg:s22], $0x5FFFF;
	_ =	strace $0x90000052  }
0xc1: {  	s29 =	simm.s32 $0x10;
	_ =	strace $0x80000054  }
0xc2: {  	_ =	swait.ge [sflag:s29], $0x1  }
0xc3: {  	[sflag:s29] =	ssyncadd.s32 $0xFFFFFFFF  }
0xc4: {  	_ =	strace $0x90000054  }
0xc5: {  	_ =	sfence  }
0xc6: {  	s30 =	sld [smem:$0x0];
	_ =	sdelay $0x2  }
0xc7: {  	s31 =	sshll.u32 s1, $0xD;
	s1 =	sshrl.u32 s1, $0x2  }
0xc8: {  	s4 =	sand.u32 $0x4000, s31;
	s1 =	sadd.s32 s1, s30  }
0xc9: {  	s0 =	sor.u32 s4, s0;
	s1 =	sshll.u32 s1, $0x11  }
0xca: {  	s0 =	sor.u32 s1, s0  }
0xcb: {  	s0 =	sadd.s32 $0x8F2B, s0  }
0xcc: {  	[sflag:s0] =	ssyncadd.remote.s32 $0x1  }
0xcd: {  	_ =	sfence.sel $0xFFFF  }
0xce: {  	[dreg:$0x0] =	wrdreg $0xFFFFFFFF;
	(pc) =	sbr.abs _section_cstart, $3  }
0xcf: {  	[dreg:$0x1] =	wrdreg $0xFFFFFFFF  }
0xd0: {  	_ =	task.clear_ibuf [dreg:s22], $0x2FFFF;
	_ =	strace $0x9FFFFFFF  }
0xd1: {  	(tm) =	ssettm $0x7FFFFFFF  }
tec
execute0_lowered:
.L_overlay_start_1:
0x0: {  	(tag) =	ssettag $0x1  }
0x1: {  	s1 =	srdreg.scid;
	s2 =	rddreg [dreg:$0x0]  }
0x2: {  	s0 =	stileid.u32;
	s5 =	rddreg [dreg:$0x1];
	s6 =	simm.s32 $0x1  }
0x3: {  	s9 =	simm.s32 $0x1;
	s10 =	simm.s32 $0x3;
	s1 =	sshll.u32 s1, $0x9  }
0x4: {  	s13 =	simm.s32 $0x0;
	s3 =	sshll.u32 s0, $0xA;
	s4 =	sand.u32 $0x200, s1  }
0x5: {  	s12 =	simm.s32 $0x0;
	s1 =	rddreg [dreg:$0x2];
	s3 =	sor.u32 s3, s4  }
0x6: {  	_ =	strace $0x80000053;
	s4 =	sadd.s32 $0x85200, s5;
	s8 =	ssub.s32 $0x8000, s3  }
.Ltmp0:
0x7: {  	s5 =	sadd.s32 $0x8DA00, s5;
	s7 =	sand.u32 $0x3E00, s8;
	(pc) =	sbr.rel .LBB2_1-.Ltmp0, $4  }
0x8: {  	[sflag:s6] =	ssyncpa.u1 $0x0;
	s11 =	smov.u32 s3;
	p0 =	sne.s32 s7, $0x0  }
0x9: {  	s8 =	sshrl.u32 s8, $0xE;
	s7 =	simm.s32 $0x2;
	s9 =	simm.s32 @!p0 $0x0  }
0xa: {  	[sflag:s7] =	ssyncpa.u1 $0x0;
	p0 =	por $0x0, $0x0;
	s8 =	sadd.s32 s9, s8  }
0xb: {  	vm0 =	vmmov $0xffff;
	[sflag:s10] =	ssyncpa.u1 $0x0;
	s10 =	simm.s32 $0x0;
	s9 =	sadd.s32 $0x1, s8  }
.LBB2_4:
0xc: {  	v2 =	vnsel vm1, $0x0, v2  }
0xd: {  	vm1 =	vgt.s32 v0, $0x0;
	v2 =	vmin.u32 v2, $0x7FFF  }
0xe: {  	v0 =	vnsel vm1, $0x0, v0  }
0xf: {  	v0 =	vmin.u32 v0, $0x7FFF  }
0x10: {  	[tilespmem:s15], [sflag:$0x1] =	stream.indirect_vreg.gather [hbm4b:s2+s10], $0x1, v1, vm0, $0x4038;
	[tilespmem:$0x800] =	vst v63  }
0x11: {  	(ifvalue) =	ssetifvalue $0x7FFFFFFF  }
0x12: {  	[tilespmem:s16], [sflag:$0x1] =	stream.indirect_vreg.gather [hbm4b:s2+s10], $0x1, v2, vm0, $0x4038;
	[tilespmem:$0x800] =	vst v63  }
0x13: {  	s29 =	sadd.s32 $0x10, s16;
	(ifvalue) =	ssetifvalue $0x7FFFFFFF  }
0x14: {  	[tilespmem:s29], [sflag:$0x1] =	stream.indirect_vreg.gather [hbm4b:s2+s10], $0x1, v0, vm0, $0x4038;
	[tilespmem:$0x800] =	vst v63  }
0x15: {  	_ =	swait.ge [sflag:s6], $0x200  }
0x16: {  	s30 =	sshrl.u32 s13, $0x3;
	[sflag:s6] =	ssyncset.done $0x0  }
0x17: {  	s31 =	sand.u32 $0x7, s13;
	s15 =	sadd.s32 s5, s30;
	[sflag:s6] =	ssyncadd.s32 $0xFFFFFE00  }
0x18: {  	[hbm4b:s15+s31] =	stream.linear.scatter [tilespmem:s14], [sflag:$0x3], $0x200, $0x38;
	[tilespmem:$0x800] =	vst v63  }
.LBB2_5:
0x19: {  	s15 =	sadd.s32 $0x4000, s11  }
0x1a: {  	p2 =	sgt.s32 s15, $0x7FFF  }
0x1b: {  	s15 =	smov.u32 @p2 s3;
	p2 =	sne.s32 s12, s9  }
.Ltmp1:
0x1c: {  	p1 =	slt.u32 s12, $0x2;
	(pc) =	sbr.rel @!p2 .LBB2_6-.Ltmp1, $4  }
0x1d: {  	s14 =	simm.s32 @!p1 $0x3  }
0x1e: {  	s16 =	sadd.s32 $0x1, s12;
	_ =	swait.ge @!p1 [sflag:s14], $0x200  }
0x1f: {  	s13 =	smov.u32 s11;
	p0 =	por !p0, !p0;
	[sflag:s14] =	ssyncset.done @!p1 $0x0  }
0x20: {  	s12 =	smov.u32 s16;
	s11 =	smov.u32 s15;
	[sflag:s14] =	ssyncadd.s32 @!p1 $0xFFFFFE00  }
.LBB2_1:
0x21: {  	p1 =	sge.u32 s12, s8  }
0x22: {  	s14 =	sxor.u32 @!p1 $0xFFFFFFFF, s12  }
0x23: {  	s31 =	sadd.s32 $0xFFFFFFFF, s12;
	s15 =	sshrl.u32 @!p1 s11, $0x3;
	s14 =	sshll.u32 @!p1 s14, $0x9  }
0x24: {  	s16 =	sand.u32 @!p1 $0x7, s11;
	s15 =	sadd.s32 @!p1 s4, s15;
	s14 =	sand.u32 @!p1 $0x200, s14  }
0x25: {  	[tilespmem:s14], [sflag:$0x2] =	stream.linear.gather @!p1 [hbm4b:s15+s16], $0x200, $0x38;
	[tilespmem:$0x800] =	vst v63  }
0x26: {  	p1 =	sge.u32 s31, s8  }
.Ltmp2:
0x27: {  	_ = 	snop;
	(pc) =	sbr.rel @p1 .LBB2_5-.Ltmp2, $1  }
0x28: {  	_ =	sdelay $0x3  }
0x29: {  	s14 =	simm.s32 $0x1  }
0x2a: {  	_ =	swait.ge [sflag:s7], $0x200;
	s14 =	simm.s32 @!p0 $0x0  }
0x2b: {  	[sflag:s7] =	ssyncset.done $0x0;
	s14 =	sshll.u32 s14, $0x9  }
0x2c: {  	[sflag:s7] =	ssyncadd.s32 $0xFFFFFE00;
	(ifvalue) =	ssetifvalue $0x7FFFFFFF;
	v0 =	vld.msk [tilespmem:s14+$0x0 ss:$0x1], $0xffff;
	_ =	sdelay $0x4  }
0x2d: {  	s15 =	sadd.s32 $0x10, s14;
	vm1 =	vgt.s32 v0, $0x0  }
0x2e: {  	v2 =	vld.msk [tilespmem:s15+$0x0 ss:$0x1], $0xffff;
	v1 =	vnsel vm1, $0x0, v0  }
0x2f: {  	v1 =	vmin.u32 v1, $0x7FFF;
	_ =	sdelay $0x1  }
0x30: {  	s16 =	sshll.u32 s12, $0x9;
	s18 =	simm.s32 $0x20  }
0x31: {  	s16 =	sand.u32 $0x200, s16;
	s17 =	sadd.s32 $0x10, s15;
	s15 =	sor.u32 $0x400, s14  }
0x32: {  	s14 =	sor.u32 $0x400, s16;
	s16 =	sadd.s32 $0x10, s15;
	v0 =	vld.msk [tilespmem:s17+$0x0 ss:$0x1], $0xffff;
	vm1 =	vgt.s32 v2, $0x0;
	(ifvalue) =	ssetifvalue $0x7FFFFFFF  }
.LBB2_3:
0x33: {  	[tilespmem:s15], [sflag:$0x1] =	stream.indirect_vreg.gather [hbm4b:s2+s10], $0x1, v1, vm0, $0x4038;
	[tilespmem:$0x800] =	vst v63  }
0x34: {  	s18 =	sadd.s32 $0x10, s18  }
0x35: {  	v2 =	vnsel vm1, $0x0, v2;
	p1 =	slt.u32 s18, $0x1F0  }
.Ltmp3:
0x36: {  	s15 =	smov.u32 s16;
	v1 =	vmin.u32 v2, $0x7FFF;
	(pc) =	sbr.rel @p1 .LBB2_3-.Ltmp3, $3  }
0x37: {  	_ =	sdelay $0x1  }
0x38: {  	s17 =	sadd.s32 $0x10, s17  }
0x39: {  	vm1 =	vgt.s32 v0, $0x0;
	s16 =	sadd.s32 $0x10, s16;
	v2 =	vmov v0;
	(ifvalue) =	ssetifvalue $0x7FFFFFFF;
	v0 =	vld.msk [tilespmem:s17+$0x0 ss:$0x1], $0xffff  }
.Ltmp4:
0x3a: {  	_ = 	snop;
	(pc) =	sbr.rel .LBB2_4-.Ltmp4, $1  }
0x3b: {  	_ =	sdelay $0x3  }
.LBB2_6:
0x3c: {  	_ =	sfence.sel $0x180000  }
0x3d: {  	s2 =	simm.s32 $0x2;
	[bflag:$0x0] =	sbarrier.arrive $0xFFFF  }
0x3e: {  	s30 =	simm.s32 $0x3;
	[sflag:s2] =	ssyncpa.u1 $0x1  }
0x3f: {  	s31 =	simm.s32 $0x1;
	[sflag:s30] =	ssyncpa.u1 $0x1  }
0x40: {  	[sflag:s31] =	ssyncpa.u1 $0x1  }
0x41: {  	p0 =	sne.s32 s0, $0x0;
	_ =	strace $0x90000053  }
0x42: {  	s0 =	sadd.s32 @!p0 $0x100000, s1;
	[bflag:$0x2] =	sbarrier.arrive $0xFFFF  }
0x43: {  	[sflag:s0] =	ssyncadd.tile.s32 @!p0 $0x1;
	_ =	shalt  }
.Lfunc_end2:
_tile_overlayer_lowered:
.L_overlay_start_2:
0x44: {  	(tag) =	ssettag $0x2  }
0x45: {  	s0 =	rddreg [dreg:$0x0];
	s2 =	stileid.u32  }
0x46: {  	s1 =	rddreg [dreg:$0x1];
	p0 =	sne.s32 s2, $0x0  }
0x47: {  	s3 =	rddreg [dreg:$0x2];
	[bflag:$0x3] =	sbarrier.arrive $0xFFFF;
	s2 =	simm.s32 @!p0 $0x1C01  }
0x48: {  	[timem:s3], [sflag:s2] =	dma.local @!p0 [hbm:s0], s1  }
0x49: {  	s0 =	simm.s32 @!p0 $0x1  }
0x4a: {  	_ =	swait.ge @!p0 [sflag:s0], s1  }
0x4b: {  	s1 =	ssub.s32 @!p0 $0x0, s1;
	[sflag:s0] =	ssyncset.done @!p0 $0x0  }
0x4c: {  	[sflag:s0] =	ssyncadd.s32 @!p0 s1  }
0x4d: {  	[bflag:$0x3] =	sbarrier.arrive $0xFFFF  }
0x4e: {  	_ =	shalt  }

// kernel: gather_offload_async_start.8
scs
__scs_entry_jumppad:
0x0: {  	(pc) =	sbr.rel $0x88, $3  }
0x1: {  	(tag) =	ssettag $0x0;
	lr =	simm.s32 $0x1  }
0x2: {  	[smem:$0x3F93] =	sst lr;
	_ =	strace $0xD0000000  }
0x3: {  	_ = 	snop  }
0x4: {  	_ = 	snop  }
0x5: {  	_ = 	snop  }
0x6: {  	_ = 	snop  }
0x7: {  	_ = 	snop  }
__scs_overlays_trampoline_lowered:
0x8: {  	[smem:$0x3FA2] =	sst s0  }
0x9: {  	[smem:$0x3FA3] =	sst s1  }
0xa: {  	[smem:$0x3FA4] =	sst s2  }
0xb: {  	[smem:$0x3FA5] =	sst s3  }
0xc: {  	[smem:$0x3FA6] =	sst s4  }
0xd: {  	[smem:$0x3FA7] =	sst s5  }
0xe: {  	[smem:$0x3FA8] =	sst s6  }
0xf: {  	[smem:$0x3FA9] =	sst s7  }
0x10: {  	[smem:$0x3FAA] =	sst s8  }
0x11: {  	[smem:$0x3FAB] =	sst s9;
	s0 =	simm.s32 @!p0 $0x0  }
0x12: {  	s1 =	sld [smem:$0x3F91];
	s0 =	simm.s32 @p0 $0x1  }
0x13: {  	[smem:$0x3FAC] =	sst s0;
	s0 =	simm.s32 @!p1 $0x0  }
0x14: {  	s2 =	sld [smem:$0x3F90];
	s0 =	simm.s32 @p1 $0x1  }
0x15: {  	[smem:$0x3FAD] =	sst s0;
	s0 =	simm.s32 @!p2 $0x0  }
0x16: {  	s3 =	sld [smem:$0x3FDB];
	s0 =	simm.s32 @p2 $0x1  }
0x17: {  	s4 =	simm.s32 $0x1BF5;
	[smem:$0x3FAF] =	sst s0  }
0x18: {  	s0 =	sld [smem:$0x3F92];
	_ =	swait.ge [sflag:s4], $0x0  }
0x19: {  	s7 =	sld [smem:$0x3F93]  }
0x1a: {  	s8 =	sadd.s32 $0xFFFFE003, lr  }
0x1b: {  	s9 =	sadd.s32 $0xFFFFFEF7, lr;
	s5 =	simm.s32 $0xFFFFFFFF;
	p2 =	slt.u32 s8, $0xFFFFF086  }
0x1c: {  	p1 =	slt.u32 s9, $0xF7A;
	s5 =	simm.s32 @!p2 $0x0  }
0x1d: {  	s5 =	simm.s32 @p1 $0x1;
	p0 =	seq.s32 s7, s2  }
0x1e: {  	s7 =	smul.u32 @!p0 $0xF7A, s2;
	p2 =	seq.s32 @!p0 s5, $0x0  }
0x1f: {  	s9 =	smul.u32 $0xF7A, s1;
	s8 =	simm.s32 @!p0 $0x1BF5;
	p2 =	por !p2, p0  }
0x20: {  	[sflag:s8] =	ssyncset.s32 @!p0 $0xFFFFF086;
	s6 =	sadd.s32 @!p0 s3, s7;
	s7 =	simm.s32 @!p0 $0x108  }
0x21: {  	s3 =	sadd.s32 s3, s9;
	s6 =	sadd.s32 @!p0 $0x88, s6;
	s7 =	simm.s32 @p2 $0x1082  }
0x22: {  	[simem:s7], [sflag:s8] =	dma.local @!p0 [hbm:s6], $0xF7A  }
0x23: {  	s9 =	sor.u32 $0xD0000000, s2;
	s6 =	simm.s32 $0x108;
	_ =	swait.ge @!p0 [sflag:s8], $0x0  }
0x24: {  	s3 =	sadd.s32 $0x88, s3;
	s6 =	simm.s32 @!p1 $0x1082;
	[sflag:s4] =	ssyncset.s32 $0xFFFFF086  }
0x25: {  	[simem:s6], [sflag:s4] =	dma.local [hbm:s3], $0xF7A  }
0x26: {  	[smem:$0x3F93] =	sst s1;
	(tag) =	ssettag s2;
	_ =	strace s9  }
0x27: {  	s1 =	sld [smem:$0x3FA3]  }
0x28: {  	s2 =	sld [smem:$0x3FA4]  }
0x29: {  	s4 =	sld [smem:$0x3FA6]  }
0x2a: {  	p0 =	seq.s32 s5, $0x0;
	s5 =	sld [smem:$0x3FA7]  }
0x2b: {  	s6 =	sld [smem:$0x3FA8]  }
0x2c: {  	s7 =	sld [smem:$0x3FA9]  }
0x2d: {  	s3 =	simm.s32 $0x108;
	s8 =	sld [smem:$0x3FAA]  }
0x2e: {  	s3 =	simm.s32 @!p0 $0x1082;
	s9 =	sld [smem:$0x3FAB]  }
0x2f: {  	lr =	sadd.s32 s0, s3;
	s0 =	sld [smem:$0x3FA2]  }
0x30: {  	s3 =	sld [smem:$0x3FA5]  }
0x31: {  	[smem:$0x3FAE] =	sst s10  }
0x32: {  	s10 =	sld [smem:$0x3FAC];
	_ =	sdelay $0x3  }
0x33: {  	p0 =	seq.s32 s10, $0x1;
	s10 =	sld [smem:$0x3FAE];
	_ =	sdelay $0x3  }
0x34: {  	[smem:$0x3FAE] =	sst s10  }
0x35: {  	s10 =	sld [smem:$0x3FAD];
	_ =	sdelay $0x3  }
0x36: {  	p1 =	seq.s32 s10, $0x1;
	s10 =	sld [smem:$0x3FAE];
	_ =	sdelay $0x3  }
0x37: {  	[smem:$0x3FAE] =	sst s10  }
0x38: {  	s10 =	sld [smem:$0x3FAF]  }
0x39: {  	_ = 	snop;
	(pc) =	sbr.ind lr, $3  }
0x3a: {  	_ = 	snop  }
0x3b: {  	_ = 	snop  }
0x3c: {  	p2 =	seq.s32 s10, $0x1;
	s10 =	sld [smem:$0x3FAE]  }
0x3d: {  	_ =	shalt  }
0x3e: {  	_ =	shalt  }
0x3f: {  	_ =	shalt  }
0x40: {  	_ =	shalt  }
0x41: {  	_ =	shalt  }
0x42: {  	_ =	shalt  }
0x43: {  	_ =	shalt  }
0x44: {  	_ =	shalt  }
0x45: {  	_ =	shalt  }
0x46: {  	_ =	shalt  }
0x47: {  	_ =	shalt  }
0x48: {  	_ =	shalt  }
0x49: {  	_ =	shalt  }
0x4a: {  	_ =	shalt  }
0x4b: {  	_ =	shalt  }
0x4c: {  	_ =	shalt  }
0x4d: {  	_ =	shalt  }
0x4e: {  	_ =	shalt  }
0x4f: {  	_ =	shalt  }
0x50: {  	_ =	shalt  }
0x51: {  	_ =	shalt  }
0x52: {  	_ =	shalt  }
0x53: {  	_ =	shalt  }
0x54: {  	_ =	shalt  }
0x55: {  	_ =	shalt  }
0x56: {  	_ =	shalt  }
0x57: {  	_ =	shalt  }
0x58: {  	_ =	shalt  }
0x59: {  	_ =	shalt  }
0x5a: {  	_ =	shalt  }
0x5b: {  	_ =	shalt  }
0x5c: {  	_ =	shalt  }
0x5d: {  	_ =	shalt  }
0x5e: {  	_ =	shalt  }
0x5f: {  	_ =	shalt  }
0x60: {  	_ =	shalt  }
0x61: {  	_ =	shalt  }
0x62: {  	_ =	shalt  }
0x63: {  	_ =	shalt  }
0x64: {  	_ =	shalt  }
0x65: {  	_ =	shalt  }
0x66: {  	_ =	shalt  }
0x67: {  	_ =	shalt  }
0x68: {  	_ =	shalt  }
0x69: {  	_ =	shalt  }
0x6a: {  	_ =	shalt  }
0x6b: {  	_ =	shalt  }
0x6c: {  	_ =	shalt  }
0x6d: {  	_ =	shalt  }
0x6e: {  	_ =	shalt  }
0x6f: {  	_ =	shalt  }
0x70: {  	_ =	shalt  }
0x71: {  	_ =	shalt  }
0x72: {  	_ =	shalt  }
0x73: {  	_ =	shalt  }
0x74: {  	_ =	shalt  }
0x75: {  	_ =	shalt  }
0x76: {  	_ =	shalt  }
0x77: {  	_ =	shalt  }
0x78: {  	_ =	shalt  }
0x79: {  	_ =	shalt  }
0x7a: {  	_ =	shalt  }
0x7b: {  	_ =	shalt  }
0x7c: {  	_ =	shalt  }
0x7d: {  	_ =	shalt  }
0x7e: {  	_ =	shalt  }
0x7f: {  	_ =	shalt  }
0x80: {  	_ =	shalt  }
0x81: {  	_ =	shalt  }
0x82: {  	_ =	shalt  }
0x83: {  	_ =	shalt  }
0x84: {  	_ =	shalt  }
0x85: {  	_ =	shalt  }
0x86: {  	_ =	shalt  }
0x87: {  	_ =	shalt  }
.Lfunc_end0:
.L_simem_size_0:
called_computation.8_lowered:
.L_overlay_start_0:
0x88: {  	s2 =	sld [smem:$0x3FD9]  }
0x89: {  	s3 =	sld [smem:$0x3FFE];
	_ =	sdelay $0x1  }
0x8a: {  	s1 =	srdreg.scid  }
0x8b: {  	s0 =	sand.u32 $0x1, s1  }
0x8c: {  	s17 =	sshll.u32 s0, $0xA;
	s2 =	sadd.s32 s3, s2  }
0x8d: {  	s2 =	sadd.s32 s2, s17  }
0x8e: {  	[smem:$0x3FBA] =	sst s2  }
0x8f: {  	_ = 	snop  }
0x90: {  	s18 =	sld [smem:$0x3FC4];
	(tm) =	ssettm $0x1  }
0x91: {  	s19 =	sld [smem:$0x3FFB];
	_ =	sdelay $0x3  }
0x92: {  	_ =	strace s19  }
0x93: {  	s2 =	sld [smem:$0x3FFC];
	_ =	sdelay $0x3  }
0x94: {  	_ =	strace s2  }
0x95: {  	s2 =	sld [smem:$0x3FFD];
	_ =	sdelay $0x3  }
0x96: {  	_ =	strace s2  }
0x97: {  	_ =	strace $0x8FFFFFFF  }
0x98: {  	s20 =	sld [smem:$0x3FDB];
	_ =	sdelay $0x1  }
0x99: {  	s4 =	simm.s32 $_scs_section_size  }
0x9a: {  	s5 =	simm.s32 $_size__tile_overlayer_lowered;
	s6 =	simm.s32 $_tile_overlayer_lowered  }
0x9b: {  	s7 =	simm.s32 $0x1BFF;
	s21 =	sshll.u32 s6, $0x1;
	s4 =	sadd.s32 s4, s20  }
0x9c: {  	s22 =	simm.s32 $0x0;
	s5 =	sshll.u32 s5, $0x1;
	s6 =	sadd.s32 s21, s4  }
0x9d: {  	[timem:s22], [sflag:s7] =	dma.local [hbm:s6], s5  }
0x9e: {  	_ =	swait.ge [sflag:s7], s5  }
0x9f: {  	s5 =	ssub.s32 $0x0, s5;
	[sflag:s7] =	ssyncset.done $0x0  }
0xa0: {  	[sflag:s7] =	ssyncadd.s32 s5;
	_ =	sdelay $0x1  }
0xa1: {  	s23 =	simm.s32 $0x1B8B  }
0xa2: {  	_ =	swait.ge [sflag:s23], $0x1  }
0xa3: {  	[sflag:s23] =	ssyncset.done $0x0  }
0xa4: {  	[sflag:s23] =	ssyncadd.s32 $0xFFFFFFFF  }
0xa5: {  	s5 =	sld [smem:$0x0]  }
0xa6: {  	s6 =	sand.u32 $0xFFFFFFFE, s1  }
0xa7: {  	p0 =	sne.s32 s1, s6  }
0xa8: {  	s6 =	sshll.u32 @p0 s6, $0xE  }
0xa9: {  	s6 =	sadd.s32 @p0 $0x11B8D, s6;
	s7 =	sshll.u32 @p0 s5, $0x11  }
0xaa: {  	s6 =	sor.u32 @p0 s7, s6  }
0xab: {  	[sflag:s6] =	ssyncadd.remote.s32 @p0 $0x1;
	_ =	sdelay $0x1  }
0xac: {  	s6 =	simm.s32 @p0 $0x1B8D  }
0xad: {  	_ =	swait.eq @p0 [sflag:s6], $0x1  }
0xae: {  	[sflag:s6] =	ssyncadd.s32 @p0 $0xFFFFFFFF  }
0xaf: {  	s7 =	sshll.u32 @!p0 s1, $0xE  }
0xb0: {  	s7 =	sor.u32 @!p0 $0x4000, s7;
	s6 =	simm.s32 @!p0 $0x1B8D  }
0xb1: {  	s5 =	sshll.u32 @!p0 s5, $0x11;
	s7 =	sadd.s32 @!p0 $0x11B8D, s7;
	_ =	swait.eq @!p0 [sflag:s6], $0x1  }
0xb2: {  	s5 =	sor.u32 @!p0 s5, s7;
	[sflag:s6] =	ssyncadd.s32 @!p0 $0xFFFFFFFF  }
0xb3: {  	s25 =	simm.s32 $0x1B8E;
	s24 =	sld [smem:$0x3FFE];
	[sflag:s5] =	ssyncadd.remote.s32 @!p0 $0x1  }
0xb4: {  	s26 =	simm.s32 $execute0_lowered;
	[smem:$0x3FD2] =	sst s25  }
0xb5: {  	s6 =	sshll.u32 s26, $0x1;
	_ =	strace $0x80000055;
	[dreg:$0x1] =	wrdreg $0xFFFFFFFF  }
0xb6: {  	s28 =	simm.s32 $_size_execute0_lowered;
	s4 =	sadd.s32 s4, s6;
	[dreg:$0x0] =	wrdreg $0x0  }
0xb7: {  	s6 =	sshll.u32 s28, $0x1;
	[dreg:$0x2] =	wrdreg s4  }
0xb8: {  	[dreg:$0x3] =	wrdreg s6  }
0xb9: {  	[dreg:$0x4] =	wrdreg $0xC0  }
0xba: {  	_ =	task [dreg:s22], $0x5FFFF  }
0xbb: {  	[dreg:$0x1] =	wrdreg $0xFFFFFFFF  }
0xbc: {  	[dreg:$0x0] =	wrdreg $0x60  }
0xbd: {  	[dreg:$0x2] =	wrdreg s18  }
0xbe: {  	[dreg:$0x3] =	wrdreg s24  }
0xbf: {  	[dreg:$0x4] =	wrdreg $0x11  }
0xc0: {  	_ =	task.clear_ibuf [dreg:s22], $0x5FFFF;
	_ =	strace $0x90000055  }
0xc1: {  	s29 =	simm.s32 $0x11;
	_ =	strace $0x80000057  }
0xc2: {  	_ =	swait.ge [sflag:s29], $0x1  }
0xc3: {  	[sflag:s29] =	ssyncadd.s32 $0xFFFFFFFF  }
0xc4: {  	_ =	strace $0x90000057  }
0xc5: {  	_ =	sfence  }
0xc6: {  	s30 =	sld [smem:$0x0];
	_ =	sdelay $0x2  }
0xc7: {  	s31 =	sshll.u32 s1, $0xD;
	s1 =	sshrl.u32 s1, $0x2  }
0xc8: {  	s4 =	sand.u32 $0x4000, s31;
	s1 =	sadd.s32 s1, s30  }
0xc9: {  	s0 =	sor.u32 s4, s0;
	s1 =	sshll.u32 s1, $0x11  }
0xca: {  	s0 =	sor.u32 s1, s0  }
0xcb: {  	s0 =	sadd.s32 $0x8F2B, s0  }
0xcc: {  	[sflag:s0] =	ssyncadd.remote.s32 $0x1  }
0xcd: {  	_ =	sfence.sel $0xFFFF  }
0xce: {  	[dreg:$0x0] =	wrdreg $0xFFFFFFFF;
	(pc) =	sbr.abs _section_cstart, $3  }
0xcf: {  	[dreg:$0x1] =	wrdreg $0xFFFFFFFF  }
0xd0: {  	_ =	task.clear_ibuf [dreg:s22], $0x2FFFF;
	_ =	strace $0x9FFFFFFF  }
0xd1: {  	(tm) =	ssettm $0x7FFFFFFF  }
tec
execute0_lowered:
.L_overlay_start_1:
0x0: {  	(tag) =	ssettag $0x1  }
0x1: {  	s1 =	srdreg.scid;
	s2 =	rddreg [dreg:$0x0]  }
0x2: {  	s0 =	stileid.u32;
	s5 =	rddreg [dreg:$0x1];
	s6 =	simm.s32 $0x1  }
0x3: {  	s9 =	simm.s32 $0x1;
	s10 =	simm.s32 $0x3;
	s1 =	sshll.u32 s1, $0x9  }
0x4: {  	s13 =	simm.s32 $0x0;
	s3 =	sshll.u32 s0, $0xA;
	s4 =	sand.u32 $0x200, s1  }
0x5: {  	s12 =	simm.s32 $0x0;
	s1 =	rddreg [dreg:$0x2];
	s3 =	sor.u32 s3, s4  }
0x6: {  	_ =	strace $0x80000056;
	s4 =	sadd.s32 $0x85200, s5;
	s8 =	ssub.s32 $0x8000, s3  }
.Ltmp0:
0x7: {  	s5 =	sadd.s32 $0x8EA00, s5;
	s7 =	sand.u32 $0x3E00, s8;
	(pc) =	sbr.rel .LBB2_1-.Ltmp0, $4  }
0x8: {  	[sflag:s6] =	ssyncpa.u1 $0x0;
	s11 =	smov.u32 s3;
	p0 =	sne.s32 s7, $0x0  }
0x9: {  	s8 =	sshrl.u32 s8, $0xE;
	s7 =	simm.s32 $0x2;
	s9 =	simm.s32 @!p0 $0x0  }
0xa: {  	[sflag:s7] =	ssyncpa.u1 $0x0;
	p0 =	por $0x0, $0x0;
	s8 =	sadd.s32 s9, s8  }
0xb: {  	vm0 =	vmmov $0xffff;
	[sflag:s10] =	ssyncpa.u1 $0x0;
	s10 =	simm.s32 $0x0;
	s9 =	sadd.s32 $0x1, s8  }
.LBB2_4:
0xc: {  	v2 =	vnsel vm1, $0x0, v2  }
0xd: {  	vm1 =	vgt.s32 v0, $0x0;
	v2 =	vmin.u32 v2, $0x7FFF  }
0xe: {  	v0 =	vnsel vm1, $0x0, v0  }
0xf: {  	v0 =	vmin.u32 v0, $0x7FFF  }
0x10: {  	[tilespmem:s15], [sflag:$0x1] =	stream.indirect_vreg.gather [hbm4b:s2+s10], $0x1, v1, vm0, $0x4038;
	[tilespmem:$0x800] =	vst v63  }
0x11: {  	(ifvalue) =	ssetifvalue $0x7FFFFFFF  }
0x12: {  	[tilespmem:s16], [sflag:$0x1] =	stream.indirect_vreg.gather [hbm4b:s2+s10], $0x1, v2, vm0, $0x4038;
	[tilespmem:$0x800] =	vst v63  }
0x13: {  	s29 =	sadd.s32 $0x10, s16;
	(ifvalue) =	ssetifvalue $0x7FFFFFFF  }
0x14: {  	[tilespmem:s29], [sflag:$0x1] =	stream.indirect_vreg.gather [hbm4b:s2+s10], $0x1, v0, vm0, $0x4038;
	[tilespmem:$0x800] =	vst v63  }
0x15: {  	_ =	swait.ge [sflag:s6], $0x200  }
0x16: {  	s30 =	sshrl.u32 s13, $0x3;
	[sflag:s6] =	ssyncset.done $0x0  }
0x17: {  	s31 =	sand.u32 $0x7, s13;
	s15 =	sadd.s32 s5, s30;
	[sflag:s6] =	ssyncadd.s32 $0xFFFFFE00  }
0x18: {  	[hbm4b:s15+s31] =	stream.linear.scatter [tilespmem:s14], [sflag:$0x3], $0x200, $0x38;
	[tilespmem:$0x800] =	vst v63  }
.LBB2_5:
0x19: {  	s15 =	sadd.s32 $0x4000, s11  }
0x1a: {  	p2 =	sgt.s32 s15, $0x7FFF  }
0x1b: {  	s15 =	smov.u32 @p2 s3;
	p2 =	sne.s32 s12, s9  }
.Ltmp1:
0x1c: {  	p1 =	slt.u32 s12, $0x2;
	(pc) =	sbr.rel @!p2 .LBB2_6-.Ltmp1, $4  }
0x1d: {  	s14 =	simm.s32 @!p1 $0x3  }
0x1e: {  	s16 =	sadd.s32 $0x1, s12;
	_ =	swait.ge @!p1 [sflag:s14], $0x200  }
0x1f: {  	s13 =	smov.u32 s11;
	p0 =	por !p0, !p0;
	[sflag:s14] =	ssyncset.done @!p1 $0x0  }
0x20: {  	s12 =	smov.u32 s16;
	s11 =	smov.u32 s15;
	[sflag:s14] =	ssyncadd.s32 @!p1 $0xFFFFFE00  }
.LBB2_1:
0x21: {  	p1 =	sge.u32 s12, s8  }
0x22: {  	s14 =	sxor.u32 @!p1 $0xFFFFFFFF, s12  }
0x23: {  	s31 =	sadd.s32 $0xFFFFFFFF, s12;
	s15 =	sshrl.u32 @!p1 s11, $0x3;
	s14 =	sshll.u32 @!p1 s14, $0x9  }
0x24: {  	s16 =	sand.u32 @!p1 $0x7, s11;
	s15 =	sadd.s32 @!p1 s4, s15;
	s14 =	sand.u32 @!p1 $0x200, s14  }
0x25: {  	[tilespmem:s14], [sflag:$0x2] =	stream.linear.gather @!p1 [hbm4b:s15+s16], $0x200, $0x38;
	[tilespmem:$0x800] =	vst v63  }
0x26: {  	p1 =	sge.u32 s31, s8  }
.Ltmp2:
0x27: {  	_ = 	snop;
	(pc) =	sbr.rel @p1 .LBB2_5-.Ltmp2, $1  }
0x28: {  	_ =	sdelay $0x3  }
0x29: {  	s14 =	simm.s32 $0x1  }
0x2a: {  	_ =	swait.ge [sflag:s7], $0x200;
	s14 =	simm.s32 @!p0 $0x0  }
0x2b: {  	[sflag:s7] =	ssyncset.done $0x0;
	s14 =	sshll.u32 s14, $0x9  }
0x2c: {  	[sflag:s7] =	ssyncadd.s32 $0xFFFFFE00;
	(ifvalue) =	ssetifvalue $0x7FFFFFFF;
	v0 =	vld.msk [tilespmem:s14+$0x0 ss:$0x1], $0xffff;
	_ =	sdelay $0x4  }
0x2d: {  	s15 =	sadd.s32 $0x10, s14;
	vm1 =	vgt.s32 v0, $0x0  }
0x2e: {  	v2 =	vld.msk [tilespmem:s15+$0x0 ss:$0x1], $0xffff;
	v1 =	vnsel vm1, $0x0, v0  }
0x2f: {  	v1 =	vmin.u32 v1, $0x7FFF;
	_ =	sdelay $0x1  }
0x30: {  	s16 =	sshll.u32 s12, $0x9;
	s18 =	simm.s32 $0x20  }
0x31: {  	s16 =	sand.u32 $0x200, s16;
	s17 =	sadd.s32 $0x10, s15;
	s15 =	sor.u32 $0x400, s14  }
0x32: {  	s14 =	sor.u32 $0x400, s16;
	s16 =	sadd.s32 $0x10, s15;
	v0 =	vld.msk [tilespmem:s17+$0x0 ss:$0x1], $0xffff;
	vm1 =	vgt.s32 v2, $0x0;
	(ifvalue) =	ssetifvalue $0x7FFFFFFF  }
.LBB2_3:
0x33: {  	[tilespmem:s15], [sflag:$0x1] =	stream.indirect_vreg.gather [hbm4b:s2+s10], $0x1, v1, vm0, $0x4038;
	[tilespmem:$0x800] =	vst v63  }
0x34: {  	s18 =	sadd.s32 $0x10, s18  }
0x35: {  	v2 =	vnsel vm1, $0x0, v2;
	p1 =	slt.u32 s18, $0x1F0  }
.Ltmp3:
0x36: {  	s15 =	smov.u32 s16;
	v1 =	vmin.u32 v2, $0x7FFF;
	(pc) =	sbr.rel @p1 .LBB2_3-.Ltmp3, $3  }
0x37: {  	_ =	sdelay $0x1  }
0x38: {  	s17 =	sadd.s32 $0x10, s17  }
0x39: {  	vm1 =	vgt.s32 v0, $0x0;
	s16 =	sadd.s32 $0x10, s16;
	v2 =	vmov v0;
	(ifvalue) =	ssetifvalue $0x7FFFFFFF;
	v0 =	vld.msk [tilespmem:s17+$0x0 ss:$0x1], $0xffff  }
.Ltmp4:
0x3a: {  	_ = 	snop;
	(pc) =	sbr.rel .LBB2_4-.Ltmp4, $1  }
0x3b: {  	_ =	sdelay $0x3  }
.LBB2_6:
0x3c: {  	_ =	sfence.sel $0x180000  }
0x3d: {  	s2 =	simm.s32 $0x2;
	[bflag:$0x0] =	sbarrier.arrive $0xFFFF  }
0x3e: {  	s30 =	simm.s32 $0x3;
	[sflag:s2] =	ssyncpa.u1 $0x1  }
0x3f: {  	s31 =	simm.s32 $0x1;
	[sflag:s30] =	ssyncpa.u1 $0x1  }
0x40: {  	[sflag:s31] =	ssyncpa.u1 $0x1  }
0x41: {  	p0 =	sne.s32 s0, $0x0;
	_ =	strace $0x90000056  }
0x42: {  	s0 =	sadd.s32 @!p0 $0x100000, s1;
	[bflag:$0x2] =	sbarrier.arrive $0xFFFF  }
0x43: {  	[sflag:s0] =	ssyncadd.tile.s32 @!p0 $0x1;
	_ =	shalt  }
.Lfunc_end2:
_tile_overlayer_lowered:
.L_overlay_start_2:
0x44: {  	(tag) =	ssettag $0x2  }
0x45: {  	s0 =	rddreg [dreg:$0x0];
	s2 =	stileid.u32  }
0x46: {  	s1 =	rddreg [dreg:$0x1];
	p0 =	sne.s32 s2, $0x0  }
0x47: {  	s3 =	rddreg [dreg:$0x2];
	[bflag:$0x3] =	sbarrier.arrive $0xFFFF;
	s2 =	simm.s32 @!p0 $0x1C01  }
0x48: {  	[timem:s3], [sflag:s2] =	dma.local @!p0 [hbm:s0], s1  }
0x49: {  	s0 =	simm.s32 @!p0 $0x1  }
0x4a: {  	_ =	swait.ge @!p0 [sflag:s0], s1  }
0x4b: {  	s1 =	ssub.s32 @!p0 $0x0, s1;
	[sflag:s0] =	ssyncset.done @!p0 $0x0  }
0x4c: {  	[sflag:s0] =	ssyncadd.s32 @!p0 s1  }
0x4d: {  	[bflag:$0x3] =	sbarrier.arrive $0xFFFF  }
0x4e: {  	_ =	shalt  }

// kernel: gather_offload_async_start.9
scs
__scs_entry_jumppad:
0x0: {  	(pc) =	sbr.rel $0x88, $3  }
0x1: {  	(tag) =	ssettag $0x0;
	lr =	simm.s32 $0x1  }
0x2: {  	[smem:$0x3F93] =	sst lr;
	_ =	strace $0xD0000000  }
0x3: {  	_ = 	snop  }
0x4: {  	_ = 	snop  }
0x5: {  	_ = 	snop  }
0x6: {  	_ = 	snop  }
0x7: {  	_ = 	snop  }
__scs_overlays_trampoline_lowered:
0x8: {  	[smem:$0x3FA2] =	sst s0  }
0x9: {  	[smem:$0x3FA3] =	sst s1  }
0xa: {  	[smem:$0x3FA4] =	sst s2  }
0xb: {  	[smem:$0x3FA5] =	sst s3  }
0xc: {  	[smem:$0x3FA6] =	sst s4  }
0xd: {  	[smem:$0x3FA7] =	sst s5  }
0xe: {  	[smem:$0x3FA8] =	sst s6  }
0xf: {  	[smem:$0x3FA9] =	sst s7  }
0x10: {  	[smem:$0x3FAA] =	sst s8  }
0x11: {  	[smem:$0x3FAB] =	sst s9;
	s0 =	simm.s32 @!p0 $0x0  }
0x12: {  	s1 =	sld [smem:$0x3F91];
	s0 =	simm.s32 @p0 $0x1  }
0x13: {  	[smem:$0x3FAC] =	sst s0;
	s0 =	simm.s32 @!p1 $0x0  }
0x14: {  	s2 =	sld [smem:$0x3F90];
	s0 =	simm.s32 @p1 $0x1  }
0x15: {  	[smem:$0x3FAD] =	sst s0;
	s0 =	simm.s32 @!p2 $0x0  }
0x16: {  	s3 =	sld [smem:$0x3FDB];
	s0 =	simm.s32 @p2 $0x1  }
0x17: {  	s4 =	simm.s32 $0x1BF5;
	[smem:$0x3FAF] =	sst s0  }
0x18: {  	s0 =	sld [smem:$0x3F92];
	_ =	swait.ge [sflag:s4], $0x0  }
0x19: {  	s7 =	sld [smem:$0x3F93]  }
0x1a: {  	s8 =	sadd.s32 $0xFFFFE003, lr  }
0x1b: {  	s9 =	sadd.s32 $0xFFFFFEF7, lr;
	s5 =	simm.s32 $0xFFFFFFFF;
	p2 =	slt.u32 s8, $0xFFFFF086  }
0x1c: {  	p1 =	slt.u32 s9, $0xF7A;
	s5 =	simm.s32 @!p2 $0x0  }
0x1d: {  	s5 =	simm.s32 @p1 $0x1;
	p0 =	seq.s32 s7, s2  }
0x1e: {  	s7 =	smul.u32 @!p0 $0xF7A, s2;
	p2 =	seq.s32 @!p0 s5, $0x0  }
0x1f: {  	s9 =	smul.u32 $0xF7A, s1;
	s8 =	simm.s32 @!p0 $0x1BF5;
	p2 =	por !p2, p0  }
0x20: {  	[sflag:s8] =	ssyncset.s32 @!p0 $0xFFFFF086;
	s6 =	sadd.s32 @!p0 s3, s7;
	s7 =	simm.s32 @!p0 $0x108  }
0x21: {  	s3 =	sadd.s32 s3, s9;
	s6 =	sadd.s32 @!p0 $0x88, s6;
	s7 =	simm.s32 @p2 $0x1082  }
0x22: {  	[simem:s7], [sflag:s8] =	dma.local @!p0 [hbm:s6], $0xF7A  }
0x23: {  	s9 =	sor.u32 $0xD0000000, s2;
	s6 =	simm.s32 $0x108;
	_ =	swait.ge @!p0 [sflag:s8], $0x0  }
0x24: {  	s3 =	sadd.s32 $0x88, s3;
	s6 =	simm.s32 @!p1 $0x1082;
	[sflag:s4] =	ssyncset.s32 $0xFFFFF086  }
0x25: {  	[simem:s6], [sflag:s4] =	dma.local [hbm:s3], $0xF7A  }
0x26: {  	[smem:$0x3F93] =	sst s1;
	(tag) =	ssettag s2;
	_ =	strace s9  }
0x27: {  	s1 =	sld [smem:$0x3FA3]  }
0x28: {  	s2 =	sld [smem:$0x3FA4]  }
0x29: {  	s4 =	sld [smem:$0x3FA6]  }
0x2a: {  	p0 =	seq.s32 s5, $0x0;
	s5 =	sld [smem:$0x3FA7]  }
0x2b: {  	s6 =	sld [smem:$0x3FA8]  }
0x2c: {  	s7 =	sld [smem:$0x3FA9]  }
0x2d: {  	s3 =	simm.s32 $0x108;
	s8 =	sld [smem:$0x3FAA]  }
0x2e: {  	s3 =	simm.s32 @!p0 $0x1082;
	s9 =	sld [smem:$0x3FAB]  }
0x2f: {  	lr =	sadd.s32 s0, s3;
	s0 =	sld [smem:$0x3FA2]  }
0x30: {  	s3 =	sld [smem:$0x3FA5]  }
0x31: {  	[smem:$0x3FAE] =	sst s10  }
0x32: {  	s10 =	sld [smem:$0x3FAC];
	_ =	sdelay $0x3  }
0x33: {  	p0 =	seq.s32 s10, $0x1;
	s10 =	sld [smem:$0x3FAE];
	_ =	sdelay $0x3  }
0x34: {  	[smem:$0x3FAE] =	sst s10  }
0x35: {  	s10 =	sld [smem:$0x3FAD];
	_ =	sdelay $0x3  }
0x36: {  	p1 =	seq.s32 s10, $0x1;
	s10 =	sld [smem:$0x3FAE];
	_ =	sdelay $0x3  }
0x37: {  	[smem:$0x3FAE] =	sst s10  }
0x38: {  	s10 =	sld [smem:$0x3FAF]  }
0x39: {  	_ = 	snop;
	(pc) =	sbr.ind lr, $3  }
0x3a: {  	_ = 	snop  }
0x3b: {  	_ = 	snop  }
0x3c: {  	p2 =	seq.s32 s10, $0x1;
	s10 =	sld [smem:$0x3FAE]  }
0x3d: {  	_ =	shalt  }
0x3e: {  	_ =	shalt  }
0x3f: {  	_ =	shalt  }
0x40: {  	_ =	shalt  }
0x41: {  	_ =	shalt  }
0x42: {  	_ =	shalt  }
0x43: {  	_ =	shalt  }
0x44: {  	_ =	shalt  }
0x45: {  	_ =	shalt  }
0x46: {  	_ =	shalt  }
0x47: {  	_ =	shalt  }
0x48: {  	_ =	shalt  }
0x49: {  	_ =	shalt  }
0x4a: {  	_ =	shalt  }
0x4b: {  	_ =	shalt  }
0x4c: {  	_ =	shalt  }
0x4d: {  	_ =	shalt  }
0x4e: {  	_ =	shalt  }
0x4f: {  	_ =	shalt  }
0x50: {  	_ =	shalt  }
0x51: {  	_ =	shalt  }
0x52: {  	_ =	shalt  }
0x53: {  	_ =	shalt  }
0x54: {  	_ =	shalt  }
0x55: {  	_ =	shalt  }
0x56: {  	_ =	shalt  }
0x57: {  	_ =	shalt  }
0x58: {  	_ =	shalt  }
0x59: {  	_ =	shalt  }
0x5a: {  	_ =	shalt  }
0x5b: {  	_ =	shalt  }
0x5c: {  	_ =	shalt  }
0x5d: {  	_ =	shalt  }
0x5e: {  	_ =	shalt  }
0x5f: {  	_ =	shalt  }
0x60: {  	_ =	shalt  }
0x61: {  	_ =	shalt  }
0x62: {  	_ =	shalt  }
0x63: {  	_ =	shalt  }
0x64: {  	_ =	shalt  }
0x65: {  	_ =	shalt  }
0x66: {  	_ =	shalt  }
0x67: {  	_ =	shalt  }
0x68: {  	_ =	shalt  }
0x69: {  	_ =	shalt  }
0x6a: {  	_ =	shalt  }
0x6b: {  	_ =	shalt  }
0x6c: {  	_ =	shalt  }
0x6d: {  	_ =	shalt  }
0x6e: {  	_ =	shalt  }
0x6f: {  	_ =	shalt  }
0x70: {  	_ =	shalt  }
0x71: {  	_ =	shalt  }
0x72: {  	_ =	shalt  }
0x73: {  	_ =	shalt  }
0x74: {  	_ =	shalt  }
0x75: {  	_ =	shalt  }
0x76: {  	_ =	shalt  }
0x77: {  	_ =	shalt  }
0x78: {  	_ =	shalt  }
0x79: {  	_ =	shalt  }
0x7a: {  	_ =	shalt  }
0x7b: {  	_ =	shalt  }
0x7c: {  	_ =	shalt  }
0x7d: {  	_ =	shalt  }
0x7e: {  	_ =	shalt  }
0x7f: {  	_ =	shalt  }
0x80: {  	_ =	shalt  }
0x81: {  	_ =	shalt  }
0x82: {  	_ =	shalt  }
0x83: {  	_ =	shalt  }
0x84: {  	_ =	shalt  }
0x85: {  	_ =	shalt  }
0x86: {  	_ =	shalt  }
0x87: {  	_ =	shalt  }
.Lfunc_end0:
.L_simem_size_0:
called_computation.9_lowered:
.L_overlay_start_0:
0x88: {  	s2 =	sld [smem:$0x3FD9]  }
0x89: {  	s3 =	sld [smem:$0x3FFE];
	_ =	sdelay $0x1  }
0x8a: {  	s1 =	srdreg.scid  }
0x8b: {  	s0 =	sand.u32 $0x1, s1  }
0x8c: {  	s17 =	sshll.u32 s0, $0xA;
	s2 =	sadd.s32 s3, s2  }
0x8d: {  	s2 =	sadd.s32 s2, s17  }
0x8e: {  	[smem:$0x3FBA] =	sst s2  }
0x8f: {  	_ = 	snop  }
0x90: {  	s18 =	sld [smem:$0x3FC3];
	(tm) =	ssettm $0x1  }
0x91: {  	s19 =	sld [smem:$0x3FFB];
	_ =	sdelay $0x3  }
0x92: {  	_ =	strace s19  }
0x93: {  	s2 =	sld [smem:$0x3FFC];
	_ =	sdelay $0x3  }
0x94: {  	_ =	strace s2  }
0x95: {  	s2 =	sld [smem:$0x3FFD];
	_ =	sdelay $0x3  }
0x96: {  	_ =	strace s2  }
0x97: {  	_ =	strace $0x8FFFFFFF  }
0x98: {  	s20 =	sld [smem:$0x3FDB];
	_ =	sdelay $0x1  }
0x99: {  	s4 =	simm.s32 $_scs_section_size  }
0x9a: {  	s5 =	simm.s32 $_size__tile_overlayer_lowered;
	s6 =	simm.s32 $_tile_overlayer_lowered  }
0x9b: {  	s7 =	simm.s32 $0x1BFF;
	s21 =	sshll.u32 s6, $0x1;
	s4 =	sadd.s32 s4, s20  }
0x9c: {  	s22 =	simm.s32 $0x0;
	s5 =	sshll.u32 s5, $0x1;
	s6 =	sadd.s32 s21, s4  }
0x9d: {  	[timem:s22], [sflag:s7] =	dma.local [hbm:s6], s5  }
0x9e: {  	_ =	swait.ge [sflag:s7], s5  }
0x9f: {  	s5 =	ssub.s32 $0x0, s5;
	[sflag:s7] =	ssyncset.done $0x0  }
0xa0: {  	[sflag:s7] =	ssyncadd.s32 s5;
	_ =	sdelay $0x1  }
0xa1: {  	s23 =	simm.s32 $0x1B8B  }
0xa2: {  	_ =	swait.ge [sflag:s23], $0x1  }
0xa3: {  	[sflag:s23] =	ssyncset.done $0x0  }
0xa4: {  	[sflag:s23] =	ssyncadd.s32 $0xFFFFFFFF  }
0xa5: {  	s5 =	sld [smem:$0x0]  }
0xa6: {  	s6 =	sand.u32 $0xFFFFFFFE, s1  }
0xa7: {  	p0 =	sne.s32 s1, s6  }
0xa8: {  	s6 =	sshll.u32 @p0 s6, $0xE  }
0xa9: {  	s6 =	sadd.s32 @p0 $0x11B8D, s6;
	s7 =	sshll.u32 @p0 s5, $0x11  }
0xaa: {  	s6 =	sor.u32 @p0 s7, s6  }
0xab: {  	[sflag:s6] =	ssyncadd.remote.s32 @p0 $0x1;
	_ =	sdelay $0x1  }
0xac: {  	s6 =	simm.s32 @p0 $0x1B8D  }
0xad: {  	_ =	swait.eq @p0 [sflag:s6], $0x1  }
0xae: {  	[sflag:s6] =	ssyncadd.s32 @p0 $0xFFFFFFFF  }
0xaf: {  	s7 =	sshll.u32 @!p0 s1, $0xE  }
0xb0: {  	s7 =	sor.u32 @!p0 $0x4000, s7;
	s6 =	simm.s32 @!p0 $0x1B8D  }
0xb1: {  	s5 =	sshll.u32 @!p0 s5, $0x11;
	s7 =	sadd.s32 @!p0 $0x11B8D, s7;
	_ =	swait.eq @!p0 [sflag:s6], $0x1  }
0xb2: {  	s5 =	sor.u32 @!p0 s5, s7;
	[sflag:s6] =	ssyncadd.s32 @!p0 $0xFFFFFFFF  }
0xb3: {  	s25 =	simm.s32 $0x1B8E;
	s24 =	sld [smem:$0x3FFE];
	[sflag:s5] =	ssyncadd.remote.s32 @!p0 $0x1  }
0xb4: {  	s26 =	simm.s32 $execute0_lowered;
	[smem:$0x3FD2] =	sst s25  }
0xb5: {  	s6 =	sshll.u32 s26, $0x1;
	_ =	strace $0x80000049;
	[dreg:$0x1] =	wrdreg $0xFFFFFFFF  }
0xb6: {  	s28 =	simm.s32 $_size_execute0_lowered;
	s4 =	sadd.s32 s4, s6;
	[dreg:$0x0] =	wrdreg $0x0  }
0xb7: {  	s6 =	sshll.u32 s28, $0x1;
	[dreg:$0x2] =	wrdreg s4  }
0xb8: {  	[dreg:$0x3] =	wrdreg s6  }
0xb9: {  	[dreg:$0x4] =	wrdreg $0xC0  }
0xba: {  	_ =	task [dreg:s22], $0x5FFFF  }
0xbb: {  	[dreg:$0x1] =	wrdreg $0xFFFFFFFF  }
0xbc: {  	[dreg:$0x0] =	wrdreg $0x60  }
0xbd: {  	[dreg:$0x2] =	wrdreg s18  }
0xbe: {  	[dreg:$0x3] =	wrdreg s24  }
0xbf: {  	[dreg:$0x4] =	wrdreg $0x12  }
0xc0: {  	_ =	task.clear_ibuf [dreg:s22], $0x5FFFF;
	_ =	strace $0x90000049  }
0xc1: {  	s29 =	simm.s32 $0x12;
	_ =	strace $0x8000004B  }
0xc2: {  	_ =	swait.ge [sflag:s29], $0x1  }
0xc3: {  	[sflag:s29] =	ssyncadd.s32 $0xFFFFFFFF  }
0xc4: {  	_ =	strace $0x9000004B  }
0xc5: {  	_ =	sfence  }
0xc6: {  	s30 =	sld [smem:$0x0];
	_ =	sdelay $0x2  }
0xc7: {  	s31 =	sshll.u32 s1, $0xD;
	s1 =	sshrl.u32 s1, $0x2  }
0xc8: {  	s4 =	sand.u32 $0x4000, s31;
	s1 =	sadd.s32 s1, s30  }
0xc9: {  	s0 =	sor.u32 s4, s0;
	s1 =	sshll.u32 s1, $0x11  }
0xca: {  	s0 =	sor.u32 s1, s0  }
0xcb: {  	s0 =	sadd.s32 $0x8F2B, s0  }
0xcc: {  	[sflag:s0] =	ssyncadd.remote.s32 $0x1  }
0xcd: {  	_ =	sfence.sel $0xFFFF  }
0xce: {  	[dreg:$0x0] =	wrdreg $0xFFFFFFFF;
	(pc) =	sbr.abs _section_cstart, $3  }
0xcf: {  	[dreg:$0x1] =	wrdreg $0xFFFFFFFF  }
0xd0: {  	_ =	task.clear_ibuf [dreg:s22], $0x2FFFF;
	_ =	strace $0x9FFFFFFF  }
0xd1: {  	(tm) =	ssettm $0x7FFFFFFF  }
tec
execute0_lowered:
.L_overlay_start_1:
0x0: {  	(tag) =	ssettag $0x1  }
0x1: {  	s1 =	srdreg.scid;
	s2 =	rddreg [dreg:$0x0]  }
0x2: {  	s0 =	stileid.u32;
	s5 =	rddreg [dreg:$0x1];
	s6 =	simm.s32 $0x1  }
0x3: {  	s9 =	simm.s32 $0x1;
	s10 =	simm.s32 $0x3;
	s1 =	sshll.u32 s1, $0x9  }
0x4: {  	s13 =	simm.s32 $0x0;
	s3 =	sshll.u32 s0, $0xA;
	s4 =	sand.u32 $0x200, s1  }
0x5: {  	s12 =	simm.s32 $0x0;
	s1 =	rddreg [dreg:$0x2];
	s3 =	sor.u32 s3, s4  }
0x6: {  	_ =	strace $0x8000004A;
	s4 =	sadd.s32 $0x88A00, s5;
	s8 =	ssub.s32 $0x8000, s3  }
.Ltmp0:
0x7: {  	s5 =	sadd.s32 $0x8AA00, s5;
	s7 =	sand.u32 $0x3E00, s8;
	(pc) =	sbr.rel .LBB2_1-.Ltmp0, $4  }
0x8: {  	[sflag:s6] =	ssyncpa.u1 $0x0;
	s11 =	smov.u32 s3;
	p0 =	sne.s32 s7, $0x0  }
0x9: {  	s8 =	sshrl.u32 s8, $0xE;
	s7 =	simm.s32 $0x2;
	s9 =	simm.s32 @!p0 $0x0  }
0xa: {  	[sflag:s7] =	ssyncpa.u1 $0x0;
	p0 =	por $0x0, $0x0;
	s8 =	sadd.s32 s9, s8  }
0xb: {  	vm0 =	vmmov $0xffff;
	[sflag:s10] =	ssyncpa.u1 $0x0;
	s10 =	simm.s32 $0x0;
	s9 =	sadd.s32 $0x1, s8  }
.LBB2_4:
0xc: {  	vm1 =	veq.s32 v0, $0x80000000;
	v63 =	vand.u32 $0x7FFF, v0;
	v2 =	vand.u32 $0xF, v2  }
0xd: {  	v0 =	vsel vm1, $0xFFFFFFFF, v63;
	v2 =	vsel vm1, $0xFFFFFFFF, v2  }
0xe: {  	v3 =	vshll.u32 v2, $0xF;
	v4 =	vshll.u32 v0, $0x3  }
0xf: {  	v2 =	vshll.u32 v2, $0x7;
	v3 =	vand.u32 $0xFFFC0000, v3;
	v4 =	vand.u32 $0xFFFFFC00, v4  }
0x10: {  	v2 =	vand.u32 $0x380, v2;
	v3 =	vadd.s32 v4, v3  }
0x11: {  	v0 =	vand.u32 $0x7F, v0;
	v2 =	vor.u32 v2, v3  }
0x12: {  	v0 =	vor.u32 v0, v2;
	_ =	sdelay $0x1  }
0x13: {  	(ifvalue) =	ssetifvalue $0x7FFFFFFF;
	s14 =	sadd.s32 $0x10, s14  }
0x14: {  	[tilespmem:s14], [sflag:$0x1] =	stream.indirect_vreg.gather [hbm4b:s2+s10], $0x1, v1, vm0, $0x4038;
	[tilespmem:$0x800] =	vst v63  }
0x15: {  	(ifvalue) =	ssetifvalue $0x7FFFFFFF;
	s14 =	sadd.s32 $0x10, s14  }
0x16: {  	[tilespmem:s14], [sflag:$0x1] =	stream.indirect_vreg.gather [hbm4b:s2+s10], $0x1, v0, vm0, $0x4038;
	[tilespmem:$0x800] =	vst v63  }
0x17: {  	_ =	swait.ge [sflag:s6], $0x200  }
0x18: {  	s30 =	sshrl.u32 s13, $0x3;
	[sflag:s6] =	ssyncset.done $0x0  }
0x19: {  	s31 =	sand.u32 $0x7, s13;
	s14 =	sadd.s32 s5, s30;
	[sflag:s6] =	ssyncadd.s32 $0xFFFFFE00  }
0x1a: {  	[hbm4b:s14+s31] =	stream.linear.scatter [tilespmem:s15], [sflag:$0x3], $0x200, $0x38;
	[tilespmem:$0x800] =	vst v63  }
.LBB2_5:
0x1b: {  	s15 =	sadd.s32 $0x4000, s11  }
0x1c: {  	p2 =	sgt.s32 s15, $0x7FFF  }
0x1d: {  	s15 =	smov.u32 @p2 s3;
	p2 =	sne.s32 s12, s9  }
.Ltmp1:
0x1e: {  	p1 =	slt.u32 s12, $0x2;
	(pc) =	sbr.rel @!p2 .LBB2_6-.Ltmp1, $4  }
0x1f: {  	s14 =	simm.s32 @!p1 $0x3  }
0x20: {  	s16 =	sadd.s32 $0x1, s12;
	_ =	swait.ge @!p1 [sflag:s14], $0x200  }
0x21: {  	s13 =	smov.u32 s11;
	p0 =	por !p0, !p0;
	[sflag:s14] =	ssyncset.done @!p1 $0x0  }
0x22: {  	s12 =	smov.u32 s16;
	s11 =	smov.u32 s15;
	[sflag:s14] =	ssyncadd.s32 @!p1 $0xFFFFFE00  }
.LBB2_1:
0x23: {  	p1 =	sge.u32 s12, s8  }
0x24: {  	s14 =	sxor.u32 @!p1 $0xFFFFFFFF, s12  }
0x25: {  	s31 =	sadd.s32 $0xFFFFFFFF, s12;
	s15 =	sshrl.u32 @!p1 s11, $0x3;
	s14 =	sshll.u32 @!p1 s14, $0x9  }
0x26: {  	s16 =	sand.u32 @!p1 $0x7, s11;
	s15 =	sadd.s32 @!p1 s4, s15;
	s14 =	sand.u32 @!p1 $0x200, s14  }
0x27: {  	[tilespmem:s14], [sflag:$0x2] =	stream.linear.gather @!p1 [hbm4b:s15+s16], $0x200, $0x38;
	[tilespmem:$0x800] =	vst v63  }
0x28: {  	p1 =	sge.u32 s31, s8  }
.Ltmp2:
0x29: {  	_ = 	snop;
	(pc) =	sbr.rel @p1 .LBB2_5-.Ltmp2, $1  }
0x2a: {  	_ =	sdelay $0x3  }
0x2b: {  	s14 =	simm.s32 $0x1  }
0x2c: {  	_ =	swait.ge [sflag:s7], $0x200;
	s14 =	simm.s32 @!p0 $0x0  }
0x2d: {  	[sflag:s7] =	ssyncset.done $0x0;
	s14 =	sshll.u32 s14, $0x9  }
0x2e: {  	[sflag:s7] =	ssyncadd.s32 $0xFFFFFE00;
	(ifvalue) =	ssetifvalue $0x7FFFFFFF;
	v0 =	vld.msk [tilespmem:s14+$0x0 ss:$0x1], $0xffff;
	_ =	sdelay $0x4  }
0x2f: {  	s15 =	sadd.s32 $0x10, s14;
	v1 =	vshrl.u32 v0, $0xF  }
0x30: {  	v2 =	vld.msk [tilespmem:s15+$0x0 ss:$0x1], $0xffff;
	vm1 =	veq.s32 v0, $0x80000000;
	v0 =	vand.u32 $0x7FFF, v0;
	v1 =	vand.u32 $0xF, v1  }
0x31: {  	v0 =	vsel vm1, $0xFFFFFFFF, v0;
	v1 =	vsel vm1, $0xFFFFFFFF, v1  }
0x32: {  	v4 =	vshll.u32 v0, $0x3;
	v3 =	vshll.u32 v1, $0xF  }
0x33: {  	v4 =	vand.u32 $0xFFFFFC00, v4;
	v1 =	vshll.u32 v1, $0x7;
	v3 =	vand.u32 $0xFFFC0000, v3  }
0x34: {  	v0 =	vand.u32 $0x7F, v0;
	v1 =	vand.u32 $0x380, v1;
	v3 =	vadd.s32 v4, v3  }
0x35: {  	vm1 =	veq.s32 v2, $0x80000000;
	v1 =	vor.u32 v1, v3;
	v3 =	vshrl.u32 v2, $0xF  }
0x36: {  	s17 =	sadd.s32 $0x10, s15;
	v2 =	vand.u32 $0x7FFF, v2;
	v1 =	vor.u32 v0, v1;
	v3 =	vand.u32 $0xF, v3  }
0x37: {  	v0 =	vld.msk [tilespmem:s17+$0x0 ss:$0x1], $0xffff;
	v2 =	vsel vm1, $0xFFFFFFFF, v2;
	v3 =	vsel vm1, $0xFFFFFFFF, v3  }
0x38: {  	v5 =	vshll.u32 v2, $0x3;
	v63 =	vshll.u32 v3, $0xF  }
0x39: {  	s31 =	sshll.u32 s12, $0x9;
	v5 =	vand.u32 $0xFFFFFC00, v5;
	v3 =	vshll.u32 v3, $0x7;
	v4 =	vand.u32 $0xFFFC0000, v63  }
0x3a: {  	s14 =	sor.u32 $0x400, s14;
	s15 =	sand.u32 $0x200, s31;
	(ifvalue) =	ssetifvalue $0x7FFFFFFF;
	v3 =	vand.u32 $0x380, v3;
	v4 =	vadd.s32 v5, v4  }
0x3b: {  	[tilespmem:s14], [sflag:$0x1] =	stream.indirect_vreg.gather [hbm4b:s2+s10], $0x1, v1, vm0, $0x4038;
	v1 =	vand.u32 $0x7F, v2;
	v3 =	vor.u32 v3, v4;
	[tilespmem:$0x800] =	vst v63  }
0x3c: {  	s16 =	simm.s32 $0x20;
	s15 =	sor.u32 $0x400, s15;
	s17 =	sadd.s32 $0x10, s17;
	v2 =	vshrl.u32 v0, $0xF;
	v1 =	vor.u32 v1, v3  }
.LBB2_3:
0x3d: {  	s16 =	sadd.s32 $0x10, s16;
	vm1 =	veq.s32 v0, $0x80000000;
	v3 =	vand.u32 $0x7FFF, v0;
	v0 =	vld.msk [tilespmem:s17+$0x0 ss:$0x1], $0xffff;
	v2 =	vand.u32 $0xF, v2  }
0x3e: {  	p1 =	slt.u32 s16, $0x1F0;
	v3 =	vsel vm1, $0xFFFFFFFF, v3;
	v2 =	vsel vm1, $0xFFFFFFFF, v2  }
.Ltmp3:
0x3f: {  	v4 =	vshll.u32 v2, $0xF;
	v5 =	vshll.u32 v3, $0x3;
	(pc) =	sbr.rel @p1 .LBB2_3-.Ltmp3, $4  }
0x40: {  	s14 =	sadd.s32 $0x10, s14;
	v2 =	vshll.u32 v2, $0x7;
	v4 =	vand.u32 $0xFFFC0000, v4;
	v5 =	vand.u32 $0xFFFFFC00, v5;
	(ifvalue) =	ssetifvalue $0x7FFFFFFF  }
0x41: {  	v2 =	vand.u32 $0x380, v2;
	v4 =	vadd.s32 v5, v4;
	[tilespmem:s14], [sflag:$0x1] =	stream.indirect_vreg.gather [hbm4b:s2+s10], $0x1, v1, vm0, $0x4038;
	[tilespmem:$0x800] =	vst v63  }
0x42: {  	v1 =	vand.u32 $0x7F, v3;
	v3 =	vor.u32 v2, v4  }
0x43: {  	s17 =	sadd.s32 $0x10, s17;
	v2 =	vshrl.u32 v0, $0xF;
	v1 =	vor.u32 v1, v3  }
.Ltmp4:
0x44: {  	_ = 	snop;
	(pc) =	sbr.rel .LBB2_4-.Ltmp4, $1  }
0x45: {  	_ =	sdelay $0x3  }
.LBB2_6:
0x46: {  	_ =	sfence.sel $0x180000  }
0x47: {  	s2 =	simm.s32 $0x2;
	[bflag:$0x0] =	sbarrier.arrive $0xFFFF  }
0x48: {  	s30 =	simm.s32 $0x3;
	[sflag:s2] =	ssyncpa.u1 $0x1  }
0x49: {  	s31 =	simm.s32 $0x1;
	[sflag:s30] =	ssyncpa.u1 $0x1  }
0x4a: {  	[sflag:s31] =	ssyncpa.u1 $0x1  }
0x4b: {  	p0 =	sne.s32 s0, $0x0;
	_ =	strace $0x9000004A  }
0x4c: {  	s0 =	sadd.s32 @!p0 $0x100000, s1;
	[bflag:$0x2] =	sbarrier.arrive $0xFFFF  }
0x4d: {  	[sflag:s0] =	ssyncadd.tile.s32 @!p0 $0x1;
	_ =	shalt  }
.Lfunc_end2:
_tile_overlayer_lowered:
.L_overlay_start_2:
0x4e: {  	(tag) =	ssettag $0x2  }
0x4f: {  	s0 =	rddreg [dreg:$0x0];
	s2 =	stileid.u32  }
0x50: {  	s1 =	rddreg [dreg:$0x1];
	p0 =	sne.s32 s2, $0x0  }
0x51: {  	s3 =	rddreg [dreg:$0x2];
	[bflag:$0x3] =	sbarrier.arrive $0xFFFF;
	s2 =	simm.s32 @!p0 $0x1C01  }
0x52: {  	[timem:s3], [sflag:s2] =	dma.local @!p0 [hbm:s0], s1  }
0x53: {  	s0 =	simm.s32 @!p0 $0x1  }
0x54: {  	_ =	swait.ge @!p0 [sflag:s0], s1  }
0x55: {  	s1 =	ssub.s32 @!p0 $0x0, s1;
	[sflag:s0] =	ssyncset.done @!p0 $0x0  }
0x56: {  	[sflag:s0] =	ssyncadd.s32 @!p0 s1  }
0x57: {  	[bflag:$0x3] =	sbarrier.arrive $0xFFFF  }
0x58: {  	_ =	shalt  }

// kernel: gather_offload_async_start
scs
__scs_entry_jumppad:
0x0: {  	(pc) =	sbr.rel $0x88, $3  }
0x1: {  	(tag) =	ssettag $0x0;
	lr =	simm.s32 $0x1  }
0x2: {  	[smem:$0x3F93] =	sst lr;
	_ =	strace $0xD0000000  }
0x3: {  	_ = 	snop  }
0x4: {  	_ = 	snop  }
0x5: {  	_ = 	snop  }
0x6: {  	_ = 	snop  }
0x7: {  	_ = 	snop  }
__scs_overlays_trampoline_lowered:
0x8: {  	[smem:$0x3FA2] =	sst s0  }
0x9: {  	[smem:$0x3FA3] =	sst s1  }
0xa: {  	[smem:$0x3FA4] =	sst s2  }
0xb: {  	[smem:$0x3FA5] =	sst s3  }
0xc: {  	[smem:$0x3FA6] =	sst s4  }
0xd: {  	[smem:$0x3FA7] =	sst s5  }
0xe: {  	[smem:$0x3FA8] =	sst s6  }
0xf: {  	[smem:$0x3FA9] =	sst s7  }
0x10: {  	[smem:$0x3FAA] =	sst s8  }
0x11: {  	[smem:$0x3FAB] =	sst s9;
	s0 =	simm.s32 @!p0 $0x0  }
0x12: {  	s1 =	sld [smem:$0x3F91];
	s0 =	simm.s32 @p0 $0x1  }
0x13: {  	[smem:$0x3FAC] =	sst s0;
	s0 =	simm.s32 @!p1 $0x0  }
0x14: {  	s2 =	sld [smem:$0x3F90];
	s0 =	simm.s32 @p1 $0x1  }
0x15: {  	[smem:$0x3FAD] =	sst s0;
	s0 =	simm.s32 @!p2 $0x0  }
0x16: {  	s3 =	sld [smem:$0x3FDB];
	s0 =	simm.s32 @p2 $0x1  }
0x17: {  	s4 =	simm.s32 $0x1BF5;
	[smem:$0x3FAF] =	sst s0  }
0x18: {  	s0 =	sld [smem:$0x3F92];
	_ =	swait.ge [sflag:s4], $0x0  }
0x19: {  	s7 =	sld [smem:$0x3F93]  }
0x1a: {  	s8 =	sadd.s32 $0xFFFFE003, lr  }
0x1b: {  	s9 =	sadd.s32 $0xFFFFFEF7, lr;
	s5 =	simm.s32 $0xFFFFFFFF;
	p2 =	slt.u32 s8, $0xFFFFF086  }
0x1c: {  	p1 =	slt.u32 s9, $0xF7A;
	s5 =	simm.s32 @!p2 $0x0  }
0x1d: {  	s5 =	simm.s32 @p1 $0x1;
	p0 =	seq.s32 s7, s2  }
0x1e: {  	s7 =	smul.u32 @!p0 $0xF7A, s2;
	p2 =	seq.s32 @!p0 s5, $0x0  }
0x1f: {  	s9 =	smul.u32 $0xF7A, s1;
	s8 =	simm.s32 @!p0 $0x1BF5;
	p2 =	por !p2, p0  }
0x20: {  	[sflag:s8] =	ssyncset.s32 @!p0 $0xFFFFF086;
	s6 =	sadd.s32 @!p0 s3, s7;
	s7 =	simm.s32 @!p0 $0x108  }
0x21: {  	s3 =	sadd.s32 s3, s9;
	s6 =	sadd.s32 @!p0 $0x88, s6;
	s7 =	simm.s32 @p2 $0x1082  }
0x22: {  	[simem:s7], [sflag:s8] =	dma.local @!p0 [hbm:s6], $0xF7A  }
0x23: {  	s9 =	sor.u32 $0xD0000000, s2;
	s6 =	simm.s32 $0x108;
	_ =	swait.ge @!p0 [sflag:s8], $0x0  }
0x24: {  	s3 =	sadd.s32 $0x88, s3;
	s6 =	simm.s32 @!p1 $0x1082;
	[sflag:s4] =	ssyncset.s32 $0xFFFFF086  }
0x25: {  	[simem:s6], [sflag:s4] =	dma.local [hbm:s3], $0xF7A  }
0x26: {  	[smem:$0x3F93] =	sst s1;
	(tag) =	ssettag s2;
	_ =	strace s9  }
0x27: {  	s1 =	sld [smem:$0x3FA3]  }
0x28: {  	s2 =	sld [smem:$0x3FA4]  }
0x29: {  	s4 =	sld [smem:$0x3FA6]  }
0x2a: {  	p0 =	seq.s32 s5, $0x0;
	s5 =	sld [smem:$0x3FA7]  }
0x2b: {  	s6 =	sld [smem:$0x3FA8]  }
0x2c: {  	s7 =	sld [smem:$0x3FA9]  }
0x2d: {  	s3 =	simm.s32 $0x108;
	s8 =	sld [smem:$0x3FAA]  }
0x2e: {  	s3 =	simm.s32 @!p0 $0x1082;
	s9 =	sld [smem:$0x3FAB]  }
0x2f: {  	lr =	sadd.s32 s0, s3;
	s0 =	sld [smem:$0x3FA2]  }
0x30: {  	s3 =	sld [smem:$0x3FA5]  }
0x31: {  	[smem:$0x3FAE] =	sst s10  }
0x32: {  	s10 =	sld [smem:$0x3FAC];
	_ =	sdelay $0x3  }
0x33: {  	p0 =	seq.s32 s10, $0x1;
	s10 =	sld [smem:$0x3FAE];
	_ =	sdelay $0x3  }
0x34: {  	[smem:$0x3FAE] =	sst s10  }
0x35: {  	s10 =	sld [smem:$0x3FAD];
	_ =	sdelay $0x3  }
0x36: {  	p1 =	seq.s32 s10, $0x1;
	s10 =	sld [smem:$0x3FAE];
	_ =	sdelay $0x3  }
0x37: {  	[smem:$0x3FAE] =	sst s10  }
0x38: {  	s10 =	sld [smem:$0x3FAF]  }
0x39: {  	_ = 	snop;
	(pc) =	sbr.ind lr, $3  }
0x3a: {  	_ = 	snop  }
0x3b: {  	_ = 	snop  }
0x3c: {  	p2 =	seq.s32 s10, $0x1;
	s10 =	sld [smem:$0x3FAE]  }
0x3d: {  	_ =	shalt  }
0x3e: {  	_ =	shalt  }
0x3f: {  	_ =	shalt  }
0x40: {  	_ =	shalt  }
0x41: {  	_ =	shalt  }
0x42: {  	_ =	shalt  }
0x43: {  	_ =	shalt  }
0x44: {  	_ =	shalt  }
0x45: {  	_ =	shalt  }
0x46: {  	_ =	shalt  }
0x47: {  	_ =	shalt  }
0x48: {  	_ =	shalt  }
0x49: {  	_ =	shalt  }
0x4a: {  	_ =	shalt  }
0x4b: {  	_ =	shalt  }
0x4c: {  	_ =	shalt  }
0x4d: {  	_ =	shalt  }
0x4e: {  	_ =	shalt  }
0x4f: {  	_ =	shalt  }
0x50: {  	_ =	shalt  }
0x51: {  	_ =	shalt  }
0x52: {  	_ =	shalt  }
0x53: {  	_ =	shalt  }
0x54: {  	_ =	shalt  }
0x55: {  	_ =	shalt  }
0x56: {  	_ =	shalt  }
0x57: {  	_ =	shalt  }
0x58: {  	_ =	shalt  }
0x59: {  	_ =	shalt  }
0x5a: {  	_ =	shalt  }
0x5b: {  	_ =	shalt  }
0x5c: {  	_ =	shalt  }
0x5d: {  	_ =	shalt  }
0x5e: {  	_ =	shalt  }
0x5f: {  	_ =	shalt  }
0x60: {  	_ =	shalt  }
0x61: {  	_ =	shalt  }
0x62: {  	_ =	shalt  }
0x63: {  	_ =	shalt  }
0x64: {  	_ =	shalt  }
0x65: {  	_ =	shalt  }
0x66: {  	_ =	shalt  }
0x67: {  	_ =	shalt  }
0x68: {  	_ =	shalt  }
0x69: {  	_ =	shalt  }
0x6a: {  	_ =	shalt  }
0x6b: {  	_ =	shalt  }
0x6c: {  	_ =	shalt  }
0x6d: {  	_ =	shalt  }
0x6e: {  	_ =	shalt  }
0x6f: {  	_ =	shalt  }
0x70: {  	_ =	shalt  }
0x71: {  	_ =	shalt  }
0x72: {  	_ =	shalt  }
0x73: {  	_ =	shalt  }
0x74: {  	_ =	shalt  }
0x75: {  	_ =	shalt  }
0x76: {  	_ =	shalt  }
0x77: {  	_ =	shalt  }
0x78: {  	_ =	shalt  }
0x79: {  	_ =	shalt  }
0x7a: {  	_ =	shalt  }
0x7b: {  	_ =	shalt  }
0x7c: {  	_ =	shalt  }
0x7d: {  	_ =	shalt  }
0x7e: {  	_ =	shalt  }
0x7f: {  	_ =	shalt  }
0x80: {  	_ =	shalt  }
0x81: {  	_ =	shalt  }
0x82: {  	_ =	shalt  }
0x83: {  	_ =	shalt  }
0x84: {  	_ =	shalt  }
0x85: {  	_ =	shalt  }
0x86: {  	_ =	shalt  }
0x87: {  	_ =	shalt  }
.Lfunc_end0:
.L_simem_size_0:
called_computation_lowered:
.L_overlay_start_0:
0x88: {  	s2 =	sld [smem:$0x3FD9]  }
0x89: {  	s3 =	sld [smem:$0x3FFE];
	_ =	sdelay $0x1  }
0x8a: {  	s1 =	srdreg.scid  }
0x8b: {  	s0 =	sand.u32 $0x1, s1  }
0x8c: {  	s17 =	sshll.u32 s0, $0xA;
	s2 =	sadd.s32 s3, s2  }
0x8d: {  	s2 =	sadd.s32 s2, s17  }
0x8e: {  	[smem:$0x3FBA] =	sst s2  }
0x8f: {  	_ = 	snop  }
0x90: {  	s18 =	sld [smem:$0x3FC0];
	(tm) =	ssettm $0x1  }
0x91: {  	s19 =	sld [smem:$0x3FFB];
	_ =	sdelay $0x3  }
0x92: {  	_ =	strace s19  }
0x93: {  	s2 =	sld [smem:$0x3FFC];
	_ =	sdelay $0x3  }
0x94: {  	_ =	strace s2  }
0x95: {  	s2 =	sld [smem:$0x3FFD];
	_ =	sdelay $0x3  }
0x96: {  	_ =	strace s2  }
0x97: {  	_ =	strace $0x8FFFFFFF  }
0x98: {  	s20 =	sld [smem:$0x3FDB];
	_ =	sdelay $0x1  }
0x99: {  	s4 =	simm.s32 $_scs_section_size  }
0x9a: {  	s5 =	simm.s32 $_size__tile_overlayer_lowered;
	s6 =	simm.s32 $_tile_overlayer_lowered  }
0x9b: {  	s7 =	simm.s32 $0x1BFF;
	s21 =	sshll.u32 s6, $0x1;
	s4 =	sadd.s32 s4, s20  }
0x9c: {  	s22 =	simm.s32 $0x0;
	s5 =	sshll.u32 s5, $0x1;
	s6 =	sadd.s32 s21, s4  }
0x9d: {  	[timem:s22], [sflag:s7] =	dma.local [hbm:s6], s5  }
0x9e: {  	_ =	swait.ge [sflag:s7], s5  }
0x9f: {  	s5 =	ssub.s32 $0x0, s5;
	[sflag:s7] =	ssyncset.done $0x0  }
0xa0: {  	[sflag:s7] =	ssyncadd.s32 s5;
	_ =	sdelay $0x1  }
0xa1: {  	s23 =	simm.s32 $0x1B8B  }
0xa2: {  	_ =	swait.ge [sflag:s23], $0x1  }
0xa3: {  	[sflag:s23] =	ssyncset.done $0x0  }
0xa4: {  	[sflag:s23] =	ssyncadd.s32 $0xFFFFFFFF  }
0xa5: {  	s5 =	sld [smem:$0x0]  }
0xa6: {  	s6 =	sand.u32 $0xFFFFFFFE, s1  }
0xa7: {  	p0 =	sne.s32 s1, s6  }
0xa8: {  	s6 =	sshll.u32 @p0 s6, $0xE  }
0xa9: {  	s6 =	sadd.s32 @p0 $0x11B8D, s6;
	s7 =	sshll.u32 @p0 s5, $0x11  }
0xaa: {  	s6 =	sor.u32 @p0 s7, s6  }
0xab: {  	[sflag:s6] =	ssyncadd.remote.s32 @p0 $0x1;
	_ =	sdelay $0x1  }
0xac: {  	s6 =	simm.s32 @p0 $0x1B8D  }
0xad: {  	_ =	swait.eq @p0 [sflag:s6], $0x1  }
0xae: {  	[sflag:s6] =	ssyncadd.s32 @p0 $0xFFFFFFFF  }
0xaf: {  	s7 =	sshll.u32 @!p0 s1, $0xE  }
0xb0: {  	s7 =	sor.u32 @!p0 $0x4000, s7;
	s6 =	simm.s32 @!p0 $0x1B8D  }
0xb1: {  	s5 =	sshll.u32 @!p0 s5, $0x11;
	s7 =	sadd.s32 @!p0 $0x11B8D, s7;
	_ =	swait.eq @!p0 [sflag:s6], $0x1  }
0xb2: {  	s5 =	sor.u32 @!p0 s5, s7;
	[sflag:s6] =	ssyncadd.s32 @!p0 $0xFFFFFFFF  }
0xb3: {  	s25 =	simm.s32 $0x1B8E;
	s24 =	sld [smem:$0x3FFE];
	[sflag:s5] =	ssyncadd.remote.s32 @!p0 $0x1  }
0xb4: {  	s26 =	simm.s32 $execute0_lowered;
	[smem:$0x3FD2] =	sst s25  }
0xb5: {  	s6 =	sshll.u32 s26, $0x1;
	_ =	strace $0x80000058;
	[dreg:$0x1] =	wrdreg $0xFFFFFFFF  }
0xb6: {  	s28 =	simm.s32 $_size_execute0_lowered;
	s4 =	sadd.s32 s4, s6;
	[dreg:$0x0] =	wrdreg $0x0  }
0xb7: {  	s6 =	sshll.u32 s28, $0x1;
	[dreg:$0x2] =	wrdreg s4  }
0xb8: {  	[dreg:$0x3] =	wrdreg s6  }
0xb9: {  	[dreg:$0x4] =	wrdreg $0xC0  }
0xba: {  	_ =	task [dreg:s22], $0x5FFFF  }
0xbb: {  	[dreg:$0x1] =	wrdreg $0xFFFFFFFF  }
0xbc: {  	[dreg:$0x0] =	wrdreg $0x60  }
0xbd: {  	[dreg:$0x2] =	wrdreg s18  }
0xbe: {  	[dreg:$0x3] =	wrdreg s24  }
0xbf: {  	[dreg:$0x4] =	wrdreg $0x9  }
0xc0: {  	_ =	task.clear_ibuf [dreg:s22], $0x5FFFF;
	_ =	strace $0x90000058  }
0xc1: {  	s29 =	simm.s32 $0x9;
	_ =	strace $0x8000005A  }
0xc2: {  	_ =	swait.ge [sflag:s29], $0x1  }
0xc3: {  	[sflag:s29] =	ssyncadd.s32 $0xFFFFFFFF  }
0xc4: {  	_ =	strace $0x9000005A  }
0xc5: {  	_ =	sfence  }
0xc6: {  	s30 =	sld [smem:$0x0];
	_ =	sdelay $0x2  }
0xc7: {  	s31 =	sshll.u32 s1, $0xD;
	s1 =	sshrl.u32 s1, $0x2  }
0xc8: {  	s4 =	sand.u32 $0x4000, s31;
	s1 =	sadd.s32 s1, s30  }
0xc9: {  	s0 =	sor.u32 s4, s0;
	s1 =	sshll.u32 s1, $0x11  }
0xca: {  	s0 =	sor.u32 s1, s0  }
0xcb: {  	s0 =	sadd.s32 $0x8F2B, s0  }
0xcc: {  	[sflag:s0] =	ssyncadd.remote.s32 $0x1  }
0xcd: {  	_ =	sfence.sel $0xFFFF  }
0xce: {  	[dreg:$0x0] =	wrdreg $0xFFFFFFFF;
	(pc) =	sbr.abs _section_cstart, $3  }
0xcf: {  	[dreg:$0x1] =	wrdreg $0xFFFFFFFF  }
0xd0: {  	_ =	task.clear_ibuf [dreg:s22], $0x2FFFF;
	_ =	strace $0x9FFFFFFF  }
0xd1: {  	(tm) =	ssettm $0x7FFFFFFF  }
tec
execute0_lowered:
.L_overlay_start_1:
0x0: {  	(tag) =	ssettag $0x1  }
0x1: {  	s1 =	srdreg.scid;
	s2 =	rddreg [dreg:$0x0]  }
0x2: {  	s0 =	stileid.u32;
	s5 =	rddreg [dreg:$0x1];
	s6 =	simm.s32 $0x1  }
0x3: {  	s9 =	simm.s32 $0x1;
	s10 =	simm.s32 $0x3;
	s1 =	sshll.u32 s1, $0x9  }
0x4: {  	s13 =	simm.s32 $0x0;
	s3 =	sshll.u32 s0, $0xA;
	s4 =	sand.u32 $0x200, s1  }
0x5: {  	s12 =	simm.s32 $0x0;
	s1 =	rddreg [dreg:$0x2];
	s3 =	sor.u32 s3, s4  }
0x6: {  	_ =	strace $0x80000059;
	s4 =	sadd.s32 $0x85200, s5;
	s8 =	ssub.s32 $0x8000, s3  }
.Ltmp0:
0x7: {  	s5 =	sadd.s32 $0x8FA00, s5;
	s7 =	sand.u32 $0x3E00, s8;
	(pc) =	sbr.rel .LBB2_1-.Ltmp0, $4  }
0x8: {  	[sflag:s6] =	ssyncpa.u1 $0x0;
	s11 =	smov.u32 s3;
	p0 =	sne.s32 s7, $0x0  }
0x9: {  	s8 =	sshrl.u32 s8, $0xE;
	s7 =	simm.s32 $0x2;
	s9 =	simm.s32 @!p0 $0x0  }
0xa: {  	[sflag:s7] =	ssyncpa.u1 $0x0;
	p0 =	por $0x0, $0x0;
	s8 =	sadd.s32 s9, s8  }
0xb: {  	vm0 =	vmmov $0xffff;
	[sflag:s10] =	ssyncpa.u1 $0x0;
	s10 =	simm.s32 $0x0;
	s9 =	sadd.s32 $0x1, s8  }
.LBB2_4:
0xc: {  	v2 =	vnsel vm1, $0x0, v2  }
0xd: {  	vm1 =	vgt.s32 v0, $0x0;
	v2 =	vmin.u32 v2, $0x7FFF  }
0xe: {  	v0 =	vnsel vm1, $0x0, v0  }
0xf: {  	v0 =	vmin.u32 v0, $0x7FFF  }
0x10: {  	[tilespmem:s15], [sflag:$0x1] =	stream.indirect_vreg.gather [hbm4b:s2+s10], $0x1, v1, vm0, $0x4038;
	[tilespmem:$0x800] =	vst v63  }
0x11: {  	(ifvalue) =	ssetifvalue $0x7FFFFFFF  }
0x12: {  	[tilespmem:s16], [sflag:$0x1] =	stream.indirect_vreg.gather [hbm4b:s2+s10], $0x1, v2, vm0, $0x4038;
	[tilespmem:$0x800] =	vst v63  }
0x13: {  	s29 =	sadd.s32 $0x10, s16;
	(ifvalue) =	ssetifvalue $0x7FFFFFFF  }
0x14: {  	[tilespmem:s29], [sflag:$0x1] =	stream.indirect_vreg.gather [hbm4b:s2+s10], $0x1, v0, vm0, $0x4038;
	[tilespmem:$0x800] =	vst v63  }
0x15: {  	_ =	swait.ge [sflag:s6], $0x200  }
0x16: {  	s30 =	sshrl.u32 s13, $0x3;
	[sflag:s6] =	ssyncset.done $0x0  }
0x17: {  	s31 =	sand.u32 $0x7, s13;
	s15 =	sadd.s32 s5, s30;
	[sflag:s6] =	ssyncadd.s32 $0xFFFFFE00  }
0x18: {  	[hbm4b:s15+s31] =	stream.linear.scatter [tilespmem:s14], [sflag:$0x3], $0x200, $0x38;
	[tilespmem:$0x800] =	vst v63  }
.LBB2_5:
0x19: {  	s15 =	sadd.s32 $0x4000, s11  }
0x1a: {  	p2 =	sgt.s32 s15, $0x7FFF  }
0x1b: {  	s15 =	smov.u32 @p2 s3;
	p2 =	sne.s32 s12, s9  }
.Ltmp1:
0x1c: {  	p1 =	slt.u32 s12, $0x2;
	(pc) =	sbr.rel @!p2 .LBB2_6-.Ltmp1, $4  }
0x1d: {  	s14 =	simm.s32 @!p1 $0x3  }
0x1e: {  	s16 =	sadd.s32 $0x1, s12;
	_ =	swait.ge @!p1 [sflag:s14], $0x200  }
0x1f: {  	s13 =	smov.u32 s11;
	p0 =	por !p0, !p0;
	[sflag:s14] =	ssyncset.done @!p1 $0x0  }
0x20: {  	s12 =	smov.u32 s16;
	s11 =	smov.u32 s15;
	[sflag:s14] =	ssyncadd.s32 @!p1 $0xFFFFFE00  }
.LBB2_1:
0x21: {  	p1 =	sge.u32 s12, s8  }
0x22: {  	s14 =	sxor.u32 @!p1 $0xFFFFFFFF, s12  }
0x23: {  	s31 =	sadd.s32 $0xFFFFFFFF, s12;
	s15 =	sshrl.u32 @!p1 s11, $0x3;
	s14 =	sshll.u32 @!p1 s14, $0x9  }
0x24: {  	s16 =	sand.u32 @!p1 $0x7, s11;
	s15 =	sadd.s32 @!p1 s4, s15;
	s14 =	sand.u32 @!p1 $0x200, s14  }
0x25: {  	[tilespmem:s14], [sflag:$0x2] =	stream.linear.gather @!p1 [hbm4b:s15+s16], $0x200, $0x38;
	[tilespmem:$0x800] =	vst v63  }
0x26: {  	p1 =	sge.u32 s31, s8  }
.Ltmp2:
0x27: {  	_ = 	snop;
	(pc) =	sbr.rel @p1 .LBB2_5-.Ltmp2, $1  }
0x28: {  	_ =	sdelay $0x3  }
0x29: {  	s14 =	simm.s32 $0x1  }
0x2a: {  	_ =	swait.ge [sflag:s7], $0x200;
	s14 =	simm.s32 @!p0 $0x0  }
0x2b: {  	[sflag:s7] =	ssyncset.done $0x0;
	s14 =	sshll.u32 s14, $0x9  }
0x2c: {  	[sflag:s7] =	ssyncadd.s32 $0xFFFFFE00;
	(ifvalue) =	ssetifvalue $0x7FFFFFFF;
	v0 =	vld.msk [tilespmem:s14+$0x0 ss:$0x1], $0xffff;
	_ =	sdelay $0x4  }
0x2d: {  	s15 =	sadd.s32 $0x10, s14;
	vm1 =	vgt.s32 v0, $0x0  }
0x2e: {  	v2 =	vld.msk [tilespmem:s15+$0x0 ss:$0x1], $0xffff;
	v1 =	vnsel vm1, $0x0, v0  }
0x2f: {  	v1 =	vmin.u32 v1, $0x7FFF;
	_ =	sdelay $0x1  }
0x30: {  	s16 =	sshll.u32 s12, $0x9;
	s18 =	simm.s32 $0x20  }
0x31: {  	s16 =	sand.u32 $0x200, s16;
	s17 =	sadd.s32 $0x10, s15;
	s15 =	sor.u32 $0x400, s14  }
0x32: {  	s14 =	sor.u32 $0x400, s16;
	s16 =	sadd.s32 $0x10, s15;
	v0 =	vld.msk [tilespmem:s17+$0x0 ss:$0x1], $0xffff;
	vm1 =	vgt.s32 v2, $0x0;
	(ifvalue) =	ssetifvalue $0x7FFFFFFF  }
.LBB2_3:
0x33: {  	[tilespmem:s15], [sflag:$0x1] =	stream.indirect_vreg.gather [hbm4b:s2+s10], $0x1, v1, vm0, $0x4038;
	[tilespmem:$0x800] =	vst v63  }
0x34: {  	s18 =	sadd.s32 $0x10, s18  }
0x35: {  	v2 =	vnsel vm1, $0x0, v2;
	p1 =	slt.u32 s18, $0x1F0  }
.Ltmp3:
0x36: {  	s15 =	smov.u32 s16;
	v1 =	vmin.u32 v2, $0x7FFF;
	(pc) =	sbr.rel @p1 .LBB2_3-.Ltmp3, $3  }
0x37: {  	_ =	sdelay $0x1  }
0x38: {  	s17 =	sadd.s32 $0x10, s17  }
0x39: {  	vm1 =	vgt.s32 v0, $0x0;
	s16 =	sadd.s32 $0x10, s16;
	v2 =	vmov v0;
	(ifvalue) =	ssetifvalue $0x7FFFFFFF;
	v0 =	vld.msk [tilespmem:s17+$0x0 ss:$0x1], $0xffff  }
.Ltmp4:
0x3a: {  	_ = 	snop;
	(pc) =	sbr.rel .LBB2_4-.Ltmp4, $1  }
0x3b: {  	_ =	sdelay $0x3  }
.LBB2_6:
0x3c: {  	_ =	sfence.sel $0x180000  }
0x3d: {  	s2 =	simm.s32 $0x2;
	[bflag:$0x0] =	sbarrier.arrive $0xFFFF  }
0x3e: {  	s30 =	simm.s32 $0x3;
	[sflag:s2] =	ssyncpa.u1 $0x1  }
0x3f: {  	s31 =	simm.s32 $0x1;
	[sflag:s30] =	ssyncpa.u1 $0x1  }
0x40: {  	[sflag:s31] =	ssyncpa.u1 $0x1  }
0x41: {  	p0 =	sne.s32 s0, $0x0;
	_ =	strace $0x90000059  }
0x42: {  	s0 =	sadd.s32 @!p0 $0x100000, s1;
	[bflag:$0x2] =	sbarrier.arrive $0xFFFF  }
0x43: {  	[sflag:s0] =	ssyncadd.tile.s32 @!p0 $0x1;
	_ =	shalt  }
.Lfunc_end2:
_tile_overlayer_lowered:
.L_overlay_start_2:
0x44: {  	(tag) =	ssettag $0x2  }
0x45: {  	s0 =	rddreg [dreg:$0x0];
	s2 =	stileid.u32  }
0x46: {  	s1 =	rddreg [dreg:$0x1];
	p0 =	sne.s32 s2, $0x0  }
0x47: {  	s3 =	rddreg [dreg:$0x2];
	[bflag:$0x3] =	sbarrier.arrive $0xFFFF;
	s2 =	simm.s32 @!p0 $0x1C01  }
0x48: {  	[timem:s3], [sflag:s2] =	dma.local @!p0 [hbm:s0], s1  }
0x49: {  	s0 =	simm.s32 @!p0 $0x1  }
0x4a: {  	_ =	swait.ge @!p0 [sflag:s0], s1  }
0x4b: {  	s1 =	ssub.s32 @!p0 $0x0, s1;
	[sflag:s0] =	ssyncset.done @!p0 $0x0  }
0x4c: {  	[sflag:s0] =	ssyncadd.s32 @!p0 s1  }
0x4d: {  	[bflag:$0x3] =	sbarrier.arrive $0xFFFF  }
0x4e: {  	_ =	shalt  }

</sc_bundles>
